<compile_context>
chip_gen: v7x
topology: tpu7x:2x2x1
jax: 0.10.2.dev20260603
libtpu: 0.0.44.dev20260713+nightly
codegen_flags: <defaults>
</compile_context>

<pallas_src>
import functools

import jax
import jax.numpy as jnp
from jax import lax
from jax.experimental import pallas as pl
from jax.experimental.pallas import tpu as pltpu
from jax.experimental.pallas import tpu_sc as plsc

N = 10000
D = 128
E = 320000

NC = 2
NS = 16
NW = NC * NS
L = 16

CH = 128
CHUNKS = -(-E // (NW * CH))
EPW = CHUNKS * CH
E_PAD = EPW * NW

N_PAD = 10240
RPS = N_PAD // NS

BLK = 2048

_MESH = plsc.VectorSubcoreMesh(core_axis_name="c", subcore_axis_name="s")



@functools.partial(
    pl.kernel,
    out_type=jax.ShapeDtypeStruct((NC, N_PAD, D), jnp.float32),
    mesh=_MESH,
    scratch_types=[
        pltpu.VMEM((CH,), jnp.int32),
        pltpu.VMEM((CH,), jnp.int32),
        pltpu.VMEM((CH,), jnp.int32),
        pltpu.VMEM((CH,), jnp.int32),
        pltpu.VMEM((CH, D), jnp.float32),
        pltpu.VMEM((CH, D), jnp.float32),
        pltpu.VMEM_SHARED((N_PAD, D), jnp.float32),
        pltpu.SemaphoreType.DMA,
        pltpu.SemaphoreType.DMA,
        pltpu.SemaphoreType.DMA,
        pltpu.SemaphoreType.DMA,
        pltpu.SemaphoreType.DMA,
        pltpu.SemaphoreType.DMA,
        pltpu.SemaphoreType.DMA,
    ],
)
def _edge_kernel(y_hbm, src_hbm, dst_hbm, out_hbm, sidx0, sidx1, didx0,
                 didx1, rows0, rows1, acc, semg, semi0, semi1, semd0, semd1,
                 sems0, sems1):
    cid = lax.axis_index("c")
    sid = lax.axis_index("s")
    wid = sid * NC + cid

    rows = (rows0, rows1)
    sring = (sidx0, sidx1)
    dring = (didx0, didx1)
    semi = (semi0, semi1)
    semd = (semd0, semd1)
    sems = (sems0, sems1)

    def sld(k, b):
        pltpu.async_copy(src_hbm.at[pl.ds(wid * EPW + k * CH, CH)], sring[b], semi[b])

    def wait_sld(k, b):
        pltpu.make_async_copy(src_hbm.at[pl.ds(wid * EPW + k * CH, CH)], sring[b], semi[b]).wait()

    def dld(k, b):
        pltpu.async_copy(dst_hbm.at[pl.ds(wid * EPW + k * CH, CH)], dring[b], semd[b])

    def wait_dld(k, b):
        pltpu.make_async_copy(dst_hbm.at[pl.ds(wid * EPW + k * CH, CH)], dring[b], semd[b]).wait()

    def gath(k, b):
        pltpu.async_copy(y_hbm.at[sring[b]], rows[b], semg)

    def wait_gath(k, b):
        pltpu.make_async_copy(y_hbm.at[sring[b]], rows[b], semg).wait()

    def scat(k, b):
        pltpu.async_copy(rows[b], acc.at[dring[b]], sems[b], add=True)

    def wait_scat(k, b):
        pltpu.make_async_copy(rows[b], acc.at[dring[b]], sems[b]).wait()

    sld(0, 0)
    sld(1, 1)
    dld(0, 0)
    dld(1, 1)

    zero16 = jnp.zeros((L,), jnp.float32)

    def zfill(i, c):
        for j in range(D // L):
            rows0[i, pl.ds(j * L, L)] = zero16
        return c

    lax.fori_loop(0, CH, zfill, 0)

    r0 = sid * RPS

    def zblk(t, c):
        pltpu.sync_copy(rows0, acc.at[pl.ds(r0 + t * CH, CH)])
        return c

    lax.fori_loop(0, RPS // CH, zblk, 0)
    plsc.subcore_barrier()

    wait_sld(0, 0)
    gath(0, 0)
    wait_gath(0, 0)
    sld(2, 0)
    wait_sld(1, 1)
    gath(1, 1)
    wait_dld(0, 0)
    scat(0, 0)

    def step(k, b):
        bo = 1 - b
        wait_gath(k, b)
        sld(k + 2, b)
        wait_scat(k - 1, bo)
        dld(k + 1, bo)
        wait_sld(k + 1, bo)
        gath(k + 1, bo)
        wait_dld(k, b)
        scat(k, b)

    def pair(p, c):
        step(2 * p + 1, 1)
        step(2 * p + 2, 0)
        return c

    lax.fori_loop(0, (CHUNKS - 3) // 2, pair, 0)

    k1 = CHUNKS - 2
    wait_gath(k1, 1)
    wait_scat(k1 - 1, 0)
    dld(k1 + 1, 0)
    wait_sld(k1 + 1, 0)
    gath(k1 + 1, 0)
    wait_dld(k1, 1)
    scat(k1, 1)
    k2 = CHUNKS - 1
    wait_gath(k2, 0)
    wait_scat(k2 - 1, 1)
    wait_dld(k2, 0)
    scat(k2, 0)
    wait_scat(k2, 0)

    plsc.subcore_barrier()

    pltpu.sync_copy(acc.at[pl.ds(r0, RPS)], out_hbm.at[cid, pl.ds(r0, RPS)])



def _tc_pre_body(counts_ref, x_ref, w_ref, y_ref, dis_ref):
    c = counts_ref[...]
    deg = c[0, :, 0] + c[1, :, 0] + 1.0
    dis = lax.rsqrt(deg)[:, None]
    xw = jnp.dot(x_ref[...], w_ref[...], preferred_element_type=jnp.float32)
    y_ref[...] = xw * dis
    dis_ref[...] = dis


def _tc_pre(counts, x_p, w):
    grid = (N_PAD // BLK,)
    return pl.pallas_call(
        _tc_pre_body,
        grid=grid,
        in_specs=[
            pl.BlockSpec((NC, BLK, D), lambda i: (0, i, 0)),
            pl.BlockSpec((BLK, D), lambda i: (i, 0)),
            pl.BlockSpec((D, D), lambda i: (0, 0)),
        ],
        out_specs=[
            pl.BlockSpec((BLK, D), lambda i: (i, 0)),
            pl.BlockSpec((BLK, 1), lambda i: (i, 0)),
        ],
        out_shape=[
            jax.ShapeDtypeStruct((N_PAD, D), jnp.float32),
            jax.ShapeDtypeStruct((N_PAD, 1), jnp.float32),
        ],
    )(counts, x_p, w)


def _tc_mid_body(a_ref, y_ref, dis_ref, b_ref, w_ref, y2_ref):
    dis = dis_ref[...]
    t = jnp.tanh(dis * (a_ref[0] + a_ref[1] + y_ref[...]) + b_ref[...])
    y2_ref[...] = jnp.dot(
        t, w_ref[...], preferred_element_type=jnp.float32) * dis


def _tc_mid(a, y, dis, b, w):
    grid = (N_PAD // BLK,)
    return pl.pallas_call(
        _tc_mid_body,
        grid=grid,
        in_specs=[
            pl.BlockSpec((NC, BLK, D), lambda i: (0, i, 0)),
            pl.BlockSpec((BLK, D), lambda i: (i, 0)),
            pl.BlockSpec((BLK, 1), lambda i: (i, 0)),
            pl.BlockSpec((1, D), lambda i: (0, 0)),
            pl.BlockSpec((D, D), lambda i: (0, 0)),
        ],
        out_specs=pl.BlockSpec((BLK, D), lambda i: (i, 0)),
        out_shape=jax.ShapeDtypeStruct((N_PAD, D), jnp.float32),
    )(a, y, dis, b, w)


def _tc_post_body(a_ref, y_ref, dis_ref, b_ref, h_ref):
    h_ref[...] = jnp.tanh(
        dis_ref[...] * (a_ref[0] + a_ref[1] + y_ref[...]) + b_ref[...])


def _tc_post(a, y, dis, b):
    grid = (N_PAD // BLK,)
    return pl.pallas_call(
        _tc_post_body,
        grid=grid,
        in_specs=[
            pl.BlockSpec((NC, BLK, D), lambda i: (0, i, 0)),
            pl.BlockSpec((BLK, D), lambda i: (i, 0)),
            pl.BlockSpec((BLK, 1), lambda i: (i, 0)),
            pl.BlockSpec((1, D), lambda i: (0, 0)),
        ],
        out_specs=pl.BlockSpec((BLK, D), lambda i: (i, 0)),
        out_shape=jax.ShapeDtypeStruct((N_PAD, D), jnp.float32),
    )(a, y, dis, b)



def kernel(x, edge_index, W1, b1, W2, b2):
    n, d = x.shape
    e = edge_index.shape[1]
    src = edge_index[0].astype(jnp.int32)
    dst = edge_index[1].astype(jnp.int32)
    fill = (jnp.arange(E_PAD - e, dtype=jnp.int32) % 64) + n + 1
    src_w = jnp.concatenate([src, fill])
    dst_w = jnp.concatenate([dst, fill])
    x_p = jnp.pad(x, ((0, N_PAD - n), (0, 0)))

    counts = _edge_kernel(jnp.ones((N_PAD, D), jnp.float32), src_w, dst_w)
    y1, dis = _tc_pre(counts, x_p, W1)
    a1 = _edge_kernel(y1, src_w, dst_w)
    y2 = _tc_mid(a1, y1, dis, b1.reshape(1, d), W2)
    a2 = _edge_kernel(y2, src_w, dst_w)
    h = _tc_post(a2, y2, dis, b2.reshape(1, d))
    return (h[:n], x)

# --- scband reference (transcript-rebuilt; emitter-appended) ---
"""Pipeline reference for scband-gcnencoder-59931973648610 (READ-ONLY COPY).

The authoritative reference and input builder live on the scoring server;
editing this copy changes nothing except your own understanding.
"""

import jax, jax.numpy as jnp
import numpy as np

N_NODES = 10000
N_EDGES = 320000
D = 128

def setup_inputs(seed: int = 0) -> dict:
    key = jax.random.key(seed)
    k1, k2, k3, k4, k5, k6 = jax.random.split(key, 6)
    x = jax.random.normal(k1, (N_NODES, D), dtype=jnp.float32)
    edge_index = jax.random.randint(k2, (2, N_EDGES), 0, N_NODES, dtype=jnp.int64)
    scale = 1.0 / np.sqrt(D)
    W1 = jax.random.normal(k3, (D, D), dtype=jnp.float32) * scale
    b1 = jnp.zeros((D,), dtype=jnp.float32)
    W2 = jax.random.normal(k4, (D, D), dtype=jnp.float32) * scale
    b2 = jnp.zeros((D,), dtype=jnp.float32)
    return {"x": x, "edge_index": edge_index, "W1": W1, "b1": b1, "W2": W2, "b2": b2}

def gcn_conv(x, src, dst, W, b, num_nodes):
    # GCNConv: x' = D^{-1/2} (A + I) D^{-1/2} X W + b
    loop = jnp.arange(num_nodes, dtype=src.dtype)
    src_f = jnp.concatenate([src, loop])
    dst_f = jnp.concatenate([dst, loop])
    deg = jnp.zeros((num_nodes,), dtype=x.dtype).at[dst_f].add(1.0)
    deg_inv_sqrt = jnp.where(deg > 0, jax.lax.rsqrt(deg), 0.0)
    norm = deg_inv_sqrt[src_f] * deg_inv_sqrt[dst_f]
    xw = x @ W
    msgs = jnp.take(xw, src_f, axis=0) * norm[:, None]
    out = jnp.zeros_like(xw).at[dst_f].add(msgs)
    return out + b

def reference(x, edge_index, W1, b1, W2, b2):
    num_nodes = x.shape[0]
    src = edge_index[0]
    dst = edge_index[1]
    init_embeds = x  # disable_init_embedding=True -> nn.Identity
    h = jnp.tanh(gcn_conv(init_embeds, src, dst, W1, b1, num_nodes))
    h = jnp.tanh(gcn_conv(h, src, dst, W2, b2, num_nodes))
    return (h, init_embeds)

if __name__ == "__main__":
    import jax
    _d = setup_inputs()
    print(jax.jit(kernel)(*tuple(_d.values())))

</pallas_src>

<mosaic_0001>
#map = affine_map<(d0, d1) -> (0, 0)>
#map1 = affine_map<(d0, d1) -> (0)>
#map2 = affine_map<(d0, d1) -> (0, 0, 0)>
module attributes {stable_mosaic.version = 14 : i64} {
  func.func @_edge_kernel(%arg0: i32, %arg1: i32, %arg2: memref<10240x128xf32, #tpu.memory_space<hbm>>, %arg3: memref<323584xi32, #tpu.memory_space<hbm>>, %arg4: memref<323584xi32, #tpu.memory_space<hbm>>, %arg5: memref<2x10240x128xf32, #tpu.memory_space<hbm>>, %arg6: memref<128xi32, #tpu.memory_space<vmem>>, %arg7: memref<128xi32, #tpu.memory_space<vmem>>, %arg8: memref<128xi32, #tpu.memory_space<vmem>>, %arg9: memref<128xi32, #tpu.memory_space<vmem>>, %arg10: memref<128x128xf32, #tpu.memory_space<vmem>>, %arg11: memref<128x128xf32, #tpu.memory_space<vmem>>, %arg12: memref<10240x128xf32, #tpu.memory_space<vmem_shared>>, %arg13: memref<!tpu.dma_semaphore, #tpu.memory_space<semaphore_mem>>, %arg14: memref<!tpu.dma_semaphore, #tpu.memory_space<semaphore_mem>>, %arg15: memref<!tpu.dma_semaphore, #tpu.memory_space<semaphore_mem>>, %arg16: memref<!tpu.dma_semaphore, #tpu.memory_space<semaphore_mem>>, %arg17: memref<!tpu.dma_semaphore, #tpu.memory_space<semaphore_mem>>, %arg18: memref<!tpu.dma_semaphore, #tpu.memory_space<semaphore_mem>>, %arg19: memref<!tpu.dma_semaphore, #tpu.memory_space<semaphore_mem>>) attributes {dimension_semantics = [#tpu.dimension_semantics<core_parallel>, #tpu.dimension_semantics<subcore_parallel>], iteration_bounds = array<i64: 2, 16>, scalar_prefetch = 0 : i64, scratch_operands = 14 : i64, tpu.core_type = #tpu.core_type<sc_vector_subcore>, window_params = [{transform_indices = #map}, {transform_indices = #map1}, {transform_indices = #map1}, {transform_indices = #map2}]} {
    %mul3A = arith.constant 2 : i32
    %mul3A_0 = arith.muli %arg1, %mul3A : i32
    %add3A = arith.addi %mul3A_0, %arg0 : i32
    %mul3A_1 = arith.constant 10112 : i32
    %mul3A_2 = arith.muli %add3A, %mul3A_1 : i32
    %add3A_3 = arith.constant 0 : i32
    %add3A_4 = arith.addi %mul3A_2, %add3A_3 : i32
    %dma_start3A = tpu.memref_slice %arg3[%add3A_4] : memref<323584xi32, #tpu.memory_space<hbm>> -> memref<128xi32, #tpu.memory_space<hbm>>
    %dma_start3A_5 = tpu.memref_slice %arg3[%add3A_4] : memref<323584xi32, #tpu.memory_space<hbm>> -> memref<128xi32, #tpu.memory_space<hbm>>
    tpu.enqueue_dma source(%dma_start3A_5 : memref<128xi32, #tpu.memory_space<hbm>>) target(%arg6 : memref<128xi32, #tpu.memory_space<vmem>>) target_semaphore(%arg14 : memref<!tpu.dma_semaphore, #tpu.memory_space<semaphore_mem>>)
    %mul3A_6 = arith.constant 10112 : i32
    %mul3A_7 = arith.muli %add3A, %mul3A_6 : i32
    %add3A_8 = arith.constant 128 : i32
    %add3A_9 = arith.addi %mul3A_7, %add3A_8 : i32
    %dma_start3A_10 = tpu.memref_slice %arg3[%add3A_9] : memref<323584xi32, #tpu.memory_space<hbm>> -> memref<128xi32, #tpu.memory_space<hbm>>
    %dma_start3A_11 = tpu.memref_slice %arg3[%add3A_9] : memref<323584xi32, #tpu.memory_space<hbm>> -> memref<128xi32, #tpu.memory_space<hbm>>
    tpu.enqueue_dma source(%dma_start3A_11 : memref<128xi32, #tpu.memory_space<hbm>>) target(%arg7 : memref<128xi32, #tpu.memory_space<vmem>>) target_semaphore(%arg15 : memref<!tpu.dma_semaphore, #tpu.memory_space<semaphore_mem>>)
    %mul3A_12 = arith.constant 10112 : i32
    %mul3A_13 = arith.muli %add3A, %mul3A_12 : i32
    %add3A_14 = arith.constant 0 : i32
    %add3A_15 = arith.addi %mul3A_13, %add3A_14 : i32
    %dma_start3A_16 = tpu.memref_slice %arg4[%add3A_15] : memref<323584xi32, #tpu.memory_space<hbm>> -> memref<128xi32, #tpu.memory_space<hbm>>
    %dma_start3A_17 = tpu.memref_slice %arg4[%add3A_15] : memref<323584xi32, #tpu.memory_space<hbm>> -> memref<128xi32, #tpu.memory_space<hbm>>
    tpu.enqueue_dma source(%dma_start3A_17 : memref<128xi32, #tpu.memory_space<hbm>>) target(%arg8 : memref<128xi32, #tpu.memory_space<vmem>>) target_semaphore(%arg16 : memref<!tpu.dma_semaphore, #tpu.memory_space<semaphore_mem>>)
    %mul3A_18 = arith.constant 10112 : i32
    %mul3A_19 = arith.muli %add3A, %mul3A_18 : i32
    %add3A_20 = arith.constant 128 : i32
    %add3A_21 = arith.addi %mul3A_19, %add3A_20 : i32
    %dma_start3A_22 = tpu.memref_slice %arg4[%add3A_21] : memref<323584xi32, #tpu.memory_space<hbm>> -> memref<128xi32, #tpu.memory_space<hbm>>
    %dma_start3A_23 = tpu.memref_slice %arg4[%add3A_21] : memref<323584xi32, #tpu.memory_space<hbm>> -> memref<128xi32, #tpu.memory_space<hbm>>
    tpu.enqueue_dma source(%dma_start3A_23 : memref<128xi32, #tpu.memory_space<hbm>>) target(%arg9 : memref<128xi32, #tpu.memory_space<vmem>>) target_semaphore(%arg17 : memref<!tpu.dma_semaphore, #tpu.memory_space<semaphore_mem>>)
    %broadcast_in_dim3A = arith.constant 0.000000e+00 : f32
    %broadcast_in_dim3A_24 = vector.broadcast %broadcast_in_dim3A : f32 to vector<16xf32>
    %scan3A = arith.constant 0 : i32
    %scan3A_25 = arith.constant 0 : i32
    %scan3A_26 = arith.constant 128 : i32
    %scan3A_27 = arith.addi %scan3A_25, %scan3A_26 : i32
    %scan3A_28 = arith.constant 1 : i32
    scf.for %scan3A_128 = %scan3A_25 to %scan3A_27 step %scan3A_28  : i32 {
      %swap3A = arith.index_cast %scan3A_128 : i32 to index
      %swap3A_129 = arith.constant 0 : index
      %swap3A_130 = tpu.vector_load %arg10[%swap3A, %swap3A_129] {strides = array<i32>} : memref<128x128xf32, #tpu.memory_space<vmem>>, vector<1x16xf32>,
      %swap3A_131 = vector.shape_cast %swap3A_130 : vector<1x16xf32> to vector<16xf32>
      %swap3A_132 = vector.shape_cast %broadcast_in_dim3A_24 : vector<16xf32> to vector<1x16xf32>
      tpu.vector_store %arg10[%swap3A, %swap3A_129], %swap3A_132 {strides = array<i32>} : memref<128x128xf32, #tpu.memory_space<vmem>>, vector<1x16xf32>,
      %swap3A_133 = arith.index_cast %scan3A_128 : i32 to index
      %swap3A_134 = arith.constant 16 : index
      %swap3A_135 = tpu.vector_load %arg10[%swap3A_133, %swap3A_134] {strides = array<i32>} : memref<128x128xf32, #tpu.memory_space<vmem>>, vector<1x16xf32>,
      %swap3A_136 = vector.shape_cast %swap3A_135 : vector<1x16xf32> to vector<16xf32>
      %swap3A_137 = vector.shape_cast %broadcast_in_dim3A_24 : vector<16xf32> to vector<1x16xf32>
      tpu.vector_store %arg10[%swap3A_133, %swap3A_134], %swap3A_137 {strides = array<i32>} : memref<128x128xf32, #tpu.memory_space<vmem>>, vector<1x16xf32>,
      %swap3A_138 = arith.index_cast %scan3A_128 : i32 to index
      %swap3A_139 = arith.constant 32 : index
      %swap3A_140 = tpu.vector_load %arg10[%swap3A_138, %swap3A_139] {strides = array<i32>} : memref<128x128xf32, #tpu.memory_space<vmem>>, vector<1x16xf32>,
      %swap3A_141 = vector.shape_cast %swap3A_140 : vector<1x16xf32> to vector<16xf32>
      %swap3A_142 = vector.shape_cast %broadcast_in_dim3A_24 : vector<16xf32> to vector<1x16xf32>
      tpu.vector_store %arg10[%swap3A_138, %swap3A_139], %swap3A_142 {strides = array<i32>} : memref<128x128xf32, #tpu.memory_space<vmem>>, vector<1x16xf32>,
      %swap3A_143 = arith.index_cast %scan3A_128 : i32 to index
      %swap3A_144 = arith.constant 48 : index
      %swap3A_145 = tpu.vector_load %arg10[%swap3A_143, %swap3A_144] {strides = array<i32>} : memref<128x128xf32, #tpu.memory_space<vmem>>, vector<1x16xf32>,
      %swap3A_146 = vector.shape_cast %swap3A_145 : vector<1x16xf32> to vector<16xf32>
      %swap3A_147 = vector.shape_cast %broadcast_in_dim3A_24 : vector<16xf32> to vector<1x16xf32>
      tpu.vector_store %arg10[%swap3A_143, %swap3A_144], %swap3A_147 {strides = array<i32>} : memref<128x128xf32, #tpu.memory_space<vmem>>, vector<1x16xf32>,
      %swap3A_148 = arith.index_cast %scan3A_128 : i32 to index
      %swap3A_149 = arith.constant 64 : index
      %swap3A_150 = tpu.vector_load %arg10[%swap3A_148, %swap3A_149] {strides = array<i32>} : memref<128x128xf32, #tpu.memory_space<vmem>>, vector<1x16xf32>,
      %swap3A_151 = vector.shape_cast %swap3A_150 : vector<1x16xf32> to vector<16xf32>
      %swap3A_152 = vector.shape_cast %broadcast_in_dim3A_24 : vector<16xf32> to vector<1x16xf32>
      tpu.vector_store %arg10[%swap3A_148, %swap3A_149], %swap3A_152 {strides = array<i32>} : memref<128x128xf32, #tpu.memory_space<vmem>>, vector<1x16xf32>,
      %swap3A_153 = arith.index_cast %scan3A_128 : i32 to index
      %swap3A_154 = arith.constant 80 : index
      %swap3A_155 = tpu.vector_load %arg10[%swap3A_153, %swap3A_154] {strides = array<i32>} : memref<128x128xf32, #tpu.memory_space<vmem>>, vector<1x16xf32>,
      %swap3A_156 = vector.shape_cast %swap3A_155 : vector<1x16xf32> to vector<16xf32>
      %swap3A_157 = vector.shape_cast %broadcast_in_dim3A_24 : vector<16xf32> to vector<1x16xf32>
      tpu.vector_store %arg10[%swap3A_153, %swap3A_154], %swap3A_157 {strides = array<i32>} : memref<128x128xf32, #tpu.memory_space<vmem>>, vector<1x16xf32>,
      %swap3A_158 = arith.index_cast %scan3A_128 : i32 to index
      %swap3A_159 = arith.constant 96 : index
      %swap3A_160 = tpu.vector_load %arg10[%swap3A_158, %swap3A_159] {strides = array<i32>} : memref<128x128xf32, #tpu.memory_space<vmem>>, vector<1x16xf32>,
      %swap3A_161 = vector.shape_cast %swap3A_160 : vector<1x16xf32> to vector<16xf32>
      %swap3A_162 = vector.shape_cast %broadcast_in_dim3A_24 : vector<16xf32> to vector<1x16xf32>
      tpu.vector_store %arg10[%swap3A_158, %swap3A_159], %swap3A_162 {strides = array<i32>} : memref<128x128xf32, #tpu.memory_space<vmem>>, vector<1x16xf32>,
      %swap3A_163 = arith.index_cast %scan3A_128 : i32 to index
      %swap3A_164 = arith.constant 112 : index
      %swap3A_165 = tpu.vector_load %arg10[%swap3A_163, %swap3A_164] {strides = array<i32>} : memref<128x128xf32, #tpu.memory_space<vmem>>, vector<1x16xf32>,
      %swap3A_166 = vector.shape_cast %swap3A_165 : vector<1x16xf32> to vector<16xf32>
      %swap3A_167 = vector.shape_cast %broadcast_in_dim3A_24 : vector<16xf32> to vector<1x16xf32>
      tpu.vector_store %arg10[%swap3A_163, %swap3A_164], %swap3A_167 {strides = array<i32>} : memref<128x128xf32, #tpu.memory_space<vmem>>, vector<1x16xf32>,
    }
    %scan3A_29 = arith.constant 128 : i32
    %mul3A_30 = arith.constant 640 : i32
    %mul3A_31 = arith.muli %arg1, %mul3A_30 : i32
    %scan3A_32 = arith.constant 0 : i32
    %scan3A_33 = arith.constant 0 : i32
    %scan3A_34 = arith.constant 5 : i32
    %scan3A_35 = arith.addi %scan3A_33, %scan3A_34 : i32
    %scan3A_36 = arith.constant 1 : i32
    scf.for %scan3A_128 = %scan3A_33 to %scan3A_35 step %scan3A_36  : i32 {
      %mul3A_129 = arith.constant 128 : i32
      %mul3A_130 = arith.muli %scan3A_128, %mul3A_129 : i32
      %add3A_131 = arith.addi %mul3A_31, %mul3A_130 : i32
      "tpu.region"() ({
        %run_scoped3A = tpu.sem_alloc : memref<!tpu.dma_semaphore, #tpu.memory_space<semaphore_mem>>
        %dma_start3A_132 = arith.constant 0 : i32
        %dma_start3A_133 = tpu.memref_slice %arg12[%add3A_131, %dma_start3A_132] : memref<10240x128xf32, #tpu.memory_space<vmem_shared>> -> memref<128x128xf32, #tpu.memory_space<vmem_shared>>
        %dma_start3A_134 = arith.constant 0 : i32
        %dma_start3A_135 = tpu.memref_slice %arg12[%add3A_131, %dma_start3A_134] : memref<10240x128xf32, #tpu.memory_space<vmem_shared>> -> memref<128x128xf32, #tpu.memory_space<vmem_shared>>
        tpu.enqueue_dma source(%arg10 : memref<128x128xf32, #tpu.memory_space<vmem>>) target(%dma_start3A_135 : memref<128x128xf32, #tpu.memory_space<vmem_shared>>) target_semaphore(%run_scoped3A : memref<!tpu.dma_semaphore, #tpu.memory_space<semaphore_mem>>)
        %dma_wait3A_136 = arith.constant 0 : i32
        %dma_wait3A_137 = tpu.memref_slice %arg12[%add3A_131, %dma_wait3A_136] : memref<10240x128xf32, #tpu.memory_space<vmem_shared>> -> memref<128x128xf32, #tpu.memory_space<vmem_shared>>
        %dma_wait3A_138 = arith.constant 0 : i32
        %dma_wait3A_139 = tpu.memref_slice %arg12[%add3A_131, %dma_wait3A_138] : memref<10240x128xf32, #tpu.memory_space<vmem_shared>> -> memref<128x128xf32, #tpu.memory_space<vmem_shared>>
        tpu.wait_dma2 semaphore(%run_scoped3A : memref<!tpu.dma_semaphore, #tpu.memory_space<semaphore_mem>>) src(%arg10 : memref<128x128xf32, #tpu.memory_space<vmem>>) dst(%dma_wait3A_139 : memref<128x128xf32, #tpu.memory_space<vmem_shared>>)
        tpu.yield
      }) : () -> ()
    }
    %scan3A_37 = arith.constant 5 : i32
    %barrier3A = arith.constant 0 : index
    tpu.barrier barrier_id(%barrier3A)
    %mul3A_38 = arith.constant 10112 : i32
    %mul3A_39 = arith.muli %add3A, %mul3A_38 : i32
    %add3A_40 = arith.constant 0 : i32
    %add3A_41 = arith.addi %mul3A_39, %add3A_40 : i32
    %dma_wait3A = tpu.memref_slice %arg3[%add3A_41] : memref<323584xi32, #tpu.memory_space<hbm>> -> memref<128xi32, #tpu.memory_space<hbm>>
    %dma_wait3A_42 = tpu.memref_slice %arg3[%add3A_41] : memref<323584xi32, #tpu.memory_space<hbm>> -> memref<128xi32, #tpu.memory_space<hbm>>
    tpu.wait_dma2 semaphore(%arg14 : memref<!tpu.dma_semaphore, #tpu.memory_space<semaphore_mem>>) src(%dma_wait3A_42 : memref<128xi32, #tpu.memory_space<hbm>>) dst(%arg6 : memref<128xi32, #tpu.memory_space<vmem>>)
    %dma_start3A_43 = arith.constant 0 : i32
    %dma_start3A_44 = arith.constant 0 : i32
    %dma_start3A_45 = tpu.memref_slice %arg2[%dma_start3A_43, %dma_start3A_44] : memref<10240x128xf32, #tpu.memory_space<hbm>> -> memref<10240x128xf32, #tpu.memory_space<hbm>>
    tpu.enqueue_indirect_dma source(%dma_start3A_45 : memref<10240x128xf32, #tpu.memory_space<hbm>>) target(%arg10 : memref<128x128xf32, #tpu.memory_space<vmem>>) offsets(%arg6 : memref<128xi32, #tpu.memory_space<vmem>>) semaphore(%arg13 : memref<!tpu.dma_semaphore, #tpu.memory_space<semaphore_mem>>)
    %dma_wait3A_46 = arith.constant 0 : i32
    %dma_wait3A_47 = arith.constant 0 : i32
    %dma_wait3A_48 = tpu.memref_slice %arg2[%dma_wait3A_46, %dma_wait3A_47] : memref<10240x128xf32, #tpu.memory_space<hbm>> -> memref<10240x128xf32, #tpu.memory_space<hbm>>
    tpu.wait_indirect_dma semaphore(%arg13 : memref<!tpu.dma_semaphore, #tpu.memory_space<semaphore_mem>>) src(%dma_wait3A_48 : memref<10240x128xf32, #tpu.memory_space<hbm>>) dst(%arg10 : memref<128x128xf32, #tpu.memory_space<vmem>>)
    %mul3A_49 = arith.constant 10112 : i32
    %mul3A_50 = arith.muli %add3A, %mul3A_49 : i32
    %add3A_51 = arith.constant 256 : i32
    %add3A_52 = arith.addi %mul3A_50, %add3A_51 : i32
    %dma_start3A_53 = tpu.memref_slice %arg3[%add3A_52] : memref<323584xi32, #tpu.memory_space<hbm>> -> memref<128xi32, #tpu.memory_space<hbm>>
    %dma_start3A_54 = tpu.memref_slice %arg3[%add3A_52] : memref<323584xi32, #tpu.memory_space<hbm>> -> memref<128xi32, #tpu.memory_space<hbm>>
    tpu.enqueue_dma source(%dma_start3A_54 : memref<128xi32, #tpu.memory_space<hbm>>) target(%arg6 : memref<128xi32, #tpu.memory_space<vmem>>) target_semaphore(%arg14 : memref<!tpu.dma_semaphore, #tpu.memory_space<semaphore_mem>>)
    %mul3A_55 = arith.constant 10112 : i32
    %mul3A_56 = arith.muli %add3A, %mul3A_55 : i32
    %add3A_57 = arith.constant 128 : i32
    %add3A_58 = arith.addi %mul3A_56, %add3A_57 : i32
    %dma_wait3A_59 = tpu.memref_slice %arg3[%add3A_58] : memref<323584xi32, #tpu.memory_space<hbm>> -> memref<128xi32, #tpu.memory_space<hbm>>
    %dma_wait3A_60 = tpu.memref_slice %arg3[%add3A_58] : memref<323584xi32, #tpu.memory_space<hbm>> -> memref<128xi32, #tpu.memory_space<hbm>>
    tpu.wait_dma2 semaphore(%arg15 : memref<!tpu.dma_semaphore, #tpu.memory_space<semaphore_mem>>) src(%dma_wait3A_60 : memref<128xi32, #tpu.memory_space<hbm>>) dst(%arg7 : memref<128xi32, #tpu.memory_space<vmem>>)
    %dma_start3A_61 = arith.constant 0 : i32
    %dma_start3A_62 = arith.constant 0 : i32
    %dma_start3A_63 = tpu.memref_slice %arg2[%dma_start3A_61, %dma_start3A_62] : memref<10240x128xf32, #tpu.memory_space<hbm>> -> memref<10240x128xf32, #tpu.memory_space<hbm>>
    tpu.enqueue_indirect_dma source(%dma_start3A_63 : memref<10240x128xf32, #tpu.memory_space<hbm>>) target(%arg11 : memref<128x128xf32, #tpu.memory_space<vmem>>) offsets(%arg7 : memref<128xi32, #tpu.memory_space<vmem>>) semaphore(%arg13 : memref<!tpu.dma_semaphore, #tpu.memory_space<semaphore_mem>>)
    %mul3A_64 = arith.constant 10112 : i32
    %mul3A_65 = arith.muli %add3A, %mul3A_64 : i32
    %add3A_66 = arith.constant 0 : i32
    %add3A_67 = arith.addi %mul3A_65, %add3A_66 : i32
    %dma_wait3A_68 = tpu.memref_slice %arg4[%add3A_67] : memref<323584xi32, #tpu.memory_space<hbm>> -> memref<128xi32, #tpu.memory_space<hbm>>
    %dma_wait3A_69 = tpu.memref_slice %arg4[%add3A_67] : memref<323584xi32, #tpu.memory_space<hbm>> -> memref<128xi32, #tpu.memory_space<hbm>>
    tpu.wait_dma2 semaphore(%arg16 : memref<!tpu.dma_semaphore, #tpu.memory_space<semaphore_mem>>) src(%dma_wait3A_69 : memref<128xi32, #tpu.memory_space<hbm>>) dst(%arg8 : memref<128xi32, #tpu.memory_space<vmem>>)
    %dma_start3A_70 = arith.constant 0 : i32
    %dma_start3A_71 = arith.constant 0 : i32
    %dma_start3A_72 = tpu.memref_slice %arg12[%dma_start3A_70, %dma_start3A_71] : memref<10240x128xf32, #tpu.memory_space<vmem_shared>> -> memref<10240x128xf32, #tpu.memory_space<vmem_shared>>
    tpu.enqueue_indirect_dma source(%arg10 : memref<128x128xf32, #tpu.memory_space<vmem>>) target(%dma_start3A_72 : memref<10240x128xf32, #tpu.memory_space<vmem_shared>>) offsets(%arg8 : memref<128xi32, #tpu.memory_space<vmem>>) semaphore(%arg18 : memref<!tpu.dma_semaphore, #tpu.memory_space<semaphore_mem>>) {add = true}
    %scan3A_73 = arith.constant 0 : i32
    %scan3A_74 = arith.constant 0 : i32
    %scan3A_75 = arith.constant 38 : i32
    %scan3A_76 = arith.addi %scan3A_74, %scan3A_75 : i32
    %scan3A_77 = arith.constant 1 : i32
    scf.for %scan3A_128 = %scan3A_74 to %scan3A_76 step %scan3A_77  : i32 {
      %mul3A_129 = arith.constant 2 : i32
      %mul3A_130 = arith.muli %mul3A_129, %scan3A_128 : i32
      %add3A_131 = arith.constant 1 : i32
      %add3A_132 = arith.addi %mul3A_130, %add3A_131 : i32
      %dma_wait3A_133 = arith.constant 0 : i32
      %dma_wait3A_134 = arith.constant 0 : i32
      %dma_wait3A_135 = tpu.memref_slice %arg2[%dma_wait3A_133, %dma_wait3A_134] : memref<10240x128xf32, #tpu.memory_space<hbm>> -> memref<10240x128xf32, #tpu.memory_space<hbm>>
      tpu.wait_indirect_dma semaphore(%arg13 : memref<!tpu.dma_semaphore, #tpu.memory_space<semaphore_mem>>) src(%dma_wait3A_135 : memref<10240x128xf32, #tpu.memory_space<hbm>>) dst(%arg11 : memref<128x128xf32, #tpu.memory_space<vmem>>)
      %add3A_136 = arith.constant 2 : i32
      %add3A_137 = arith.addi %add3A_132, %add3A_136 : i32
      %mul3A_138 = arith.constant 10112 : i32
      %mul3A_139 = arith.muli %add3A, %mul3A_138 : i32
      %mul3A_140 = arith.constant 128 : i32
      %mul3A_141 = arith.muli %add3A_137, %mul3A_140 : i32
      %add3A_142 = arith.addi %mul3A_139, %mul3A_141 : i32
      %dma_start3A_143 = tpu.memref_slice %arg3[%add3A_142] : memref<323584xi32, #tpu.memory_space<hbm>> -> memref<128xi32, #tpu.memory_space<hbm>>
      %dma_start3A_144 = tpu.memref_slice %arg3[%add3A_142] : memref<323584xi32, #tpu.memory_space<hbm>> -> memref<128xi32, #tpu.memory_space<hbm>>
      tpu.enqueue_dma source(%dma_start3A_144 : memref<128xi32, #tpu.memory_space<hbm>>) target(%arg7 : memref<128xi32, #tpu.memory_space<vmem>>) target_semaphore(%arg15 : memref<!tpu.dma_semaphore, #tpu.memory_space<semaphore_mem>>)
      %sub3A = arith.constant 1 : i32
      %sub3A_145 = arith.subi %add3A_132, %sub3A : i32
      %dma_wait3A_146 = arith.constant 0 : i32
      %dma_wait3A_147 = arith.constant 0 : i32
      %dma_wait3A_148 = tpu.memref_slice %arg12[%dma_wait3A_146, %dma_wait3A_147] : memref<10240x128xf32, #tpu.memory_space<vmem_shared>> -> memref<10240x128xf32, #tpu.memory_space<vmem_shared>>
      tpu.wait_indirect_dma semaphore(%arg18 : memref<!tpu.dma_semaphore, #tpu.memory_space<semaphore_mem>>) src(%arg10 : memref<128x128xf32, #tpu.memory_space<vmem>>) dst(%dma_wait3A_148 : memref<10240x128xf32, #tpu.memory_space<vmem_shared>>)
      %add3A_149 = arith.constant 1 : i32
      %add3A_150 = arith.addi %add3A_132, %add3A_149 : i32
      %mul3A_151 = arith.constant 10112 : i32
      %mul3A_152 = arith.muli %add3A, %mul3A_151 : i32
      %mul3A_153 = arith.constant 128 : i32
      %mul3A_154 = arith.muli %add3A_150, %mul3A_153 : i32
      %add3A_155 = arith.addi %mul3A_152, %mul3A_154 : i32
      %dma_start3A_156 = tpu.memref_slice %arg4[%add3A_155] : memref<323584xi32, #tpu.memory_space<hbm>> -> memref<128xi32, #tpu.memory_space<hbm>>
      %dma_start3A_157 = tpu.memref_slice %arg4[%add3A_155] : memref<323584xi32, #tpu.memory_space<hbm>> -> memref<128xi32, #tpu.memory_space<hbm>>
      tpu.enqueue_dma source(%dma_start3A_157 : memref<128xi32, #tpu.memory_space<hbm>>) target(%arg8 : memref<128xi32, #tpu.memory_space<vmem>>) target_semaphore(%arg16 : memref<!tpu.dma_semaphore, #tpu.memory_space<semaphore_mem>>)
      %add3A_158 = arith.constant 1 : i32
      %add3A_159 = arith.addi %add3A_132, %add3A_158 : i32
      %mul3A_160 = arith.constant 10112 : i32
      %mul3A_161 = arith.muli %add3A, %mul3A_160 : i32
      %mul3A_162 = arith.constant 128 : i32
      %mul3A_163 = arith.muli %add3A_159, %mul3A_162 : i32
      %add3A_164 = arith.addi %mul3A_161, %mul3A_163 : i32
      %dma_wait3A_165 = tpu.memref_slice %arg3[%add3A_164] : memref<323584xi32, #tpu.memory_space<hbm>> -> memref<128xi32, #tpu.memory_space<hbm>>
      %dma_wait3A_166 = tpu.memref_slice %arg3[%add3A_164] : memref<323584xi32, #tpu.memory_space<hbm>> -> memref<128xi32, #tpu.memory_space<hbm>>
      tpu.wait_dma2 semaphore(%arg14 : memref<!tpu.dma_semaphore, #tpu.memory_space<semaphore_mem>>) src(%dma_wait3A_166 : memref<128xi32, #tpu.memory_space<hbm>>) dst(%arg6 : memref<128xi32, #tpu.memory_space<vmem>>)
      %add3A_167 = arith.constant 1 : i32
      %add3A_168 = arith.addi %add3A_132, %add3A_167 : i32
      %dma_start3A_169 = arith.constant 0 : i32
      %dma_start3A_170 = arith.constant 0 : i32
      %dma_start3A_171 = tpu.memref_slice %arg2[%dma_start3A_169, %dma_start3A_170] : memref<10240x128xf32, #tpu.memory_space<hbm>> -> memref<10240x128xf32, #tpu.memory_space<hbm>>
      tpu.enqueue_indirect_dma source(%dma_start3A_171 : memref<10240x128xf32, #tpu.memory_space<hbm>>) target(%arg10 : memref<128x128xf32, #tpu.memory_space<vmem>>) offsets(%arg6 : memref<128xi32, #tpu.memory_space<vmem>>) semaphore(%arg13 : memref<!tpu.dma_semaphore, #tpu.memory_space<semaphore_mem>>)
      %mul3A_172 = arith.constant 10112 : i32
      %mul3A_173 = arith.muli %add3A, %mul3A_172 : i32
      %mul3A_174 = arith.constant 128 : i32
      %mul3A_175 = arith.muli %add3A_132, %mul3A_174 : i32
      %add3A_176 = arith.addi %mul3A_173, %mul3A_175 : i32
      %dma_wait3A_177 = tpu.memref_slice %arg4[%add3A_176] : memref<323584xi32, #tpu.memory_space<hbm>> -> memref<128xi32, #tpu.memory_space<hbm>>
      %dma_wait3A_178 = tpu.memref_slice %arg4[%add3A_176] : memref<323584xi32, #tpu.memory_space<hbm>> -> memref<128xi32, #tpu.memory_space<hbm>>
      tpu.wait_dma2 semaphore(%arg17 : memref<!tpu.dma_semaphore, #tpu.memory_space<semaphore_mem>>) src(%dma_wait3A_178 : memref<128xi32, #tpu.memory_space<hbm>>) dst(%arg9 : memref<128xi32, #tpu.memory_space<vmem>>)
      %dma_start3A_179 = arith.constant 0 : i32
      %dma_start3A_180 = arith.constant 0 : i32
      %dma_start3A_181 = tpu.memref_slice %arg12[%dma_start3A_179, %dma_start3A_180] : memref<10240x128xf32, #tpu.memory_space<vmem_shared>> -> memref<10240x128xf32, #tpu.memory_space<vmem_shared>>
      tpu.enqueue_indirect_dma source(%arg11 : memref<128x128xf32, #tpu.memory_space<vmem>>) target(%dma_start3A_181 : memref<10240x128xf32, #tpu.memory_space<vmem_shared>>) offsets(%arg9 : memref<128xi32, #tpu.memory_space<vmem>>) semaphore(%arg19 : memref<!tpu.dma_semaphore, #tpu.memory_space<semaphore_mem>>) {add = true}
      %mul3A_182 = arith.constant 2 : i32
      %mul3A_183 = arith.muli %mul3A_182, %scan3A_128 : i32
      %add3A_184 = arith.constant 2 : i32
      %add3A_185 = arith.addi %mul3A_183, %add3A_184 : i32
      %dma_wait3A_186 = arith.constant 0 : i32
      %dma_wait3A_187 = arith.constant 0 : i32
      %dma_wait3A_188 = tpu.memref_slice %arg2[%dma_wait3A_186, %dma_wait3A_187] : memref<10240x128xf32, #tpu.memory_space<hbm>> -> memref<10240x128xf32, #tpu.memory_space<hbm>>
      tpu.wait_indirect_dma semaphore(%arg13 : memref<!tpu.dma_semaphore, #tpu.memory_space<semaphore_mem>>) src(%dma_wait3A_188 : memref<10240x128xf32, #tpu.memory_space<hbm>>) dst(%arg10 : memref<128x128xf32, #tpu.memory_space<vmem>>)
      %add3A_189 = arith.constant 2 : i32
      %add3A_190 = arith.addi %add3A_185, %add3A_189 : i32
      %mul3A_191 = arith.constant 10112 : i32
      %mul3A_192 = arith.muli %add3A, %mul3A_191 : i32
      %mul3A_193 = arith.constant 128 : i32
      %mul3A_194 = arith.muli %add3A_190, %mul3A_193 : i32
      %add3A_195 = arith.addi %mul3A_192, %mul3A_194 : i32
      %dma_start3A_196 = tpu.memref_slice %arg3[%add3A_195] : memref<323584xi32, #tpu.memory_space<hbm>> -> memref<128xi32, #tpu.memory_space<hbm>>
      %dma_start3A_197 = tpu.memref_slice %arg3[%add3A_195] : memref<323584xi32, #tpu.memory_space<hbm>> -> memref<128xi32, #tpu.memory_space<hbm>>
      tpu.enqueue_dma source(%dma_start3A_197 : memref<128xi32, #tpu.memory_space<hbm>>) target(%arg6 : memref<128xi32, #tpu.memory_space<vmem>>) target_semaphore(%arg14 : memref<!tpu.dma_semaphore, #tpu.memory_space<semaphore_mem>>)
      %sub3A_198 = arith.constant 1 : i32
      %sub3A_199 = arith.subi %add3A_185, %sub3A_198 : i32
      %dma_wait3A_200 = arith.constant 0 : i32
      %dma_wait3A_201 = arith.constant 0 : i32
      %dma_wait3A_202 = tpu.memref_slice %arg12[%dma_wait3A_200, %dma_wait3A_201] : memref<10240x128xf32, #tpu.memory_space<vmem_shared>> -> memref<10240x128xf32, #tpu.memory_space<vmem_shared>>
      tpu.wait_indirect_dma semaphore(%arg19 : memref<!tpu.dma_semaphore, #tpu.memory_space<semaphore_mem>>) src(%arg11 : memref<128x128xf32, #tpu.memory_space<vmem>>) dst(%dma_wait3A_202 : memref<10240x128xf32, #tpu.memory_space<vmem_shared>>)
      %add3A_203 = arith.constant 1 : i32
      %add3A_204 = arith.addi %add3A_185, %add3A_203 : i32
      %mul3A_205 = arith.constant 10112 : i32
      %mul3A_206 = arith.muli %add3A, %mul3A_205 : i32
      %mul3A_207 = arith.constant 128 : i32
      %mul3A_208 = arith.muli %add3A_204, %mul3A_207 : i32
      %add3A_209 = arith.addi %mul3A_206, %mul3A_208 : i32
      %dma_start3A_210 = tpu.memref_slice %arg4[%add3A_209] : memref<323584xi32, #tpu.memory_space<hbm>> -> memref<128xi32, #tpu.memory_space<hbm>>
      %dma_start3A_211 = tpu.memref_slice %arg4[%add3A_209] : memref<323584xi32, #tpu.memory_space<hbm>> -> memref<128xi32, #tpu.memory_space<hbm>>
      tpu.enqueue_dma source(%dma_start3A_211 : memref<128xi32, #tpu.memory_space<hbm>>) target(%arg9 : memref<128xi32, #tpu.memory_space<vmem>>) target_semaphore(%arg17 : memref<!tpu.dma_semaphore, #tpu.memory_space<semaphore_mem>>)
      %add3A_212 = arith.constant 1 : i32
      %add3A_213 = arith.addi %add3A_185, %add3A_212 : i32
      %mul3A_214 = arith.constant 10112 : i32
      %mul3A_215 = arith.muli %add3A, %mul3A_214 : i32
      %mul3A_216 = arith.constant 128 : i32
      %mul3A_217 = arith.muli %add3A_213, %mul3A_216 : i32
      %add3A_218 = arith.addi %mul3A_215, %mul3A_217 : i32
      %dma_wait3A_219 = tpu.memref_slice %arg3[%add3A_218] : memref<323584xi32, #tpu.memory_space<hbm>> -> memref<128xi32, #tpu.memory_space<hbm>>
      %dma_wait3A_220 = tpu.memref_slice %arg3[%add3A_218] : memref<323584xi32, #tpu.memory_space<hbm>> -> memref<128xi32, #tpu.memory_space<hbm>>
      tpu.wait_dma2 semaphore(%arg15 : memref<!tpu.dma_semaphore, #tpu.memory_space<semaphore_mem>>) src(%dma_wait3A_220 : memref<128xi32, #tpu.memory_space<hbm>>) dst(%arg7 : memref<128xi32, #tpu.memory_space<vmem>>)
      %add3A_221 = arith.constant 1 : i32
      %add3A_222 = arith.addi %add3A_185, %add3A_221 : i32
      %dma_start3A_223 = arith.constant 0 : i32
      %dma_start3A_224 = arith.constant 0 : i32
      %dma_start3A_225 = tpu.memref_slice %arg2[%dma_start3A_223, %dma_start3A_224] : memref<10240x128xf32, #tpu.memory_space<hbm>> -> memref<10240x128xf32, #tpu.memory_space<hbm>>
      tpu.enqueue_indirect_dma source(%dma_start3A_225 : memref<10240x128xf32, #tpu.memory_space<hbm>>) target(%arg11 : memref<128x128xf32, #tpu.memory_space<vmem>>) offsets(%arg7 : memref<128xi32, #tpu.memory_space<vmem>>) semaphore(%arg13 : memref<!tpu.dma_semaphore, #tpu.memory_space<semaphore_mem>>)
      %mul3A_226 = arith.constant 10112 : i32
      %mul3A_227 = arith.muli %add3A, %mul3A_226 : i32
      %mul3A_228 = arith.constant 128 : i32
      %mul3A_229 = arith.muli %add3A_185, %mul3A_228 : i32
      %add3A_230 = arith.addi %mul3A_227, %mul3A_229 : i32
      %dma_wait3A_231 = tpu.memref_slice %arg4[%add3A_230] : memref<323584xi32, #tpu.memory_space<hbm>> -> memref<128xi32, #tpu.memory_space<hbm>>
      %dma_wait3A_232 = tpu.memref_slice %arg4[%add3A_230] : memref<323584xi32, #tpu.memory_space<hbm>> -> memref<128xi32, #tpu.memory_space<hbm>>
      tpu.wait_dma2 semaphore(%arg16 : memref<!tpu.dma_semaphore, #tpu.memory_space<semaphore_mem>>) src(%dma_wait3A_232 : memref<128xi32, #tpu.memory_space<hbm>>) dst(%arg8 : memref<128xi32, #tpu.memory_space<vmem>>)
      %dma_start3A_233 = arith.constant 0 : i32
      %dma_start3A_234 = arith.constant 0 : i32
      %dma_start3A_235 = tpu.memref_slice %arg12[%dma_start3A_233, %dma_start3A_234] : memref<10240x128xf32, #tpu.memory_space<vmem_shared>> -> memref<10240x128xf32, #tpu.memory_space<vmem_shared>>
      tpu.enqueue_indirect_dma source(%arg10 : memref<128x128xf32, #tpu.memory_space<vmem>>) target(%dma_start3A_235 : memref<10240x128xf32, #tpu.memory_space<vmem_shared>>) offsets(%arg8 : memref<128xi32, #tpu.memory_space<vmem>>) semaphore(%arg18 : memref<!tpu.dma_semaphore, #tpu.memory_space<semaphore_mem>>) {add = true}
    }
    %scan3A_78 = arith.constant 38 : i32
    %dma_wait3A_79 = arith.constant 0 : i32
    %dma_wait3A_80 = arith.constant 0 : i32
    %dma_wait3A_81 = tpu.memref_slice %arg2[%dma_wait3A_79, %dma_wait3A_80] : memref<10240x128xf32, #tpu.memory_space<hbm>> -> memref<10240x128xf32, #tpu.memory_space<hbm>>
    tpu.wait_indirect_dma semaphore(%arg13 : memref<!tpu.dma_semaphore, #tpu.memory_space<semaphore_mem>>) src(%dma_wait3A_81 : memref<10240x128xf32, #tpu.memory_space<hbm>>) dst(%arg11 : memref<128x128xf32, #tpu.memory_space<vmem>>)
    %dma_wait3A_82 = arith.constant 0 : i32
    %dma_wait3A_83 = arith.constant 0 : i32
    %dma_wait3A_84 = tpu.memref_slice %arg12[%dma_wait3A_82, %dma_wait3A_83] : memref<10240x128xf32, #tpu.memory_space<vmem_shared>> -> memref<10240x128xf32, #tpu.memory_space<vmem_shared>>
    tpu.wait_indirect_dma semaphore(%arg18 : memref<!tpu.dma_semaphore, #tpu.memory_space<semaphore_mem>>) src(%arg10 : memref<128x128xf32, #tpu.memory_space<vmem>>) dst(%dma_wait3A_84 : memref<10240x128xf32, #tpu.memory_space<vmem_shared>>)
    %mul3A_85 = arith.constant 10112 : i32
    %mul3A_86 = arith.muli %add3A, %mul3A_85 : i32
    %add3A_87 = arith.constant 9984 : i32
    %add3A_88 = arith.addi %mul3A_86, %add3A_87 : i32
    %dma_start3A_89 = tpu.memref_slice %arg4[%add3A_88] : memref<323584xi32, #tpu.memory_space<hbm>> -> memref<128xi32, #tpu.memory_space<hbm>>
    %dma_start3A_90 = tpu.memref_slice %arg4[%add3A_88] : memref<323584xi32, #tpu.memory_space<hbm>> -> memref<128xi32, #tpu.memory_space<hbm>>
    tpu.enqueue_dma source(%dma_start3A_90 : memref<128xi32, #tpu.memory_space<hbm>>) target(%arg8 : memref<128xi32, #tpu.memory_space<vmem>>) target_semaphore(%arg16 : memref<!tpu.dma_semaphore, #tpu.memory_space<semaphore_mem>>)
    %mul3A_91 = arith.constant 10112 : i32
    %mul3A_92 = arith.muli %add3A, %mul3A_91 : i32
    %add3A_93 = arith.constant 9984 : i32
    %add3A_94 = arith.addi %mul3A_92, %add3A_93 : i32
    %dma_wait3A_95 = tpu.memref_slice %arg3[%add3A_94] : memref<323584xi32, #tpu.memory_space<hbm>> -> memref<128xi32, #tpu.memory_space<hbm>>
    %dma_wait3A_96 = tpu.memref_slice %arg3[%add3A_94] : memref<323584xi32, #tpu.memory_space<hbm>> -> memref<128xi32, #tpu.memory_space<hbm>>
    tpu.wait_dma2 semaphore(%arg14 : memref<!tpu.dma_semaphore, #tpu.memory_space<semaphore_mem>>) src(%dma_wait3A_96 : memref<128xi32, #tpu.memory_space<hbm>>) dst(%arg6 : memref<128xi32, #tpu.memory_space<vmem>>)
    %dma_start3A_97 = arith.constant 0 : i32
    %dma_start3A_98 = arith.constant 0 : i32
    %dma_start3A_99 = tpu.memref_slice %arg2[%dma_start3A_97, %dma_start3A_98] : memref<10240x128xf32, #tpu.memory_space<hbm>> -> memref<10240x128xf32, #tpu.memory_space<hbm>>
    tpu.enqueue_indirect_dma source(%dma_start3A_99 : memref<10240x128xf32, #tpu.memory_space<hbm>>) target(%arg10 : memref<128x128xf32, #tpu.memory_space<vmem>>) offsets(%arg6 : memref<128xi32, #tpu.memory_space<vmem>>) semaphore(%arg13 : memref<!tpu.dma_semaphore, #tpu.memory_space<semaphore_mem>>)
    %mul3A_100 = arith.constant 10112 : i32
    %mul3A_101 = arith.muli %add3A, %mul3A_100 : i32
    %add3A_102 = arith.constant 9856 : i32
    %add3A_103 = arith.addi %mul3A_101, %add3A_102 : i32
    %dma_wait3A_104 = tpu.memref_slice %arg4[%add3A_103] : memref<323584xi32, #tpu.memory_space<hbm>> -> memref<128xi32, #tpu.memory_space<hbm>>
    %dma_wait3A_105 = tpu.memref_slice %arg4[%add3A_103] : memref<323584xi32, #tpu.memory_space<hbm>> -> memref<128xi32, #tpu.memory_space<hbm>>
    tpu.wait_dma2 semaphore(%arg17 : memref<!tpu.dma_semaphore, #tpu.memory_space<semaphore_mem>>) src(%dma_wait3A_105 : memref<128xi32, #tpu.memory_space<hbm>>) dst(%arg9 : memref<128xi32, #tpu.memory_space<vmem>>)
    %dma_start3A_106 = arith.constant 0 : i32
    %dma_start3A_107 = arith.constant 0 : i32
    %dma_start3A_108 = tpu.memref_slice %arg12[%dma_start3A_106, %dma_start3A_107] : memref<10240x128xf32, #tpu.memory_space<vmem_shared>> -> memref<10240x128xf32, #tpu.memory_space<vmem_shared>>
    tpu.enqueue_indirect_dma source(%arg11 : memref<128x128xf32, #tpu.memory_space<vmem>>) target(%dma_start3A_108 : memref<10240x128xf32, #tpu.memory_space<vmem_shared>>) offsets(%arg9 : memref<128xi32, #tpu.memory_space<vmem>>) semaphore(%arg19 : memref<!tpu.dma_semaphore, #tpu.memory_space<semaphore_mem>>) {add = true}
    %dma_wait3A_109 = arith.constant 0 : i32
    %dma_wait3A_110 = arith.constant 0 : i32
    %dma_wait3A_111 = tpu.memref_slice %arg2[%dma_wait3A_109, %dma_wait3A_110] : memref<10240x128xf32, #tpu.memory_space<hbm>> -> memref<10240x128xf32, #tpu.memory_space<hbm>>
    tpu.wait_indirect_dma semaphore(%arg13 : memref<!tpu.dma_semaphore, #tpu.memory_space<semaphore_mem>>) src(%dma_wait3A_111 : memref<10240x128xf32, #tpu.memory_space<hbm>>) dst(%arg10 : memref<128x128xf32, #tpu.memory_space<vmem>>)
    %dma_wait3A_112 = arith.constant 0 : i32
    %dma_wait3A_113 = arith.constant 0 : i32
    %dma_wait3A_114 = tpu.memref_slice %arg12[%dma_wait3A_112, %dma_wait3A_113] : memref<10240x128xf32, #tpu.memory_space<vmem_shared>> -> memref<10240x128xf32, #tpu.memory_space<vmem_shared>>
    tpu.wait_indirect_dma semaphore(%arg19 : memref<!tpu.dma_semaphore, #tpu.memory_space<semaphore_mem>>) src(%arg11 : memref<128x128xf32, #tpu.memory_space<vmem>>) dst(%dma_wait3A_114 : memref<10240x128xf32, #tpu.memory_space<vmem_shared>>)
    %mul3A_115 = arith.constant 10112 : i32
    %mul3A_116 = arith.muli %add3A, %mul3A_115 : i32
    %add3A_117 = arith.constant 9984 : i32
    %add3A_118 = arith.addi %mul3A_116, %add3A_117 : i32
    %dma_wait3A_119 = tpu.memref_slice %arg4[%add3A_118] : memref<323584xi32, #tpu.memory_space<hbm>> -> memref<128xi32, #tpu.memory_space<hbm>>
    %dma_wait3A_120 = tpu.memref_slice %arg4[%add3A_118] : memref<323584xi32, #tpu.memory_space<hbm>> -> memref<128xi32, #tpu.memory_space<hbm>>
    tpu.wait_dma2 semaphore(%arg16 : memref<!tpu.dma_semaphore, #tpu.memory_space<semaphore_mem>>) src(%dma_wait3A_120 : memref<128xi32, #tpu.memory_space<hbm>>) dst(%arg8 : memref<128xi32, #tpu.memory_space<vmem>>)
    %dma_start3A_121 = arith.constant 0 : i32
    %dma_start3A_122 = arith.constant 0 : i32
    %dma_start3A_123 = tpu.memref_slice %arg12[%dma_start3A_121, %dma_start3A_122] : memref<10240x128xf32, #tpu.memory_space<vmem_shared>> -> memref<10240x128xf32, #tpu.memory_space<vmem_shared>>
    tpu.enqueue_indirect_dma source(%arg10 : memref<128x128xf32, #tpu.memory_space<vmem>>) target(%dma_start3A_123 : memref<10240x128xf32, #tpu.memory_space<vmem_shared>>) offsets(%arg8 : memref<128xi32, #tpu.memory_space<vmem>>) semaphore(%arg18 : memref<!tpu.dma_semaphore, #tpu.memory_space<semaphore_mem>>) {add = true}
    %dma_wait3A_124 = arith.constant 0 : i32
    %dma_wait3A_125 = arith.constant 0 : i32
    %dma_wait3A_126 = tpu.memref_slice %arg12[%dma_wait3A_124, %dma_wait3A_125] : memref<10240x128xf32, #tpu.memory_space<vmem_shared>> -> memref<10240x128xf32, #tpu.memory_space<vmem_shared>>
    tpu.wait_indirect_dma semaphore(%arg18 : memref<!tpu.dma_semaphore, #tpu.memory_space<semaphore_mem>>) src(%arg10 : memref<128x128xf32, #tpu.memory_space<vmem>>) dst(%dma_wait3A_126 : memref<10240x128xf32, #tpu.memory_space<vmem_shared>>)
    %barrier3A_127 = arith.constant 0 : index
    tpu.barrier barrier_id(%barrier3A_127)
    "tpu.region"() ({
      %run_scoped3A = tpu.sem_alloc : memref<!tpu.dma_semaphore, #tpu.memory_space<semaphore_mem>>
      %dma_start3A_128 = arith.constant 0 : i32
      %dma_start3A_129 = tpu.memref_slice %arg5[%arg0, %mul3A_31, %dma_start3A_128] : memref<2x10240x128xf32, #tpu.memory_space<hbm>> -> memref<1x640x128xf32, #tpu.memory_space<hbm>>
      %dma_start3A_130 = tpu.memref_squeeze %dma_start3A_129 : memref<1x640x128xf32, #tpu.memory_space<hbm>> -> memref<640x128xf32, #tpu.memory_space<hbm>>
      %dma_start3A_131 = arith.constant 0 : i32
      %dma_start3A_132 = tpu.memref_slice %arg12[%mul3A_31, %dma_start3A_131] : memref<10240x128xf32, #tpu.memory_space<vmem_shared>> -> memref<640x128xf32, #tpu.memory_space<vmem_shared>>
      tpu.enqueue_dma source(%dma_start3A_132 : memref<640x128xf32, #tpu.memory_space<vmem_shared>>) target(%dma_start3A_130 : memref<640x128xf32, #tpu.memory_space<hbm>>) target_semaphore(%run_scoped3A : memref<!tpu.dma_semaphore, #tpu.memory_space<semaphore_mem>>)
      %dma_wait3A_133 = arith.constant 0 : i32
      %dma_wait3A_134 = tpu.memref_slice %arg5[%arg0, %mul3A_31, %dma_wait3A_133] : memref<2x10240x128xf32, #tpu.memory_space<hbm>> -> memref<1x640x128xf32, #tpu.memory_space<hbm>>
      %dma_wait3A_135 = tpu.memref_squeeze %dma_wait3A_134 : memref<1x640x128xf32, #tpu.memory_space<hbm>> -> memref<640x128xf32, #tpu.memory_space<hbm>>
      %dma_wait3A_136 = arith.constant 0 : i32
      %dma_wait3A_137 = tpu.memref_slice %arg12[%mul3A_31, %dma_wait3A_136] : memref<10240x128xf32, #tpu.memory_space<vmem_shared>> -> memref<640x128xf32, #tpu.memory_space<vmem_shared>>
      tpu.wait_dma2 semaphore(%run_scoped3A : memref<!tpu.dma_semaphore, #tpu.memory_space<semaphore_mem>>) src(%dma_wait3A_137 : memref<640x128xf32, #tpu.memory_space<vmem_shared>>) dst(%dma_wait3A_135 : memref<640x128xf32, #tpu.memory_space<hbm>>)
      tpu.yield
    }) : () -> ()
    return
  }
}

#map = affine_map<(d0, d1) -> (0, 0)>
#map1 = affine_map<(d0, d1) -> (0)>
#map2 = affine_map<(d0, d1) -> (0, 0, 0)>
module attributes {stable_mosaic.version = 14 : i64} {
  func.func @_edge_kernel(%arg0: i32, %arg1: i32, %arg2: memref<10240x128xf32, #tpu.memory_space<hbm>>, %arg3: memref<323584xi32, #tpu.memory_space<hbm>>, %arg4: memref<323584xi32, #tpu.memory_space<hbm>>, %arg5: memref<2x10240x128xf32, #tpu.memory_space<hbm>>, %arg6: memref<128xi32, #tpu.memory_space<vmem>>, %arg7: memref<128xi32, #tpu.memory_space<vmem>>, %arg8: memref<128xi32, #tpu.memory_space<vmem>>, %arg9: memref<128xi32, #tpu.memory_space<vmem>>, %arg10: memref<128x128xf32, #tpu.memory_space<vmem>>, %arg11: memref<128x128xf32, #tpu.memory_space<vmem>>, %arg12: memref<10240x128xf32, #tpu.memory_space<vmem_shared>>, %arg13: memref<!tpu.dma_semaphore, #tpu.memory_space<semaphore_mem>>, %arg14: memref<!tpu.dma_semaphore, #tpu.memory_space<semaphore_mem>>, %arg15: memref<!tpu.dma_semaphore, #tpu.memory_space<semaphore_mem>>, %arg16: memref<!tpu.dma_semaphore, #tpu.memory_space<semaphore_mem>>, %arg17: memref<!tpu.dma_semaphore, #tpu.memory_space<semaphore_mem>>, %arg18: memref<!tpu.dma_semaphore, #tpu.memory_space<semaphore_mem>>, %arg19: memref<!tpu.dma_semaphore, #tpu.memory_space<semaphore_mem>>) attributes {dimension_semantics = [#tpu.dimension_semantics<core_parallel>, #tpu.dimension_semantics<subcore_parallel>], iteration_bounds = array<i64: 2, 16>, scalar_prefetch = 0 : i64, scratch_operands = 14 : i64, tpu.core_type = #tpu.core_type<sc_vector_subcore>, window_params = [{transform_indices = #map}, {transform_indices = #map1}, {transform_indices = #map1}, {transform_indices = #map2}]} {
    %mul3A = arith.constant 2 : i32
    %mul3A_0 = arith.muli %arg1, %mul3A : i32
    %add3A = arith.addi %mul3A_0, %arg0 : i32
    %mul3A_1 = arith.constant 10112 : i32
    %mul3A_2 = arith.muli %add3A, %mul3A_1 : i32
    %add3A_3 = arith.constant 0 : i32
    %add3A_4 = arith.addi %mul3A_2, %add3A_3 : i32
    %dma_start3A = tpu.memref_slice %arg3[%add3A_4] : memref<323584xi32, #tpu.memory_space<hbm>> -> memref<128xi32, #tpu.memory_space<hbm>>
    %dma_start3A_5 = tpu.memref_slice %arg3[%add3A_4] : memref<323584xi32, #tpu.memory_space<hbm>> -> memref<128xi32, #tpu.memory_space<hbm>>
    tpu.enqueue_dma source(%dma_start3A_5 : memref<128xi32, #tpu.memory_space<hbm>>) target(%arg6 : memref<128xi32, #tpu.memory_space<vmem>>) target_semaphore(%arg14 : memref<!tpu.dma_semaphore, #tpu.memory_space<semaphore_mem>>)
    %mul3A_6 = arith.constant 10112 : i32
    %mul3A_7 = arith.muli %add3A, %mul3A_6 : i32
    %add3A_8 = arith.constant 128 : i32
    %add3A_9 = arith.addi %mul3A_7, %add3A_8 : i32
    %dma_start3A_10 = tpu.memref_slice %arg3[%add3A_9] : memref<323584xi32, #tpu.memory_space<hbm>> -> memref<128xi32, #tpu.memory_space<hbm>>
    %dma_start3A_11 = tpu.memref_slice %arg3[%add3A_9] : memref<323584xi32, #tpu.memory_space<hbm>> -> memref<128xi32, #tpu.memory_space<hbm>>
    tpu.enqueue_dma source(%dma_start3A_11 : memref<128xi32, #tpu.memory_space<hbm>>) target(%arg7 : memref<128xi32, #tpu.memory_space<vmem>>) target_semaphore(%arg15 : memref<!tpu.dma_semaphore, #tpu.memory_space<semaphore_mem>>)
    %mul3A_12 = arith.constant 10112 : i32
    %mul3A_13 = arith.muli %add3A, %mul3A_12 : i32
    %add3A_14 = arith.constant 0 : i32
    %add3A_15 = arith.addi %mul3A_13, %add3A_14 : i32
    %dma_start3A_16 = tpu.memref_slice %arg4[%add3A_15] : memref<323584xi32, #tpu.memory_space<hbm>> -> memref<128xi32, #tpu.memory_space<hbm>>
    %dma_start3A_17 = tpu.memref_slice %arg4[%add3A_15] : memref<323584xi32, #tpu.memory_space<hbm>> -> memref<128xi32, #tpu.memory_space<hbm>>
    tpu.enqueue_dma source(%dma_start3A_17 : memref<128xi32, #tpu.memory_space<hbm>>) target(%arg8 : memref<128xi32, #tpu.memory_space<vmem>>) target_semaphore(%arg16 : memref<!tpu.dma_semaphore, #tpu.memory_space<semaphore_mem>>)
    %mul3A_18 = arith.constant 10112 : i32
    %mul3A_19 = arith.muli %add3A, %mul3A_18 : i32
    %add3A_20 = arith.constant 128 : i32
    %add3A_21 = arith.addi %mul3A_19, %add3A_20 : i32
    %dma_start3A_22 = tpu.memref_slice %arg4[%add3A_21] : memref<323584xi32, #tpu.memory_space<hbm>> -> memref<128xi32, #tpu.memory_space<hbm>>
    %dma_start3A_23 = tpu.memref_slice %arg4[%add3A_21] : memref<323584xi32, #tpu.memory_space<hbm>> -> memref<128xi32, #tpu.memory_space<hbm>>
    tpu.enqueue_dma source(%dma_start3A_23 : memref<128xi32, #tpu.memory_space<hbm>>) target(%arg9 : memref<128xi32, #tpu.memory_space<vmem>>) target_semaphore(%arg17 : memref<!tpu.dma_semaphore, #tpu.memory_space<semaphore_mem>>)
    %broadcast_in_dim3A = arith.constant 0.000000e+00 : f32
    %broadcast_in_dim3A_24 = vector.broadcast %broadcast_in_dim3A : f32 to vector<16xf32>
    %scan3A = arith.constant 0 : i32
    %scan3A_25 = arith.constant 0 : i32
    %scan3A_26 = arith.constant 128 : i32
    %scan3A_27 = arith.addi %scan3A_25, %scan3A_26 : i32
    %scan3A_28 = arith.constant 1 : i32
    scf.for %scan3A_128 = %scan3A_25 to %scan3A_27 step %scan3A_28  : i32 {
      %swap3A = arith.index_cast %scan3A_128 : i32 to index
      %swap3A_129 = arith.constant 0 : index
      %swap3A_130 = tpu.vector_load %arg10[%swap3A, %swap3A_129] {strides = array<i32>} : memref<128x128xf32, #tpu.memory_space<vmem>>, vector<1x16xf32>,
      %swap3A_131 = vector.shape_cast %swap3A_130 : vector<1x16xf32> to vector<16xf32>
      %swap3A_132 = vector.shape_cast %broadcast_in_dim3A_24 : vector<16xf32> to vector<1x16xf32>
      tpu.vector_store %arg10[%swap3A, %swap3A_129], %swap3A_132 {strides = array<i32>} : memref<128x128xf32, #tpu.memory_space<vmem>>, vector<1x16xf32>,
      %swap3A_133 = arith.index_cast %scan3A_128 : i32 to index
      %swap3A_134 = arith.constant 16 : index
      %swap3A_135 = tpu.vector_load %arg10[%swap3A_133, %swap3A_134] {strides = array<i32>} : memref<128x128xf32, #tpu.memory_space<vmem>>, vector<1x16xf32>,
      %swap3A_136 = vector.shape_cast %swap3A_135 : vector<1x16xf32> to vector<16xf32>
      %swap3A_137 = vector.shape_cast %broadcast_in_dim3A_24 : vector<16xf32> to vector<1x16xf32>
      tpu.vector_store %arg10[%swap3A_133, %swap3A_134], %swap3A_137 {strides = array<i32>} : memref<128x128xf32, #tpu.memory_space<vmem>>, vector<1x16xf32>,
      %swap3A_138 = arith.index_cast %scan3A_128 : i32 to index
      %swap3A_139 = arith.constant 32 : index
      %swap3A_140 = tpu.vector_load %arg10[%swap3A_138, %swap3A_139] {strides = array<i32>} : memref<128x128xf32, #tpu.memory_space<vmem>>, vector<1x16xf32>,
      %swap3A_141 = vector.shape_cast %swap3A_140 : vector<1x16xf32> to vector<16xf32>
      %swap3A_142 = vector.shape_cast %broadcast_in_dim3A_24 : vector<16xf32> to vector<1x16xf32>
      tpu.vector_store %arg10[%swap3A_138, %swap3A_139], %swap3A_142 {strides = array<i32>} : memref<128x128xf32, #tpu.memory_space<vmem>>, vector<1x16xf32>,
      %swap3A_143 = arith.index_cast %scan3A_128 : i32 to index
      %swap3A_144 = arith.constant 48 : index
      %swap3A_145 = tpu.vector_load %arg10[%swap3A_143, %swap3A_144] {strides = array<i32>} : memref<128x128xf32, #tpu.memory_space<vmem>>, vector<1x16xf32>,
      %swap3A_146 = vector.shape_cast %swap3A_145 : vector<1x16xf32> to vector<16xf32>
      %swap3A_147 = vector.shape_cast %broadcast_in_dim3A_24 : vector<16xf32> to vector<1x16xf32>
      tpu.vector_store %arg10[%swap3A_143, %swap3A_144], %swap3A_147 {strides = array<i32>} : memref<128x128xf32, #tpu.memory_space<vmem>>, vector<1x16xf32>,
      %swap3A_148 = arith.index_cast %scan3A_128 : i32 to index
      %swap3A_149 = arith.constant 64 : index
      %swap3A_150 = tpu.vector_load %arg10[%swap3A_148, %swap3A_149] {strides = array<i32>} : memref<128x128xf32, #tpu.memory_space<vmem>>, vector<1x16xf32>,
      %swap3A_151 = vector.shape_cast %swap3A_150 : vector<1x16xf32> to vector<16xf32>
      %swap3A_152 = vector.shape_cast %broadcast_in_dim3A_24 : vector<16xf32> to vector<1x16xf32>
      tpu.vector_store %arg10[%swap3A_148, %swap3A_149], %swap3A_152 {strides = array<i32>} : memref<128x128xf32, #tpu.memory_space<vmem>>, vector<1x16xf32>,
      %swap3A_153 = arith.index_cast %scan3A_128 : i32 to index
      %swap3A_154 = arith.constant 80 : index
      %swap3A_155 = tpu.vector_load %arg10[%swap3A_153, %swap3A_154] {strides = array<i32>} : memref<128x128xf32, #tpu.memory_space<vmem>>, vector<1x16xf32>,
      %swap3A_156 = vector.shape_cast %swap3A_155 : vector<1x16xf32> to vector<16xf32>
      %swap3A_157 = vector.shape_cast %broadcast_in_dim3A_24 : vector<16xf32> to vector<1x16xf32>
      tpu.vector_store %arg10[%swap3A_153, %swap3A_154], %swap3A_157 {strides = array<i32>} : memref<128x128xf32, #tpu.memory_space<vmem>>, vector<1x16xf32>,
      %swap3A_158 = arith.index_cast %scan3A_128 : i32 to index
      %swap3A_159 = arith.constant 96 : index
      %swap3A_160 = tpu.vector_load %arg10[%swap3A_158, %swap3A_159] {strides = array<i32>} : memref<128x128xf32, #tpu.memory_space<vmem>>, vector<1x16xf32>,
      %swap3A_161 = vector.shape_cast %swap3A_160 : vector<1x16xf32> to vector<16xf32>
      %swap3A_162 = vector.shape_cast %broadcast_in_dim3A_24 : vector<16xf32> to vector<1x16xf32>
      tpu.vector_store %arg10[%swap3A_158, %swap3A_159], %swap3A_162 {strides = array<i32>} : memref<128x128xf32, #tpu.memory_space<vmem>>, vector<1x16xf32>,
      %swap3A_163 = arith.index_cast %scan3A_128 : i32 to index
      %swap3A_164 = arith.constant 112 : index
      %swap3A_165 = tpu.vector_load %arg10[%swap3A_163, %swap3A_164] {strides = array<i32>} : memref<128x128xf32, #tpu.memory_space<vmem>>, vector<1x16xf32>,
      %swap3A_166 = vector.shape_cast %swap3A_165 : vector<1x16xf32> to vector<16xf32>
      %swap3A_167 = vector.shape_cast %broadcast_in_dim3A_24 : vector<16xf32> to vector<1x16xf32>
      tpu.vector_store %arg10[%swap3A_163, %swap3A_164], %swap3A_167 {strides = array<i32>} : memref<128x128xf32, #tpu.memory_space<vmem>>, vector<1x16xf32>,
    }
    %scan3A_29 = arith.constant 128 : i32
    %mul3A_30 = arith.constant 640 : i32
    %mul3A_31 = arith.muli %arg1, %mul3A_30 : i32
    %scan3A_32 = arith.constant 0 : i32
    %scan3A_33 = arith.constant 0 : i32
    %scan3A_34 = arith.constant 5 : i32
    %scan3A_35 = arith.addi %scan3A_33, %scan3A_34 : i32
    %scan3A_36 = arith.constant 1 : i32
    scf.for %scan3A_128 = %scan3A_33 to %scan3A_35 step %scan3A_36  : i32 {
      %mul3A_129 = arith.constant 128 : i32
      %mul3A_130 = arith.muli %scan3A_128, %mul3A_129 : i32
      %add3A_131 = arith.addi %mul3A_31, %mul3A_130 : i32
      "tpu.region"() ({
        %run_scoped3A = tpu.sem_alloc : memref<!tpu.dma_semaphore, #tpu.memory_space<semaphore_mem>>
        %dma_start3A_132 = arith.constant 0 : i32
        %dma_start3A_133 = tpu.memref_slice %arg12[%add3A_131, %dma_start3A_132] : memref<10240x128xf32, #tpu.memory_space<vmem_shared>> -> memref<128x128xf32, #tpu.memory_space<vmem_shared>>
        %dma_start3A_134 = arith.constant 0 : i32
        %dma_start3A_135 = tpu.memref_slice %arg12[%add3A_131, %dma_start3A_134] : memref<10240x128xf32, #tpu.memory_space<vmem_shared>> -> memref<128x128xf32, #tpu.memory_space<vmem_shared>>
        tpu.enqueue_dma source(%arg10 : memref<128x128xf32, #tpu.memory_space<vmem>>) target(%dma_start3A_135 : memref<128x128xf32, #tpu.memory_space<vmem_shared>>) target_semaphore(%run_scoped3A : memref<!tpu.dma_semaphore, #tpu.memory_space<semaphore_mem>>)
        %dma_wait3A_136 = arith.constant 0 : i32
        %dma_wait3A_137 = tpu.memref_slice %arg12[%add3A_131, %dma_wait3A_136] : memref<10240x128xf32, #tpu.memory_space<vmem_shared>> -> memref<128x128xf32, #tpu.memory_space<vmem_shared>>
        %dma_wait3A_138 = arith.constant 0 : i32
        %dma_wait3A_139 = tpu.memref_slice %arg12[%add3A_131, %dma_wait3A_138] : memref<10240x128xf32, #tpu.memory_space<vmem_shared>> -> memref<128x128xf32, #tpu.memory_space<vmem_shared>>
        tpu.wait_dma2 semaphore(%run_scoped3A : memref<!tpu.dma_semaphore, #tpu.memory_space<semaphore_mem>>) src(%arg10 : memref<128x128xf32, #tpu.memory_space<vmem>>) dst(%dma_wait3A_139 : memref<128x128xf32, #tpu.memory_space<vmem_shared>>)
        tpu.yield
      }) : () -> ()
    }
    %scan3A_37 = arith.constant 5 : i32
    %barrier3A = arith.constant 0 : index
    tpu.barrier barrier_id(%barrier3A)
    %mul3A_38 = arith.constant 10112 : i32
    %mul3A_39 = arith.muli %add3A, %mul3A_38 : i32
    %add3A_40 = arith.constant 0 : i32
    %add3A_41 = arith.addi %mul3A_39, %add3A_40 : i32
    %dma_wait3A = tpu.memref_slice %arg3[%add3A_41] : memref<323584xi32, #tpu.memory_space<hbm>> -> memref<128xi32, #tpu.memory_space<hbm>>
    %dma_wait3A_42 = tpu.memref_slice %arg3[%add3A_41] : memref<323584xi32, #tpu.memory_space<hbm>> -> memref<128xi32, #tpu.memory_space<hbm>>
    tpu.wait_dma2 semaphore(%arg14 : memref<!tpu.dma_semaphore, #tpu.memory_space<semaphore_mem>>) src(%dma_wait3A_42 : memref<128xi32, #tpu.memory_space<hbm>>) dst(%arg6 : memref<128xi32, #tpu.memory_space<vmem>>)
    %dma_start3A_43 = arith.constant 0 : i32
    %dma_start3A_44 = arith.constant 0 : i32
    %dma_start3A_45 = tpu.memref_slice %arg2[%dma_start3A_43, %dma_start3A_44] : memref<10240x128xf32, #tpu.memory_space<hbm>> -> memref<10240x128xf32, #tpu.memory_space<hbm>>
    tpu.enqueue_indirect_dma source(%dma_start3A_45 : memref<10240x128xf32, #tpu.memory_space<hbm>>) target(%arg10 : memref<128x128xf32, #tpu.memory_space<vmem>>) offsets(%arg6 : memref<128xi32, #tpu.memory_space<vmem>>) semaphore(%arg13 : memref<!tpu.dma_semaphore, #tpu.memory_space<semaphore_mem>>)
    %dma_wait3A_46 = arith.constant 0 : i32
    %dma_wait3A_47 = arith.constant 0 : i32
    %dma_wait3A_48 = tpu.memref_slice %arg2[%dma_wait3A_46, %dma_wait3A_47] : memref<10240x128xf32, #tpu.memory_space<hbm>> -> memref<10240x128xf32, #tpu.memory_space<hbm>>
    tpu.wait_indirect_dma semaphore(%arg13 : memref<!tpu.dma_semaphore, #tpu.memory_space<semaphore_mem>>) src(%dma_wait3A_48 : memref<10240x128xf32, #tpu.memory_space<hbm>>) dst(%arg10 : memref<128x128xf32, #tpu.memory_space<vmem>>)
    %mul3A_49 = arith.constant 10112 : i32
    %mul3A_50 = arith.muli %add3A, %mul3A_49 : i32
    %add3A_51 = arith.constant 256 : i32
    %add3A_52 = arith.addi %mul3A_50, %add3A_51 : i32
    %dma_start3A_53 = tpu.memref_slice %arg3[%add3A_52] : memref<323584xi32, #tpu.memory_space<hbm>> -> memref<128xi32, #tpu.memory_space<hbm>>
    %dma_start3A_54 = tpu.memref_slice %arg3[%add3A_52] : memref<323584xi32, #tpu.memory_space<hbm>> -> memref<128xi32, #tpu.memory_space<hbm>>
    tpu.enqueue_dma source(%dma_start3A_54 : memref<128xi32, #tpu.memory_space<hbm>>) target(%arg6 : memref<128xi32, #tpu.memory_space<vmem>>) target_semaphore(%arg14 : memref<!tpu.dma_semaphore, #tpu.memory_space<semaphore_mem>>)
    %mul3A_55 = arith.constant 10112 : i32
    %mul3A_56 = arith.muli %add3A, %mul3A_55 : i32
    %add3A_57 = arith.constant 128 : i32
    %add3A_58 = arith.addi %mul3A_56, %add3A_57 : i32
    %dma_wait3A_59 = tpu.memref_slice %arg3[%add3A_58] : memref<323584xi32, #tpu.memory_space<hbm>> -> memref<128xi32, #tpu.memory_space<hbm>>
    %dma_wait3A_60 = tpu.memref_slice %arg3[%add3A_58] : memref<323584xi32, #tpu.memory_space<hbm>> -> memref<128xi32, #tpu.memory_space<hbm>>
    tpu.wait_dma2 semaphore(%arg15 : memref<!tpu.dma_semaphore, #tpu.memory_space<semaphore_mem>>) src(%dma_wait3A_60 : memref<128xi32, #tpu.memory_space<hbm>>) dst(%arg7 : memref<128xi32, #tpu.memory_space<vmem>>)
    %dma_start3A_61 = arith.constant 0 : i32
    %dma_start3A_62 = arith.constant 0 : i32
    %dma_start3A_63 = tpu.memref_slice %arg2[%dma_start3A_61, %dma_start3A_62] : memref<10240x128xf32, #tpu.memory_space<hbm>> -> memref<10240x128xf32, #tpu.memory_space<hbm>>
    tpu.enqueue_indirect_dma source(%dma_start3A_63 : memref<10240x128xf32, #tpu.memory_space<hbm>>) target(%arg11 : memref<128x128xf32, #tpu.memory_space<vmem>>) offsets(%arg7 : memref<128xi32, #tpu.memory_space<vmem>>) semaphore(%arg13 : memref<!tpu.dma_semaphore, #tpu.memory_space<semaphore_mem>>)
    %mul3A_64 = arith.constant 10112 : i32
    %mul3A_65 = arith.muli %add3A, %mul3A_64 : i32
    %add3A_66 = arith.constant 0 : i32
    %add3A_67 = arith.addi %mul3A_65, %add3A_66 : i32
    %dma_wait3A_68 = tpu.memref_slice %arg4[%add3A_67] : memref<323584xi32, #tpu.memory_space<hbm>> -> memref<128xi32, #tpu.memory_space<hbm>>
    %dma_wait3A_69 = tpu.memref_slice %arg4[%add3A_67] : memref<323584xi32, #tpu.memory_space<hbm>> -> memref<128xi32, #tpu.memory_space<hbm>>
    tpu.wait_dma2 semaphore(%arg16 : memref<!tpu.dma_semaphore, #tpu.memory_space<semaphore_mem>>) src(%dma_wait3A_69 : memref<128xi32, #tpu.memory_space<hbm>>) dst(%arg8 : memref<128xi32, #tpu.memory_space<vmem>>)
    %dma_start3A_70 = arith.constant 0 : i32
    %dma_start3A_71 = arith.constant 0 : i32
    %dma_start3A_72 = tpu.memref_slice %arg12[%dma_start3A_70, %dma_start3A_71] : memref<10240x128xf32, #tpu.memory_space<vmem_shared>> -> memref<10240x128xf32, #tpu.memory_space<vmem_shared>>
    tpu.enqueue_indirect_dma source(%arg10 : memref<128x128xf32, #tpu.memory_space<vmem>>) target(%dma_start3A_72 : memref<10240x128xf32, #tpu.memory_space<vmem_shared>>) offsets(%arg8 : memref<128xi32, #tpu.memory_space<vmem>>) semaphore(%arg18 : memref<!tpu.dma_semaphore, #tpu.memory_space<semaphore_mem>>) {add = true}
    %scan3A_73 = arith.constant 0 : i32
    %scan3A_74 = arith.constant 0 : i32
    %scan3A_75 = arith.constant 38 : i32
    %scan3A_76 = arith.addi %scan3A_74, %scan3A_75 : i32
    %scan3A_77 = arith.constant 1 : i32
    scf.for %scan3A_128 = %scan3A_74 to %scan3A_76 step %scan3A_77  : i32 {
      %mul3A_129 = arith.constant 2 : i32
      %mul3A_130 = arith.muli %mul3A_129, %scan3A_128 : i32
      %add3A_131 = arith.constant 1 : i32
      %add3A_132 = arith.addi %mul3A_130, %add3A_131 : i32
      %dma_wait3A_133 = arith.constant 0 : i32
      %dma_wait3A_134 = arith.constant 0 : i32
      %dma_wait3A_135 = tpu.memref_slice %arg2[%dma_wait3A_133, %dma_wait3A_134] : memref<10240x128xf32, #tpu.memory_space<hbm>> -> memref<10240x128xf32, #tpu.memory_space<hbm>>
      tpu.wait_indirect_dma semaphore(%arg13 : memref<!tpu.dma_semaphore, #tpu.memory_space<semaphore_mem>>) src(%dma_wait3A_135 : memref<10240x128xf32, #tpu.memory_space<hbm>>) dst(%arg11 : memref<128x128xf32, #tpu.memory_space<vmem>>)
      %add3A_136 = arith.constant 2 : i32
      %add3A_137 = arith.addi %add3A_132, %add3A_136 : i32
      %mul3A_138 = arith.constant 10112 : i32
      %mul3A_139 = arith.muli %add3A, %mul3A_138 : i32
      %mul3A_140 = arith.constant 128 : i32
      %mul3A_141 = arith.muli %add3A_137, %mul3A_140 : i32
      %add3A_142 = arith.addi %mul3A_139, %mul3A_141 : i32
      %dma_start3A_143 = tpu.memref_slice %arg3[%add3A_142] : memref<323584xi32, #tpu.memory_space<hbm>> -> memref<128xi32, #tpu.memory_space<hbm>>
      %dma_start3A_144 = tpu.memref_slice %arg3[%add3A_142] : memref<323584xi32, #tpu.memory_space<hbm>> -> memref<128xi32, #tpu.memory_space<hbm>>
      tpu.enqueue_dma source(%dma_start3A_144 : memref<128xi32, #tpu.memory_space<hbm>>) target(%arg7 : memref<128xi32, #tpu.memory_space<vmem>>) target_semaphore(%arg15 : memref<!tpu.dma_semaphore, #tpu.memory_space<semaphore_mem>>)
      %sub3A = arith.constant 1 : i32
      %sub3A_145 = arith.subi %add3A_132, %sub3A : i32
      %dma_wait3A_146 = arith.constant 0 : i32
      %dma_wait3A_147 = arith.constant 0 : i32
      %dma_wait3A_148 = tpu.memref_slice %arg12[%dma_wait3A_146, %dma_wait3A_147] : memref<10240x128xf32, #tpu.memory_space<vmem_shared>> -> memref<10240x128xf32, #tpu.memory_space<vmem_shared>>
      tpu.wait_indirect_dma semaphore(%arg18 : memref<!tpu.dma_semaphore, #tpu.memory_space<semaphore_mem>>) src(%arg10 : memref<128x128xf32, #tpu.memory_space<vmem>>) dst(%dma_wait3A_148 : memref<10240x128xf32, #tpu.memory_space<vmem_shared>>)
      %add3A_149 = arith.constant 1 : i32
      %add3A_150 = arith.addi %add3A_132, %add3A_149 : i32
      %mul3A_151 = arith.constant 10112 : i32
      %mul3A_152 = arith.muli %add3A, %mul3A_151 : i32
      %mul3A_153 = arith.constant 128 : i32
      %mul3A_154 = arith.muli %add3A_150, %mul3A_153 : i32
      %add3A_155 = arith.addi %mul3A_152, %mul3A_154 : i32
      %dma_start3A_156 = tpu.memref_slice %arg4[%add3A_155] : memref<323584xi32, #tpu.memory_space<hbm>> -> memref<128xi32, #tpu.memory_space<hbm>>
      %dma_start3A_157 = tpu.memref_slice %arg4[%add3A_155] : memref<323584xi32, #tpu.memory_space<hbm>> -> memref<128xi32, #tpu.memory_space<hbm>>
      tpu.enqueue_dma source(%dma_start3A_157 : memref<128xi32, #tpu.memory_space<hbm>>) target(%arg8 : memref<128xi32, #tpu.memory_space<vmem>>) target_semaphore(%arg16 : memref<!tpu.dma_semaphore, #tpu.memory_space<semaphore_mem>>)
      %add3A_158 = arith.constant 1 : i32
      %add3A_159 = arith.addi %add3A_132, %add3A_158 : i32
      %mul3A_160 = arith.constant 10112 : i32
      %mul3A_161 = arith.muli %add3A, %mul3A_160 : i32
      %mul3A_162 = arith.constant 128 : i32
      %mul3A_163 = arith.muli %add3A_159, %mul3A_162 : i32
      %add3A_164 = arith.addi %mul3A_161, %mul3A_163 : i32
      %dma_wait3A_165 = tpu.memref_slice %arg3[%add3A_164] : memref<323584xi32, #tpu.memory_space<hbm>> -> memref<128xi32, #tpu.memory_space<hbm>>
      %dma_wait3A_166 = tpu.memref_slice %arg3[%add3A_164] : memref<323584xi32, #tpu.memory_space<hbm>> -> memref<128xi32, #tpu.memory_space<hbm>>
      tpu.wait_dma2 semaphore(%arg14 : memref<!tpu.dma_semaphore, #tpu.memory_space<semaphore_mem>>) src(%dma_wait3A_166 : memref<128xi32, #tpu.memory_space<hbm>>) dst(%arg6 : memref<128xi32, #tpu.memory_space<vmem>>)
      %add3A_167 = arith.constant 1 : i32
      %add3A_168 = arith.addi %add3A_132, %add3A_167 : i32
      %dma_start3A_169 = arith.constant 0 : i32
      %dma_start3A_170 = arith.constant 0 : i32
      %dma_start3A_171 = tpu.memref_slice %arg2[%dma_start3A_169, %dma_start3A_170] : memref<10240x128xf32, #tpu.memory_space<hbm>> -> memref<10240x128xf32, #tpu.memory_space<hbm>>
      tpu.enqueue_indirect_dma source(%dma_start3A_171 : memref<10240x128xf32, #tpu.memory_space<hbm>>) target(%arg10 : memref<128x128xf32, #tpu.memory_space<vmem>>) offsets(%arg6 : memref<128xi32, #tpu.memory_space<vmem>>) semaphore(%arg13 : memref<!tpu.dma_semaphore, #tpu.memory_space<semaphore_mem>>)
      %mul3A_172 = arith.constant 10112 : i32
      %mul3A_173 = arith.muli %add3A, %mul3A_172 : i32
      %mul3A_174 = arith.constant 128 : i32
      %mul3A_175 = arith.muli %add3A_132, %mul3A_174 : i32
      %add3A_176 = arith.addi %mul3A_173, %mul3A_175 : i32
      %dma_wait3A_177 = tpu.memref_slice %arg4[%add3A_176] : memref<323584xi32, #tpu.memory_space<hbm>> -> memref<128xi32, #tpu.memory_space<hbm>>
      %dma_wait3A_178 = tpu.memref_slice %arg4[%add3A_176] : memref<323584xi32, #tpu.memory_space<hbm>> -> memref<128xi32, #tpu.memory_space<hbm>>
      tpu.wait_dma2 semaphore(%arg17 : memref<!tpu.dma_semaphore, #tpu.memory_space<semaphore_mem>>) src(%dma_wait3A_178 : memref<128xi32, #tpu.memory_space<hbm>>) dst(%arg9 : memref<128xi32, #tpu.memory_space<vmem>>)
      %dma_start3A_179 = arith.constant 0 : i32
      %dma_start3A_180 = arith.constant 0 : i32
      %dma_start3A_181 = tpu.memref_slice %arg12[%dma_start3A_179, %dma_start3A_180] : memref<10240x128xf32, #tpu.memory_space<vmem_shared>> -> memref<10240x128xf32, #tpu.memory_space<vmem_shared>>
      tpu.enqueue_indirect_dma source(%arg11 : memref<128x128xf32, #tpu.memory_space<vmem>>) target(%dma_start3A_181 : memref<10240x128xf32, #tpu.memory_space<vmem_shared>>) offsets(%arg9 : memref<128xi32, #tpu.memory_space<vmem>>) semaphore(%arg19 : memref<!tpu.dma_semaphore, #tpu.memory_space<semaphore_mem>>) {add = true}
      %mul3A_182 = arith.constant 2 : i32
      %mul3A_183 = arith.muli %mul3A_182, %scan3A_128 : i32
      %add3A_184 = arith.constant 2 : i32
      %add3A_185 = arith.addi %mul3A_183, %add3A_184 : i32
      %dma_wait3A_186 = arith.constant 0 : i32
      %dma_wait3A_187 = arith.constant 0 : i32
      %dma_wait3A_188 = tpu.memref_slice %arg2[%dma_wait3A_186, %dma_wait3A_187] : memref<10240x128xf32, #tpu.memory_space<hbm>> -> memref<10240x128xf32, #tpu.memory_space<hbm>>
      tpu.wait_indirect_dma semaphore(%arg13 : memref<!tpu.dma_semaphore, #tpu.memory_space<semaphore_mem>>) src(%dma_wait3A_188 : memref<10240x128xf32, #tpu.memory_space<hbm>>) dst(%arg10 : memref<128x128xf32, #tpu.memory_space<vmem>>)
      %add3A_189 = arith.constant 2 : i32
      %add3A_190 = arith.addi %add3A_185, %add3A_189 : i32
      %mul3A_191 = arith.constant 10112 : i32
      %mul3A_192 = arith.muli %add3A, %mul3A_191 : i32
      %mul3A_193 = arith.constant 128 : i32
      %mul3A_194 = arith.muli %add3A_190, %mul3A_193 : i32
      %add3A_195 = arith.addi %mul3A_192, %mul3A_194 : i32
      %dma_start3A_196 = tpu.memref_slice %arg3[%add3A_195] : memref<323584xi32, #tpu.memory_space<hbm>> -> memref<128xi32, #tpu.memory_space<hbm>>
      %dma_start3A_197 = tpu.memref_slice %arg3[%add3A_195] : memref<323584xi32, #tpu.memory_space<hbm>> -> memref<128xi32, #tpu.memory_space<hbm>>
      tpu.enqueue_dma source(%dma_start3A_197 : memref<128xi32, #tpu.memory_space<hbm>>) target(%arg6 : memref<128xi32, #tpu.memory_space<vmem>>) target_semaphore(%arg14 : memref<!tpu.dma_semaphore, #tpu.memory_space<semaphore_mem>>)
      %sub3A_198 = arith.constant 1 : i32
      %sub3A_199 = arith.subi %add3A_185, %sub3A_198 : i32
      %dma_wait3A_200 = arith.constant 0 : i32
      %dma_wait3A_201 = arith.constant 0 : i32
      %dma_wait3A_202 = tpu.memref_slice %arg12[%dma_wait3A_200, %dma_wait3A_201] : memref<10240x128xf32, #tpu.memory_space<vmem_shared>> -> memref<10240x128xf32, #tpu.memory_space<vmem_shared>>
      tpu.wait_indirect_dma semaphore(%arg19 : memref<!tpu.dma_semaphore, #tpu.memory_space<semaphore_mem>>) src(%arg11 : memref<128x128xf32, #tpu.memory_space<vmem>>) dst(%dma_wait3A_202 : memref<10240x128xf32, #tpu.memory_space<vmem_shared>>)
      %add3A_203 = arith.constant 1 : i32
      %add3A_204 = arith.addi %add3A_185, %add3A_203 : i32
      %mul3A_205 = arith.constant 10112 : i32
      %mul3A_206 = arith.muli %add3A, %mul3A_205 : i32
      %mul3A_207 = arith.constant 128 : i32
      %mul3A_208 = arith.muli %add3A_204, %mul3A_207 : i32
      %add3A_209 = arith.addi %mul3A_206, %mul3A_208 : i32
      %dma_start3A_210 = tpu.memref_slice %arg4[%add3A_209] : memref<323584xi32, #tpu.memory_space<hbm>> -> memref<128xi32, #tpu.memory_space<hbm>>
      %dma_start3A_211 = tpu.memref_slice %arg4[%add3A_209] : memref<323584xi32, #tpu.memory_space<hbm>> -> memref<128xi32, #tpu.memory_space<hbm>>
      tpu.enqueue_dma source(%dma_start3A_211 : memref<128xi32, #tpu.memory_space<hbm>>) target(%arg9 : memref<128xi32, #tpu.memory_space<vmem>>) target_semaphore(%arg17 : memref<!tpu.dma_semaphore, #tpu.memory_space<semaphore_mem>>)
      %add3A_212 = arith.constant 1 : i32
      %add3A_213 = arith.addi %add3A_185, %add3A_212 : i32
      %mul3A_214 = arith.constant 10112 : i32
      %mul3A_215 = arith.muli %add3A, %mul3A_214 : i32
      %mul3A_216 = arith.constant 128 : i32
      %mul3A_217 = arith.muli %add3A_213, %mul3A_216 : i32
      %add3A_218 = arith.addi %mul3A_215, %mul3A_217 : i32
      %dma_wait3A_219 = tpu.memref_slice %arg3[%add3A_218] : memref<323584xi32, #tpu.memory_space<hbm>> -> memref<128xi32, #tpu.memory_space<hbm>>
      %dma_wait3A_220 = tpu.memref_slice %arg3[%add3A_218] : memref<323584xi32, #tpu.memory_space<hbm>> -> memref<128xi32, #tpu.memory_space<hbm>>
      tpu.wait_dma2 semaphore(%arg15 : memref<!tpu.dma_semaphore, #tpu.memory_space<semaphore_mem>>) src(%dma_wait3A_220 : memref<128xi32, #tpu.memory_space<hbm>>) dst(%arg7 : memref<128xi32, #tpu.memory_space<vmem>>)
      %add3A_221 = arith.constant 1 : i32
      %add3A_222 = arith.addi %add3A_185, %add3A_221 : i32
      %dma_start3A_223 = arith.constant 0 : i32
      %dma_start3A_224 = arith.constant 0 : i32
      %dma_start3A_225 = tpu.memref_slice %arg2[%dma_start3A_223, %dma_start3A_224] : memref<10240x128xf32, #tpu.memory_space<hbm>> -> memref<10240x128xf32, #tpu.memory_space<hbm>>
      tpu.enqueue_indirect_dma source(%dma_start3A_225 : memref<10240x128xf32, #tpu.memory_space<hbm>>) target(%arg11 : memref<128x128xf32, #tpu.memory_space<vmem>>) offsets(%arg7 : memref<128xi32, #tpu.memory_space<vmem>>) semaphore(%arg13 : memref<!tpu.dma_semaphore, #tpu.memory_space<semaphore_mem>>)
      %mul3A_226 = arith.constant 10112 : i32
      %mul3A_227 = arith.muli %add3A, %mul3A_226 : i32
      %mul3A_228 = arith.constant 128 : i32
      %mul3A_229 = arith.muli %add3A_185, %mul3A_228 : i32
      %add3A_230 = arith.addi %mul3A_227, %mul3A_229 : i32
      %dma_wait3A_231 = tpu.memref_slice %arg4[%add3A_230] : memref<323584xi32, #tpu.memory_space<hbm>> -> memref<128xi32, #tpu.memory_space<hbm>>
      %dma_wait3A_232 = tpu.memref_slice %arg4[%add3A_230] : memref<323584xi32, #tpu.memory_space<hbm>> -> memref<128xi32, #tpu.memory_space<hbm>>
      tpu.wait_dma2 semaphore(%arg16 : memref<!tpu.dma_semaphore, #tpu.memory_space<semaphore_mem>>) src(%dma_wait3A_232 : memref<128xi32, #tpu.memory_space<hbm>>) dst(%arg8 : memref<128xi32, #tpu.memory_space<vmem>>)
      %dma_start3A_233 = arith.constant 0 : i32
      %dma_start3A_234 = arith.constant 0 : i32
      %dma_start3A_235 = tpu.memref_slice %arg12[%dma_start3A_233, %dma_start3A_234] : memref<10240x128xf32, #tpu.memory_space<vmem_shared>> -> memref<10240x128xf32, #tpu.memory_space<vmem_shared>>
      tpu.enqueue_indirect_dma source(%arg10 : memref<128x128xf32, #tpu.memory_space<vmem>>) target(%dma_start3A_235 : memref<10240x128xf32, #tpu.memory_space<vmem_shared>>) offsets(%arg8 : memref<128xi32, #tpu.memory_space<vmem>>) semaphore(%arg18 : memref<!tpu.dma_semaphore, #tpu.memory_space<semaphore_mem>>) {add = true}
    }
    %scan3A_78 = arith.constant 38 : i32
    %dma_wait3A_79 = arith.constant 0 : i32
    %dma_wait3A_80 = arith.constant 0 : i32
    %dma_wait3A_81 = tpu.memref_slice %arg2[%dma_wait3A_79, %dma_wait3A_80] : memref<10240x128xf32, #tpu.memory_space<hbm>> -> memref<10240x128xf32, #tpu.memory_space<hbm>>
    tpu.wait_indirect_dma semaphore(%arg13 : memref<!tpu.dma_semaphore, #tpu.memory_space<semaphore_mem>>) src(%dma_wait3A_81 : memref<10240x128xf32, #tpu.memory_space<hbm>>) dst(%arg11 : memref<128x128xf32, #tpu.memory_space<vmem>>)
    %dma_wait3A_82 = arith.constant 0 : i32
    %dma_wait3A_83 = arith.constant 0 : i32
    %dma_wait3A_84 = tpu.memref_slice %arg12[%dma_wait3A_82, %dma_wait3A_83] : memref<10240x128xf32, #tpu.memory_space<vmem_shared>> -> memref<10240x128xf32, #tpu.memory_space<vmem_shared>>
    tpu.wait_indirect_dma semaphore(%arg18 : memref<!tpu.dma_semaphore, #tpu.memory_space<semaphore_mem>>) src(%arg10 : memref<128x128xf32, #tpu.memory_space<vmem>>) dst(%dma_wait3A_84 : memref<10240x128xf32, #tpu.memory_space<vmem_shared>>)
    %mul3A_85 = arith.constant 10112 : i32
    %mul3A_86 = arith.muli %add3A, %mul3A_85 : i32
    %add3A_87 = arith.constant 9984 : i32
    %add3A_88 = arith.addi %mul3A_86, %add3A_87 : i32
    %dma_start3A_89 = tpu.memref_slice %arg4[%add3A_88] : memref<323584xi32, #tpu.memory_space<hbm>> -> memref<128xi32, #tpu.memory_space<hbm>>
    %dma_start3A_90 = tpu.memref_slice %arg4[%add3A_88] : memref<323584xi32, #tpu.memory_space<hbm>> -> memref<128xi32, #tpu.memory_space<hbm>>
    tpu.enqueue_dma source(%dma_start3A_90 : memref<128xi32, #tpu.memory_space<hbm>>) target(%arg8 : memref<128xi32, #tpu.memory_space<vmem>>) target_semaphore(%arg16 : memref<!tpu.dma_semaphore, #tpu.memory_space<semaphore_mem>>)
    %mul3A_91 = arith.constant 10112 : i32
    %mul3A_92 = arith.muli %add3A, %mul3A_91 : i32
    %add3A_93 = arith.constant 9984 : i32
    %add3A_94 = arith.addi %mul3A_92, %add3A_93 : i32
    %dma_wait3A_95 = tpu.memref_slice %arg3[%add3A_94] : memref<323584xi32, #tpu.memory_space<hbm>> -> memref<128xi32, #tpu.memory_space<hbm>>
    %dma_wait3A_96 = tpu.memref_slice %arg3[%add3A_94] : memref<323584xi32, #tpu.memory_space<hbm>> -> memref<128xi32, #tpu.memory_space<hbm>>
    tpu.wait_dma2 semaphore(%arg14 : memref<!tpu.dma_semaphore, #tpu.memory_space<semaphore_mem>>) src(%dma_wait3A_96 : memref<128xi32, #tpu.memory_space<hbm>>) dst(%arg6 : memref<128xi32, #tpu.memory_space<vmem>>)
    %dma_start3A_97 = arith.constant 0 : i32
    %dma_start3A_98 = arith.constant 0 : i32
    %dma_start3A_99 = tpu.memref_slice %arg2[%dma_start3A_97, %dma_start3A_98] : memref<10240x128xf32, #tpu.memory_space<hbm>> -> memref<10240x128xf32, #tpu.memory_space<hbm>>
    tpu.enqueue_indirect_dma source(%dma_start3A_99 : memref<10240x128xf32, #tpu.memory_space<hbm>>) target(%arg10 : memref<128x128xf32, #tpu.memory_space<vmem>>) offsets(%arg6 : memref<128xi32, #tpu.memory_space<vmem>>) semaphore(%arg13 : memref<!tpu.dma_semaphore, #tpu.memory_space<semaphore_mem>>)
    %mul3A_100 = arith.constant 10112 : i32
    %mul3A_101 = arith.muli %add3A, %mul3A_100 : i32
    %add3A_102 = arith.constant 9856 : i32
    %add3A_103 = arith.addi %mul3A_101, %add3A_102 : i32
    %dma_wait3A_104 = tpu.memref_slice %arg4[%add3A_103] : memref<323584xi32, #tpu.memory_space<hbm>> -> memref<128xi32, #tpu.memory_space<hbm>>
    %dma_wait3A_105 = tpu.memref_slice %arg4[%add3A_103] : memref<323584xi32, #tpu.memory_space<hbm>> -> memref<128xi32, #tpu.memory_space<hbm>>
    tpu.wait_dma2 semaphore(%arg17 : memref<!tpu.dma_semaphore, #tpu.memory_space<semaphore_mem>>) src(%dma_wait3A_105 : memref<128xi32, #tpu.memory_space<hbm>>) dst(%arg9 : memref<128xi32, #tpu.memory_space<vmem>>)
    %dma_start3A_106 = arith.constant 0 : i32
    %dma_start3A_107 = arith.constant 0 : i32
    %dma_start3A_108 = tpu.memref_slice %arg12[%dma_start3A_106, %dma_start3A_107] : memref<10240x128xf32, #tpu.memory_space<vmem_shared>> -> memref<10240x128xf32, #tpu.memory_space<vmem_shared>>
    tpu.enqueue_indirect_dma source(%arg11 : memref<128x128xf32, #tpu.memory_space<vmem>>) target(%dma_start3A_108 : memref<10240x128xf32, #tpu.memory_space<vmem_shared>>) offsets(%arg9 : memref<128xi32, #tpu.memory_space<vmem>>) semaphore(%arg19 : memref<!tpu.dma_semaphore, #tpu.memory_space<semaphore_mem>>) {add = true}
    %dma_wait3A_109 = arith.constant 0 : i32
    %dma_wait3A_110 = arith.constant 0 : i32
    %dma_wait3A_111 = tpu.memref_slice %arg2[%dma_wait3A_109, %dma_wait3A_110] : memref<10240x128xf32, #tpu.memory_space<hbm>> -> memref<10240x128xf32, #tpu.memory_space<hbm>>
    tpu.wait_indirect_dma semaphore(%arg13 : memref<!tpu.dma_semaphore, #tpu.memory_space<semaphore_mem>>) src(%dma_wait3A_111 : memref<10240x128xf32, #tpu.memory_space<hbm>>) dst(%arg10 : memref<128x128xf32, #tpu.memory_space<vmem>>)
    %dma_wait3A_112 = arith.constant 0 : i32
    %dma_wait3A_113 = arith.constant 0 : i32
    %dma_wait3A_114 = tpu.memref_slice %arg12[%dma_wait3A_112, %dma_wait3A_113] : memref<10240x128xf32, #tpu.memory_space<vmem_shared>> -> memref<10240x128xf32, #tpu.memory_space<vmem_shared>>
    tpu.wait_indirect_dma semaphore(%arg19 : memref<!tpu.dma_semaphore, #tpu.memory_space<semaphore_mem>>) src(%arg11 : memref<128x128xf32, #tpu.memory_space<vmem>>) dst(%dma_wait3A_114 : memref<10240x128xf32, #tpu.memory_space<vmem_shared>>)
    %mul3A_115 = arith.constant 10112 : i32
    %mul3A_116 = arith.muli %add3A, %mul3A_115 : i32
    %add3A_117 = arith.constant 9984 : i32
    %add3A_118 = arith.addi %mul3A_116, %add3A_117 : i32
    %dma_wait3A_119 = tpu.memref_slice %arg4[%add3A_118] : memref<323584xi32, #tpu.memory_space<hbm>> -> memref<128xi32, #tpu.memory_space<hbm>>
    %dma_wait3A_120 = tpu.memref_slice %arg4[%add3A_118] : memref<323584xi32, #tpu.memory_space<hbm>> -> memref<128xi32, #tpu.memory_space<hbm>>
    tpu.wait_dma2 semaphore(%arg16 : memref<!tpu.dma_semaphore, #tpu.memory_space<semaphore_mem>>) src(%dma_wait3A_120 : memref<128xi32, #tpu.memory_space<hbm>>) dst(%arg8 : memref<128xi32, #tpu.memory_space<vmem>>)
    %dma_start3A_121 = arith.constant 0 : i32
    %dma_start3A_122 = arith.constant 0 : i32
    %dma_start3A_123 = tpu.memref_slice %arg12[%dma_start3A_121, %dma_start3A_122] : memref<10240x128xf32, #tpu.memory_space<vmem_shared>> -> memref<10240x128xf32, #tpu.memory_space<vmem_shared>>
    tpu.enqueue_indirect_dma source(%arg10 : memref<128x128xf32, #tpu.memory_space<vmem>>) target(%dma_start3A_123 : memref<10240x128xf32, #tpu.memory_space<vmem_shared>>) offsets(%arg8 : memref<128xi32, #tpu.memory_space<vmem>>) semaphore(%arg18 : memref<!tpu.dma_semaphore, #tpu.memory_space<semaphore_mem>>) {add = true}
    %dma_wait3A_124 = arith.constant 0 : i32
    %dma_wait3A_125 = arith.constant 0 : i32
    %dma_wait3A_126 = tpu.memref_slice %arg12[%dma_wait3A_124, %dma_wait3A_125] : memref<10240x128xf32, #tpu.memory_space<vmem_shared>> -> memref<10240x128xf32, #tpu.memory_space<vmem_shared>>
    tpu.wait_indirect_dma semaphore(%arg18 : memref<!tpu.dma_semaphore, #tpu.memory_space<semaphore_mem>>) src(%arg10 : memref<128x128xf32, #tpu.memory_space<vmem>>) dst(%dma_wait3A_126 : memref<10240x128xf32, #tpu.memory_space<vmem_shared>>)
    %barrier3A_127 = arith.constant 0 : index
    tpu.barrier barrier_id(%barrier3A_127)
    "tpu.region"() ({
      %run_scoped3A = tpu.sem_alloc : memref<!tpu.dma_semaphore, #tpu.memory_space<semaphore_mem>>
      %dma_start3A_128 = arith.constant 0 : i32
      %dma_start3A_129 = tpu.memref_slice %arg5[%arg0, %mul3A_31, %dma_start3A_128] : memref<2x10240x128xf32, #tpu.memory_space<hbm>> -> memref<1x640x128xf32, #tpu.memory_space<hbm>>
      %dma_start3A_130 = tpu.memref_squeeze %dma_start3A_129 : memref<1x640x128xf32, #tpu.memory_space<hbm>> -> memref<640x128xf32, #tpu.memory_space<hbm>>
      %dma_start3A_131 = arith.constant 0 : i32
      %dma_start3A_132 = tpu.memref_slice %arg12[%mul3A_31, %dma_start3A_131] : memref<10240x128xf32, #tpu.memory_space<vmem_shared>> -> memref<640x128xf32, #tpu.memory_space<vmem_shared>>
      tpu.enqueue_dma source(%dma_start3A_132 : memref<640x128xf32, #tpu.memory_space<vmem_shared>>) target(%dma_start3A_130 : memref<640x128xf32, #tpu.memory_space<hbm>>) target_semaphore(%run_scoped3A : memref<!tpu.dma_semaphore, #tpu.memory_space<semaphore_mem>>)
      %dma_wait3A_133 = arith.constant 0 : i32
      %dma_wait3A_134 = tpu.memref_slice %arg5[%arg0, %mul3A_31, %dma_wait3A_133] : memref<2x10240x128xf32, #tpu.memory_space<hbm>> -> memref<1x640x128xf32, #tpu.memory_space<hbm>>
      %dma_wait3A_135 = tpu.memref_squeeze %dma_wait3A_134 : memref<1x640x128xf32, #tpu.memory_space<hbm>> -> memref<640x128xf32, #tpu.memory_space<hbm>>
      %dma_wait3A_136 = arith.constant 0 : i32
      %dma_wait3A_137 = tpu.memref_slice %arg12[%mul3A_31, %dma_wait3A_136] : memref<10240x128xf32, #tpu.memory_space<vmem_shared>> -> memref<640x128xf32, #tpu.memory_space<vmem_shared>>
      tpu.wait_dma2 semaphore(%run_scoped3A : memref<!tpu.dma_semaphore, #tpu.memory_space<semaphore_mem>>) src(%dma_wait3A_137 : memref<640x128xf32, #tpu.memory_space<vmem_shared>>) dst(%dma_wait3A_135 : memref<640x128xf32, #tpu.memory_space<hbm>>)
      tpu.yield
    }) : () -> ()
    return
  }
}

#map = affine_map<(d0, d1) -> (0, 0)>
#map1 = affine_map<(d0, d1) -> (0)>
#map2 = affine_map<(d0, d1) -> (0, 0, 0)>
module attributes {stable_mosaic.version = 14 : i64} {
  func.func @_edge_kernel(%arg0: i32, %arg1: i32, %arg2: memref<10240x128xf32, #tpu.memory_space<hbm>>, %arg3: memref<323584xi32, #tpu.memory_space<hbm>>, %arg4: memref<323584xi32, #tpu.memory_space<hbm>>, %arg5: memref<2x10240x128xf32, #tpu.memory_space<hbm>>, %arg6: memref<128xi32, #tpu.memory_space<vmem>>, %arg7: memref<128xi32, #tpu.memory_space<vmem>>, %arg8: memref<128xi32, #tpu.memory_space<vmem>>, %arg9: memref<128xi32, #tpu.memory_space<vmem>>, %arg10: memref<128x128xf32, #tpu.memory_space<vmem>>, %arg11: memref<128x128xf32, #tpu.memory_space<vmem>>, %arg12: memref<10240x128xf32, #tpu.memory_space<vmem_shared>>, %arg13: memref<!tpu.dma_semaphore, #tpu.memory_space<semaphore_mem>>, %arg14: memref<!tpu.dma_semaphore, #tpu.memory_space<semaphore_mem>>, %arg15: memref<!tpu.dma_semaphore, #tpu.memory_space<semaphore_mem>>, %arg16: memref<!tpu.dma_semaphore, #tpu.memory_space<semaphore_mem>>, %arg17: memref<!tpu.dma_semaphore, #tpu.memory_space<semaphore_mem>>, %arg18: memref<!tpu.dma_semaphore, #tpu.memory_space<semaphore_mem>>, %arg19: memref<!tpu.dma_semaphore, #tpu.memory_space<semaphore_mem>>) attributes {dimension_semantics = [#tpu.dimension_semantics<core_parallel>, #tpu.dimension_semantics<subcore_parallel>], iteration_bounds = array<i64: 2, 16>, scalar_prefetch = 0 : i64, scratch_operands = 14 : i64, tpu.core_type = #tpu.core_type<sc_vector_subcore>, window_params = [{transform_indices = #map}, {transform_indices = #map1}, {transform_indices = #map1}, {transform_indices = #map2}]} {
    %mul3A = arith.constant 2 : i32
    %mul3A_0 = arith.muli %arg1, %mul3A : i32
    %add3A = arith.addi %mul3A_0, %arg0 : i32
    %mul3A_1 = arith.constant 10112 : i32
    %mul3A_2 = arith.muli %add3A, %mul3A_1 : i32
    %add3A_3 = arith.constant 0 : i32
    %add3A_4 = arith.addi %mul3A_2, %add3A_3 : i32
    %dma_start3A = tpu.memref_slice %arg3[%add3A_4] : memref<323584xi32, #tpu.memory_space<hbm>> -> memref<128xi32, #tpu.memory_space<hbm>>
    %dma_start3A_5 = tpu.memref_slice %arg3[%add3A_4] : memref<323584xi32, #tpu.memory_space<hbm>> -> memref<128xi32, #tpu.memory_space<hbm>>
    tpu.enqueue_dma source(%dma_start3A_5 : memref<128xi32, #tpu.memory_space<hbm>>) target(%arg6 : memref<128xi32, #tpu.memory_space<vmem>>) target_semaphore(%arg14 : memref<!tpu.dma_semaphore, #tpu.memory_space<semaphore_mem>>)
    %mul3A_6 = arith.constant 10112 : i32
    %mul3A_7 = arith.muli %add3A, %mul3A_6 : i32
    %add3A_8 = arith.constant 128 : i32
    %add3A_9 = arith.addi %mul3A_7, %add3A_8 : i32
    %dma_start3A_10 = tpu.memref_slice %arg3[%add3A_9] : memref<323584xi32, #tpu.memory_space<hbm>> -> memref<128xi32, #tpu.memory_space<hbm>>
    %dma_start3A_11 = tpu.memref_slice %arg3[%add3A_9] : memref<323584xi32, #tpu.memory_space<hbm>> -> memref<128xi32, #tpu.memory_space<hbm>>
    tpu.enqueue_dma source(%dma_start3A_11 : memref<128xi32, #tpu.memory_space<hbm>>) target(%arg7 : memref<128xi32, #tpu.memory_space<vmem>>) target_semaphore(%arg15 : memref<!tpu.dma_semaphore, #tpu.memory_space<semaphore_mem>>)
    %mul3A_12 = arith.constant 10112 : i32
    %mul3A_13 = arith.muli %add3A, %mul3A_12 : i32
    %add3A_14 = arith.constant 0 : i32
    %add3A_15 = arith.addi %mul3A_13, %add3A_14 : i32
    %dma_start3A_16 = tpu.memref_slice %arg4[%add3A_15] : memref<323584xi32, #tpu.memory_space<hbm>> -> memref<128xi32, #tpu.memory_space<hbm>>
    %dma_start3A_17 = tpu.memref_slice %arg4[%add3A_15] : memref<323584xi32, #tpu.memory_space<hbm>> -> memref<128xi32, #tpu.memory_space<hbm>>
    tpu.enqueue_dma source(%dma_start3A_17 : memref<128xi32, #tpu.memory_space<hbm>>) target(%arg8 : memref<128xi32, #tpu.memory_space<vmem>>) target_semaphore(%arg16 : memref<!tpu.dma_semaphore, #tpu.memory_space<semaphore_mem>>)
    %mul3A_18 = arith.constant 10112 : i32
    %mul3A_19 = arith.muli %add3A, %mul3A_18 : i32
    %add3A_20 = arith.constant 128 : i32
    %add3A_21 = arith.addi %mul3A_19, %add3A_20 : i32
    %dma_start3A_22 = tpu.memref_slice %arg4[%add3A_21] : memref<323584xi32, #tpu.memory_space<hbm>> -> memref<128xi32, #tpu.memory_space<hbm>>
    %dma_start3A_23 = tpu.memref_slice %arg4[%add3A_21] : memref<323584xi32, #tpu.memory_space<hbm>> -> memref<128xi32, #tpu.memory_space<hbm>>
    tpu.enqueue_dma source(%dma_start3A_23 : memref<128xi32, #tpu.memory_space<hbm>>) target(%arg9 : memref<128xi32, #tpu.memory_space<vmem>>) target_semaphore(%arg17 : memref<!tpu.dma_semaphore, #tpu.memory_space<semaphore_mem>>)
    %broadcast_in_dim3A = arith.constant 0.000000e+00 : f32
    %broadcast_in_dim3A_24 = vector.broadcast %broadcast_in_dim3A : f32 to vector<16xf32>
    %scan3A = arith.constant 0 : i32
    %scan3A_25 = arith.constant 0 : i32
    %scan3A_26 = arith.constant 128 : i32
    %scan3A_27 = arith.addi %scan3A_25, %scan3A_26 : i32
    %scan3A_28 = arith.constant 1 : i32
    scf.for %scan3A_128 = %scan3A_25 to %scan3A_27 step %scan3A_28  : i32 {
      %swap3A = arith.index_cast %scan3A_128 : i32 to index
      %swap3A_129 = arith.constant 0 : index
      %swap3A_130 = tpu.vector_load %arg10[%swap3A, %swap3A_129] {strides = array<i32>} : memref<128x128xf32, #tpu.memory_space<vmem>>, vector<1x16xf32>,
      %swap3A_131 = vector.shape_cast %swap3A_130 : vector<1x16xf32> to vector<16xf32>
      %swap3A_132 = vector.shape_cast %broadcast_in_dim3A_24 : vector<16xf32> to vector<1x16xf32>
      tpu.vector_store %arg10[%swap3A, %swap3A_129], %swap3A_132 {strides = array<i32>} : memref<128x128xf32, #tpu.memory_space<vmem>>, vector<1x16xf32>,
      %swap3A_133 = arith.index_cast %scan3A_128 : i32 to index
      %swap3A_134 = arith.constant 16 : index
      %swap3A_135 = tpu.vector_load %arg10[%swap3A_133, %swap3A_134] {strides = array<i32>} : memref<128x128xf32, #tpu.memory_space<vmem>>, vector<1x16xf32>,
      %swap3A_136 = vector.shape_cast %swap3A_135 : vector<1x16xf32> to vector<16xf32>
      %swap3A_137 = vector.shape_cast %broadcast_in_dim3A_24 : vector<16xf32> to vector<1x16xf32>
      tpu.vector_store %arg10[%swap3A_133, %swap3A_134], %swap3A_137 {strides = array<i32>} : memref<128x128xf32, #tpu.memory_space<vmem>>, vector<1x16xf32>,
      %swap3A_138 = arith.index_cast %scan3A_128 : i32 to index
      %swap3A_139 = arith.constant 32 : index
      %swap3A_140 = tpu.vector_load %arg10[%swap3A_138, %swap3A_139] {strides = array<i32>} : memref<128x128xf32, #tpu.memory_space<vmem>>, vector<1x16xf32>,
      %swap3A_141 = vector.shape_cast %swap3A_140 : vector<1x16xf32> to vector<16xf32>
      %swap3A_142 = vector.shape_cast %broadcast_in_dim3A_24 : vector<16xf32> to vector<1x16xf32>
      tpu.vector_store %arg10[%swap3A_138, %swap3A_139], %swap3A_142 {strides = array<i32>} : memref<128x128xf32, #tpu.memory_space<vmem>>, vector<1x16xf32>,
      %swap3A_143 = arith.index_cast %scan3A_128 : i32 to index
      %swap3A_144 = arith.constant 48 : index
      %swap3A_145 = tpu.vector_load %arg10[%swap3A_143, %swap3A_144] {strides = array<i32>} : memref<128x128xf32, #tpu.memory_space<vmem>>, vector<1x16xf32>,
      %swap3A_146 = vector.shape_cast %swap3A_145 : vector<1x16xf32> to vector<16xf32>
      %swap3A_147 = vector.shape_cast %broadcast_in_dim3A_24 : vector<16xf32> to vector<1x16xf32>
      tpu.vector_store %arg10[%swap3A_143, %swap3A_144], %swap3A_147 {strides = array<i32>} : memref<128x128xf32, #tpu.memory_space<vmem>>, vector<1x16xf32>,
      %swap3A_148 = arith.index_cast %scan3A_128 : i32 to index
      %swap3A_149 = arith.constant 64 : index
      %swap3A_150 = tpu.vector_load %arg10[%swap3A_148, %swap3A_149] {strides = array<i32>} : memref<128x128xf32, #tpu.memory_space<vmem>>, vector<1x16xf32>,
      %swap3A_151 = vector.shape_cast %swap3A_150 : vector<1x16xf32> to vector<16xf32>
      %swap3A_152 = vector.shape_cast %broadcast_in_dim3A_24 : vector<16xf32> to vector<1x16xf32>
      tpu.vector_store %arg10[%swap3A_148, %swap3A_149], %swap3A_152 {strides = array<i32>} : memref<128x128xf32, #tpu.memory_space<vmem>>, vector<1x16xf32>,
      %swap3A_153 = arith.index_cast %scan3A_128 : i32 to index
      %swap3A_154 = arith.constant 80 : index
      %swap3A_155 = tpu.vector_load %arg10[%swap3A_153, %swap3A_154] {strides = array<i32>} : memref<128x128xf32, #tpu.memory_space<vmem>>, vector<1x16xf32>,
      %swap3A_156 = vector.shape_cast %swap3A_155 : vector<1x16xf32> to vector<16xf32>
      %swap3A_157 = vector.shape_cast %broadcast_in_dim3A_24 : vector<16xf32> to vector<1x16xf32>
      tpu.vector_store %arg10[%swap3A_153, %swap3A_154], %swap3A_157 {strides = array<i32>} : memref<128x128xf32, #tpu.memory_space<vmem>>, vector<1x16xf32>,
      %swap3A_158 = arith.index_cast %scan3A_128 : i32 to index
      %swap3A_159 = arith.constant 96 : index
      %swap3A_160 = tpu.vector_load %arg10[%swap3A_158, %swap3A_159] {strides = array<i32>} : memref<128x128xf32, #tpu.memory_space<vmem>>, vector<1x16xf32>,
      %swap3A_161 = vector.shape_cast %swap3A_160 : vector<1x16xf32> to vector<16xf32>
      %swap3A_162 = vector.shape_cast %broadcast_in_dim3A_24 : vector<16xf32> to vector<1x16xf32>
      tpu.vector_store %arg10[%swap3A_158, %swap3A_159], %swap3A_162 {strides = array<i32>} : memref<128x128xf32, #tpu.memory_space<vmem>>, vector<1x16xf32>,
      %swap3A_163 = arith.index_cast %scan3A_128 : i32 to index
      %swap3A_164 = arith.constant 112 : index
      %swap3A_165 = tpu.vector_load %arg10[%swap3A_163, %swap3A_164] {strides = array<i32>} : memref<128x128xf32, #tpu.memory_space<vmem>>, vector<1x16xf32>,
      %swap3A_166 = vector.shape_cast %swap3A_165 : vector<1x16xf32> to vector<16xf32>
      %swap3A_167 = vector.shape_cast %broadcast_in_dim3A_24 : vector<16xf32> to vector<1x16xf32>
      tpu.vector_store %arg10[%swap3A_163, %swap3A_164], %swap3A_167 {strides = array<i32>} : memref<128x128xf32, #tpu.memory_space<vmem>>, vector<1x16xf32>,
    }
    %scan3A_29 = arith.constant 128 : i32
    %mul3A_30 = arith.constant 640 : i32
    %mul3A_31 = arith.muli %arg1, %mul3A_30 : i32
    %scan3A_32 = arith.constant 0 : i32
    %scan3A_33 = arith.constant 0 : i32
    %scan3A_34 = arith.constant 5 : i32
    %scan3A_35 = arith.addi %scan3A_33, %scan3A_34 : i32
    %scan3A_36 = arith.constant 1 : i32
    scf.for %scan3A_128 = %scan3A_33 to %scan3A_35 step %scan3A_36  : i32 {
      %mul3A_129 = arith.constant 128 : i32
      %mul3A_130 = arith.muli %scan3A_128, %mul3A_129 : i32
      %add3A_131 = arith.addi %mul3A_31, %mul3A_130 : i32
      "tpu.region"() ({
        %run_scoped3A = tpu.sem_alloc : memref<!tpu.dma_semaphore, #tpu.memory_space<semaphore_mem>>
        %dma_start3A_132 = arith.constant 0 : i32
        %dma_start3A_133 = tpu.memref_slice %arg12[%add3A_131, %dma_start3A_132] : memref<10240x128xf32, #tpu.memory_space<vmem_shared>> -> memref<128x128xf32, #tpu.memory_space<vmem_shared>>
        %dma_start3A_134 = arith.constant 0 : i32
        %dma_start3A_135 = tpu.memref_slice %arg12[%add3A_131, %dma_start3A_134] : memref<10240x128xf32, #tpu.memory_space<vmem_shared>> -> memref<128x128xf32, #tpu.memory_space<vmem_shared>>
        tpu.enqueue_dma source(%arg10 : memref<128x128xf32, #tpu.memory_space<vmem>>) target(%dma_start3A_135 : memref<128x128xf32, #tpu.memory_space<vmem_shared>>) target_semaphore(%run_scoped3A : memref<!tpu.dma_semaphore, #tpu.memory_space<semaphore_mem>>)
        %dma_wait3A_136 = arith.constant 0 : i32
        %dma_wait3A_137 = tpu.memref_slice %arg12[%add3A_131, %dma_wait3A_136] : memref<10240x128xf32, #tpu.memory_space<vmem_shared>> -> memref<128x128xf32, #tpu.memory_space<vmem_shared>>
        %dma_wait3A_138 = arith.constant 0 : i32
        %dma_wait3A_139 = tpu.memref_slice %arg12[%add3A_131, %dma_wait3A_138] : memref<10240x128xf32, #tpu.memory_space<vmem_shared>> -> memref<128x128xf32, #tpu.memory_space<vmem_shared>>
        tpu.wait_dma2 semaphore(%run_scoped3A : memref<!tpu.dma_semaphore, #tpu.memory_space<semaphore_mem>>) src(%arg10 : memref<128x128xf32, #tpu.memory_space<vmem>>) dst(%dma_wait3A_139 : memref<128x128xf32, #tpu.memory_space<vmem_shared>>)
        tpu.yield
      }) : () -> ()
    }
    %scan3A_37 = arith.constant 5 : i32
    %barrier3A = arith.constant 0 : index
    tpu.barrier barrier_id(%barrier3A)
    %mul3A_38 = arith.constant 10112 : i32
    %mul3A_39 = arith.muli %add3A, %mul3A_38 : i32
    %add3A_40 = arith.constant 0 : i32
    %add3A_41 = arith.addi %mul3A_39, %add3A_40 : i32
    %dma_wait3A = tpu.memref_slice %arg3[%add3A_41] : memref<323584xi32, #tpu.memory_space<hbm>> -> memref<128xi32, #tpu.memory_space<hbm>>
    %dma_wait3A_42 = tpu.memref_slice %arg3[%add3A_41] : memref<323584xi32, #tpu.memory_space<hbm>> -> memref<128xi32, #tpu.memory_space<hbm>>
    tpu.wait_dma2 semaphore(%arg14 : memref<!tpu.dma_semaphore, #tpu.memory_space<semaphore_mem>>) src(%dma_wait3A_42 : memref<128xi32, #tpu.memory_space<hbm>>) dst(%arg6 : memref<128xi32, #tpu.memory_space<vmem>>)
    %dma_start3A_43 = arith.constant 0 : i32
    %dma_start3A_44 = arith.constant 0 : i32
    %dma_start3A_45 = tpu.memref_slice %arg2[%dma_start3A_43, %dma_start3A_44] : memref<10240x128xf32, #tpu.memory_space<hbm>> -> memref<10240x128xf32, #tpu.memory_space<hbm>>
    tpu.enqueue_indirect_dma source(%dma_start3A_45 : memref<10240x128xf32, #tpu.memory_space<hbm>>) target(%arg10 : memref<128x128xf32, #tpu.memory_space<vmem>>) offsets(%arg6 : memref<128xi32, #tpu.memory_space<vmem>>) semaphore(%arg13 : memref<!tpu.dma_semaphore, #tpu.memory_space<semaphore_mem>>)
    %dma_wait3A_46 = arith.constant 0 : i32
    %dma_wait3A_47 = arith.constant 0 : i32
    %dma_wait3A_48 = tpu.memref_slice %arg2[%dma_wait3A_46, %dma_wait3A_47] : memref<10240x128xf32, #tpu.memory_space<hbm>> -> memref<10240x128xf32, #tpu.memory_space<hbm>>
    tpu.wait_indirect_dma semaphore(%arg13 : memref<!tpu.dma_semaphore, #tpu.memory_space<semaphore_mem>>) src(%dma_wait3A_48 : memref<10240x128xf32, #tpu.memory_space<hbm>>) dst(%arg10 : memref<128x128xf32, #tpu.memory_space<vmem>>)
    %mul3A_49 = arith.constant 10112 : i32
    %mul3A_50 = arith.muli %add3A, %mul3A_49 : i32
    %add3A_51 = arith.constant 256 : i32
    %add3A_52 = arith.addi %mul3A_50, %add3A_51 : i32
    %dma_start3A_53 = tpu.memref_slice %arg3[%add3A_52] : memref<323584xi32, #tpu.memory_space<hbm>> -> memref<128xi32, #tpu.memory_space<hbm>>
    %dma_start3A_54 = tpu.memref_slice %arg3[%add3A_52] : memref<323584xi32, #tpu.memory_space<hbm>> -> memref<128xi32, #tpu.memory_space<hbm>>
    tpu.enqueue_dma source(%dma_start3A_54 : memref<128xi32, #tpu.memory_space<hbm>>) target(%arg6 : memref<128xi32, #tpu.memory_space<vmem>>) target_semaphore(%arg14 : memref<!tpu.dma_semaphore, #tpu.memory_space<semaphore_mem>>)
    %mul3A_55 = arith.constant 10112 : i32
    %mul3A_56 = arith.muli %add3A, %mul3A_55 : i32
    %add3A_57 = arith.constant 128 : i32
    %add3A_58 = arith.addi %mul3A_56, %add3A_57 : i32
    %dma_wait3A_59 = tpu.memref_slice %arg3[%add3A_58] : memref<323584xi32, #tpu.memory_space<hbm>> -> memref<128xi32, #tpu.memory_space<hbm>>
    %dma_wait3A_60 = tpu.memref_slice %arg3[%add3A_58] : memref<323584xi32, #tpu.memory_space<hbm>> -> memref<128xi32, #tpu.memory_space<hbm>>
    tpu.wait_dma2 semaphore(%arg15 : memref<!tpu.dma_semaphore, #tpu.memory_space<semaphore_mem>>) src(%dma_wait3A_60 : memref<128xi32, #tpu.memory_space<hbm>>) dst(%arg7 : memref<128xi32, #tpu.memory_space<vmem>>)
    %dma_start3A_61 = arith.constant 0 : i32
    %dma_start3A_62 = arith.constant 0 : i32
    %dma_start3A_63 = tpu.memref_slice %arg2[%dma_start3A_61, %dma_start3A_62] : memref<10240x128xf32, #tpu.memory_space<hbm>> -> memref<10240x128xf32, #tpu.memory_space<hbm>>
    tpu.enqueue_indirect_dma source(%dma_start3A_63 : memref<10240x128xf32, #tpu.memory_space<hbm>>) target(%arg11 : memref<128x128xf32, #tpu.memory_space<vmem>>) offsets(%arg7 : memref<128xi32, #tpu.memory_space<vmem>>) semaphore(%arg13 : memref<!tpu.dma_semaphore, #tpu.memory_space<semaphore_mem>>)
    %mul3A_64 = arith.constant 10112 : i32
    %mul3A_65 = arith.muli %add3A, %mul3A_64 : i32
    %add3A_66 = arith.constant 0 : i32
    %add3A_67 = arith.addi %mul3A_65, %add3A_66 : i32
    %dma_wait3A_68 = tpu.memref_slice %arg4[%add3A_67] : memref<323584xi32, #tpu.memory_space<hbm>> -> memref<128xi32, #tpu.memory_space<hbm>>
    %dma_wait3A_69 = tpu.memref_slice %arg4[%add3A_67] : memref<323584xi32, #tpu.memory_space<hbm>> -> memref<128xi32, #tpu.memory_space<hbm>>
    tpu.wait_dma2 semaphore(%arg16 : memref<!tpu.dma_semaphore, #tpu.memory_space<semaphore_mem>>) src(%dma_wait3A_69 : memref<128xi32, #tpu.memory_space<hbm>>) dst(%arg8 : memref<128xi32, #tpu.memory_space<vmem>>)
    %dma_start3A_70 = arith.constant 0 : i32
    %dma_start3A_71 = arith.constant 0 : i32
    %dma_start3A_72 = tpu.memref_slice %arg12[%dma_start3A_70, %dma_start3A_71] : memref<10240x128xf32, #tpu.memory_space<vmem_shared>> -> memref<10240x128xf32, #tpu.memory_space<vmem_shared>>
    tpu.enqueue_indirect_dma source(%arg10 : memref<128x128xf32, #tpu.memory_space<vmem>>) target(%dma_start3A_72 : memref<10240x128xf32, #tpu.memory_space<vmem_shared>>) offsets(%arg8 : memref<128xi32, #tpu.memory_space<vmem>>) semaphore(%arg18 : memref<!tpu.dma_semaphore, #tpu.memory_space<semaphore_mem>>) {add = true}
    %scan3A_73 = arith.constant 0 : i32
    %scan3A_74 = arith.constant 0 : i32
    %scan3A_75 = arith.constant 38 : i32
    %scan3A_76 = arith.addi %scan3A_74, %scan3A_75 : i32
    %scan3A_77 = arith.constant 1 : i32
    scf.for %scan3A_128 = %scan3A_74 to %scan3A_76 step %scan3A_77  : i32 {
      %mul3A_129 = arith.constant 2 : i32
      %mul3A_130 = arith.muli %mul3A_129, %scan3A_128 : i32
      %add3A_131 = arith.constant 1 : i32
      %add3A_132 = arith.addi %mul3A_130, %add3A_131 : i32
      %dma_wait3A_133 = arith.constant 0 : i32
      %dma_wait3A_134 = arith.constant 0 : i32
      %dma_wait3A_135 = tpu.memref_slice %arg2[%dma_wait3A_133, %dma_wait3A_134] : memref<10240x128xf32, #tpu.memory_space<hbm>> -> memref<10240x128xf32, #tpu.memory_space<hbm>>
      tpu.wait_indirect_dma semaphore(%arg13 : memref<!tpu.dma_semaphore, #tpu.memory_space<semaphore_mem>>) src(%dma_wait3A_135 : memref<10240x128xf32, #tpu.memory_space<hbm>>) dst(%arg11 : memref<128x128xf32, #tpu.memory_space<vmem>>)
      %add3A_136 = arith.constant 2 : i32
      %add3A_137 = arith.addi %add3A_132, %add3A_136 : i32
      %mul3A_138 = arith.constant 10112 : i32
      %mul3A_139 = arith.muli %add3A, %mul3A_138 : i32
      %mul3A_140 = arith.constant 128 : i32
      %mul3A_141 = arith.muli %add3A_137, %mul3A_140 : i32
      %add3A_142 = arith.addi %mul3A_139, %mul3A_141 : i32
      %dma_start3A_143 = tpu.memref_slice %arg3[%add3A_142] : memref<323584xi32, #tpu.memory_space<hbm>> -> memref<128xi32, #tpu.memory_space<hbm>>
      %dma_start3A_144 = tpu.memref_slice %arg3[%add3A_142] : memref<323584xi32, #tpu.memory_space<hbm>> -> memref<128xi32, #tpu.memory_space<hbm>>
      tpu.enqueue_dma source(%dma_start3A_144 : memref<128xi32, #tpu.memory_space<hbm>>) target(%arg7 : memref<128xi32, #tpu.memory_space<vmem>>) target_semaphore(%arg15 : memref<!tpu.dma_semaphore, #tpu.memory_space<semaphore_mem>>)
      %sub3A = arith.constant 1 : i32
      %sub3A_145 = arith.subi %add3A_132, %sub3A : i32
      %dma_wait3A_146 = arith.constant 0 : i32
      %dma_wait3A_147 = arith.constant 0 : i32
      %dma_wait3A_148 = tpu.memref_slice %arg12[%dma_wait3A_146, %dma_wait3A_147] : memref<10240x128xf32, #tpu.memory_space<vmem_shared>> -> memref<10240x128xf32, #tpu.memory_space<vmem_shared>>
      tpu.wait_indirect_dma semaphore(%arg18 : memref<!tpu.dma_semaphore, #tpu.memory_space<semaphore_mem>>) src(%arg10 : memref<128x128xf32, #tpu.memory_space<vmem>>) dst(%dma_wait3A_148 : memref<10240x128xf32, #tpu.memory_space<vmem_shared>>)
      %add3A_149 = arith.constant 1 : i32
      %add3A_150 = arith.addi %add3A_132, %add3A_149 : i32
      %mul3A_151 = arith.constant 10112 : i32
      %mul3A_152 = arith.muli %add3A, %mul3A_151 : i32
      %mul3A_153 = arith.constant 128 : i32
      %mul3A_154 = arith.muli %add3A_150, %mul3A_153 : i32
      %add3A_155 = arith.addi %mul3A_152, %mul3A_154 : i32
      %dma_start3A_156 = tpu.memref_slice %arg4[%add3A_155] : memref<323584xi32, #tpu.memory_space<hbm>> -> memref<128xi32, #tpu.memory_space<hbm>>
      %dma_start3A_157 = tpu.memref_slice %arg4[%add3A_155] : memref<323584xi32, #tpu.memory_space<hbm>> -> memref<128xi32, #tpu.memory_space<hbm>>
      tpu.enqueue_dma source(%dma_start3A_157 : memref<128xi32, #tpu.memory_space<hbm>>) target(%arg8 : memref<128xi32, #tpu.memory_space<vmem>>) target_semaphore(%arg16 : memref<!tpu.dma_semaphore, #tpu.memory_space<semaphore_mem>>)
      %add3A_158 = arith.constant 1 : i32
      %add3A_159 = arith.addi %add3A_132, %add3A_158 : i32
      %mul3A_160 = arith.constant 10112 : i32
      %mul3A_161 = arith.muli %add3A, %mul3A_160 : i32
      %mul3A_162 = arith.constant 128 : i32
      %mul3A_163 = arith.muli %add3A_159, %mul3A_162 : i32
      %add3A_164 = arith.addi %mul3A_161, %mul3A_163 : i32
      %dma_wait3A_165 = tpu.memref_slice %arg3[%add3A_164] : memref<323584xi32, #tpu.memory_space<hbm>> -> memref<128xi32, #tpu.memory_space<hbm>>
      %dma_wait3A_166 = tpu.memref_slice %arg3[%add3A_164] : memref<323584xi32, #tpu.memory_space<hbm>> -> memref<128xi32, #tpu.memory_space<hbm>>
      tpu.wait_dma2 semaphore(%arg14 : memref<!tpu.dma_semaphore, #tpu.memory_space<semaphore_mem>>) src(%dma_wait3A_166 : memref<128xi32, #tpu.memory_space<hbm>>) dst(%arg6 : memref<128xi32, #tpu.memory_space<vmem>>)
      %add3A_167 = arith.constant 1 : i32
      %add3A_168 = arith.addi %add3A_132, %add3A_167 : i32
      %dma_start3A_169 = arith.constant 0 : i32
      %dma_start3A_170 = arith.constant 0 : i32
      %dma_start3A_171 = tpu.memref_slice %arg2[%dma_start3A_169, %dma_start3A_170] : memref<10240x128xf32, #tpu.memory_space<hbm>> -> memref<10240x128xf32, #tpu.memory_space<hbm>>
      tpu.enqueue_indirect_dma source(%dma_start3A_171 : memref<10240x128xf32, #tpu.memory_space<hbm>>) target(%arg10 : memref<128x128xf32, #tpu.memory_space<vmem>>) offsets(%arg6 : memref<128xi32, #tpu.memory_space<vmem>>) semaphore(%arg13 : memref<!tpu.dma_semaphore, #tpu.memory_space<semaphore_mem>>)
      %mul3A_172 = arith.constant 10112 : i32
      %mul3A_173 = arith.muli %add3A, %mul3A_172 : i32
      %mul3A_174 = arith.constant 128 : i32
      %mul3A_175 = arith.muli %add3A_132, %mul3A_174 : i32
      %add3A_176 = arith.addi %mul3A_173, %mul3A_175 : i32
      %dma_wait3A_177 = tpu.memref_slice %arg4[%add3A_176] : memref<323584xi32, #tpu.memory_space<hbm>> -> memref<128xi32, #tpu.memory_space<hbm>>
      %dma_wait3A_178 = tpu.memref_slice %arg4[%add3A_176] : memref<323584xi32, #tpu.memory_space<hbm>> -> memref<128xi32, #tpu.memory_space<hbm>>
      tpu.wait_dma2 semaphore(%arg17 : memref<!tpu.dma_semaphore, #tpu.memory_space<semaphore_mem>>) src(%dma_wait3A_178 : memref<128xi32, #tpu.memory_space<hbm>>) dst(%arg9 : memref<128xi32, #tpu.memory_space<vmem>>)
      %dma_start3A_179 = arith.constant 0 : i32
      %dma_start3A_180 = arith.constant 0 : i32
      %dma_start3A_181 = tpu.memref_slice %arg12[%dma_start3A_179, %dma_start3A_180] : memref<10240x128xf32, #tpu.memory_space<vmem_shared>> -> memref<10240x128xf32, #tpu.memory_space<vmem_shared>>
      tpu.enqueue_indirect_dma source(%arg11 : memref<128x128xf32, #tpu.memory_space<vmem>>) target(%dma_start3A_181 : memref<10240x128xf32, #tpu.memory_space<vmem_shared>>) offsets(%arg9 : memref<128xi32, #tpu.memory_space<vmem>>) semaphore(%arg19 : memref<!tpu.dma_semaphore, #tpu.memory_space<semaphore_mem>>) {add = true}
      %mul3A_182 = arith.constant 2 : i32
      %mul3A_183 = arith.muli %mul3A_182, %scan3A_128 : i32
      %add3A_184 = arith.constant 2 : i32
      %add3A_185 = arith.addi %mul3A_183, %add3A_184 : i32
      %dma_wait3A_186 = arith.constant 0 : i32
      %dma_wait3A_187 = arith.constant 0 : i32
      %dma_wait3A_188 = tpu.memref_slice %arg2[%dma_wait3A_186, %dma_wait3A_187] : memref<10240x128xf32, #tpu.memory_space<hbm>> -> memref<10240x128xf32, #tpu.memory_space<hbm>>
      tpu.wait_indirect_dma semaphore(%arg13 : memref<!tpu.dma_semaphore, #tpu.memory_space<semaphore_mem>>) src(%dma_wait3A_188 : memref<10240x128xf32, #tpu.memory_space<hbm>>) dst(%arg10 : memref<128x128xf32, #tpu.memory_space<vmem>>)
      %add3A_189 = arith.constant 2 : i32
      %add3A_190 = arith.addi %add3A_185, %add3A_189 : i32
      %mul3A_191 = arith.constant 10112 : i32
      %mul3A_192 = arith.muli %add3A, %mul3A_191 : i32
      %mul3A_193 = arith.constant 128 : i32
      %mul3A_194 = arith.muli %add3A_190, %mul3A_193 : i32
      %add3A_195 = arith.addi %mul3A_192, %mul3A_194 : i32
      %dma_start3A_196 = tpu.memref_slice %arg3[%add3A_195] : memref<323584xi32, #tpu.memory_space<hbm>> -> memref<128xi32, #tpu.memory_space<hbm>>
      %dma_start3A_197 = tpu.memref_slice %arg3[%add3A_195] : memref<323584xi32, #tpu.memory_space<hbm>> -> memref<128xi32, #tpu.memory_space<hbm>>
      tpu.enqueue_dma source(%dma_start3A_197 : memref<128xi32, #tpu.memory_space<hbm>>) target(%arg6 : memref<128xi32, #tpu.memory_space<vmem>>) target_semaphore(%arg14 : memref<!tpu.dma_semaphore, #tpu.memory_space<semaphore_mem>>)
      %sub3A_198 = arith.constant 1 : i32
      %sub3A_199 = arith.subi %add3A_185, %sub3A_198 : i32
      %dma_wait3A_200 = arith.constant 0 : i32
      %dma_wait3A_201 = arith.constant 0 : i32
      %dma_wait3A_202 = tpu.memref_slice %arg12[%dma_wait3A_200, %dma_wait3A_201] : memref<10240x128xf32, #tpu.memory_space<vmem_shared>> -> memref<10240x128xf32, #tpu.memory_space<vmem_shared>>
      tpu.wait_indirect_dma semaphore(%arg19 : memref<!tpu.dma_semaphore, #tpu.memory_space<semaphore_mem>>) src(%arg11 : memref<128x128xf32, #tpu.memory_space<vmem>>) dst(%dma_wait3A_202 : memref<10240x128xf32, #tpu.memory_space<vmem_shared>>)
      %add3A_203 = arith.constant 1 : i32
      %add3A_204 = arith.addi %add3A_185, %add3A_203 : i32
      %mul3A_205 = arith.constant 10112 : i32
      %mul3A_206 = arith.muli %add3A, %mul3A_205 : i32
      %mul3A_207 = arith.constant 128 : i32
      %mul3A_208 = arith.muli %add3A_204, %mul3A_207 : i32
      %add3A_209 = arith.addi %mul3A_206, %mul3A_208 : i32
      %dma_start3A_210 = tpu.memref_slice %arg4[%add3A_209] : memref<323584xi32, #tpu.memory_space<hbm>> -> memref<128xi32, #tpu.memory_space<hbm>>
      %dma_start3A_211 = tpu.memref_slice %arg4[%add3A_209] : memref<323584xi32, #tpu.memory_space<hbm>> -> memref<128xi32, #tpu.memory_space<hbm>>
      tpu.enqueue_dma source(%dma_start3A_211 : memref<128xi32, #tpu.memory_space<hbm>>) target(%arg9 : memref<128xi32, #tpu.memory_space<vmem>>) target_semaphore(%arg17 : memref<!tpu.dma_semaphore, #tpu.memory_space<semaphore_mem>>)
      %add3A_212 = arith.constant 1 : i32
      %add3A_213 = arith.addi %add3A_185, %add3A_212 : i32
      %mul3A_214 = arith.constant 10112 : i32
      %mul3A_215 = arith.muli %add3A, %mul3A_214 : i32
      %mul3A_216 = arith.constant 128 : i32
      %mul3A_217 = arith.muli %add3A_213, %mul3A_216 : i32
      %add3A_218 = arith.addi %mul3A_215, %mul3A_217 : i32
      %dma_wait3A_219 = tpu.memref_slice %arg3[%add3A_218] : memref<323584xi32, #tpu.memory_space<hbm>> -> memref<128xi32, #tpu.memory_space<hbm>>
      %dma_wait3A_220 = tpu.memref_slice %arg3[%add3A_218] : memref<323584xi32, #tpu.memory_space<hbm>> -> memref<128xi32, #tpu.memory_space<hbm>>
      tpu.wait_dma2 semaphore(%arg15 : memref<!tpu.dma_semaphore, #tpu.memory_space<semaphore_mem>>) src(%dma_wait3A_220 : memref<128xi32, #tpu.memory_space<hbm>>) dst(%arg7 : memref<128xi32, #tpu.memory_space<vmem>>)
      %add3A_221 = arith.constant 1 : i32
      %add3A_222 = arith.addi %add3A_185, %add3A_221 : i32
      %dma_start3A_223 = arith.constant 0 : i32
      %dma_start3A_224 = arith.constant 0 : i32
      %dma_start3A_225 = tpu.memref_slice %arg2[%dma_start3A_223, %dma_start3A_224] : memref<10240x128xf32, #tpu.memory_space<hbm>> -> memref<10240x128xf32, #tpu.memory_space<hbm>>
      tpu.enqueue_indirect_dma source(%dma_start3A_225 : memref<10240x128xf32, #tpu.memory_space<hbm>>) target(%arg11 : memref<128x128xf32, #tpu.memory_space<vmem>>) offsets(%arg7 : memref<128xi32, #tpu.memory_space<vmem>>) semaphore(%arg13 : memref<!tpu.dma_semaphore, #tpu.memory_space<semaphore_mem>>)
      %mul3A_226 = arith.constant 10112 : i32
      %mul3A_227 = arith.muli %add3A, %mul3A_226 : i32
      %mul3A_228 = arith.constant 128 : i32
      %mul3A_229 = arith.muli %add3A_185, %mul3A_228 : i32
      %add3A_230 = arith.addi %mul3A_227, %mul3A_229 : i32
      %dma_wait3A_231 = tpu.memref_slice %arg4[%add3A_230] : memref<323584xi32, #tpu.memory_space<hbm>> -> memref<128xi32, #tpu.memory_space<hbm>>
      %dma_wait3A_232 = tpu.memref_slice %arg4[%add3A_230] : memref<323584xi32, #tpu.memory_space<hbm>> -> memref<128xi32, #tpu.memory_space<hbm>>
      tpu.wait_dma2 semaphore(%arg16 : memref<!tpu.dma_semaphore, #tpu.memory_space<semaphore_mem>>) src(%dma_wait3A_232 : memref<128xi32, #tpu.memory_space<hbm>>) dst(%arg8 : memref<128xi32, #tpu.memory_space<vmem>>)
      %dma_start3A_233 = arith.constant 0 : i32
      %dma_start3A_234 = arith.constant 0 : i32
      %dma_start3A_235 = tpu.memref_slice %arg12[%dma_start3A_233, %dma_start3A_234] : memref<10240x128xf32, #tpu.memory_space<vmem_shared>> -> memref<10240x128xf32, #tpu.memory_space<vmem_shared>>
      tpu.enqueue_indirect_dma source(%arg10 : memref<128x128xf32, #tpu.memory_space<vmem>>) target(%dma_start3A_235 : memref<10240x128xf32, #tpu.memory_space<vmem_shared>>) offsets(%arg8 : memref<128xi32, #tpu.memory_space<vmem>>) semaphore(%arg18 : memref<!tpu.dma_semaphore, #tpu.memory_space<semaphore_mem>>) {add = true}
    }
    %scan3A_78 = arith.constant 38 : i32
    %dma_wait3A_79 = arith.constant 0 : i32
    %dma_wait3A_80 = arith.constant 0 : i32
    %dma_wait3A_81 = tpu.memref_slice %arg2[%dma_wait3A_79, %dma_wait3A_80] : memref<10240x128xf32, #tpu.memory_space<hbm>> -> memref<10240x128xf32, #tpu.memory_space<hbm>>
    tpu.wait_indirect_dma semaphore(%arg13 : memref<!tpu.dma_semaphore, #tpu.memory_space<semaphore_mem>>) src(%dma_wait3A_81 : memref<10240x128xf32, #tpu.memory_space<hbm>>) dst(%arg11 : memref<128x128xf32, #tpu.memory_space<vmem>>)
    %dma_wait3A_82 = arith.constant 0 : i32
    %dma_wait3A_83 = arith.constant 0 : i32
    %dma_wait3A_84 = tpu.memref_slice %arg12[%dma_wait3A_82, %dma_wait3A_83] : memref<10240x128xf32, #tpu.memory_space<vmem_shared>> -> memref<10240x128xf32, #tpu.memory_space<vmem_shared>>
    tpu.wait_indirect_dma semaphore(%arg18 : memref<!tpu.dma_semaphore, #tpu.memory_space<semaphore_mem>>) src(%arg10 : memref<128x128xf32, #tpu.memory_space<vmem>>) dst(%dma_wait3A_84 : memref<10240x128xf32, #tpu.memory_space<vmem_shared>>)
    %mul3A_85 = arith.constant 10112 : i32
    %mul3A_86 = arith.muli %add3A, %mul3A_85 : i32
    %add3A_87 = arith.constant 9984 : i32
    %add3A_88 = arith.addi %mul3A_86, %add3A_87 : i32
    %dma_start3A_89 = tpu.memref_slice %arg4[%add3A_88] : memref<323584xi32, #tpu.memory_space<hbm>> -> memref<128xi32, #tpu.memory_space<hbm>>
    %dma_start3A_90 = tpu.memref_slice %arg4[%add3A_88] : memref<323584xi32, #tpu.memory_space<hbm>> -> memref<128xi32, #tpu.memory_space<hbm>>
    tpu.enqueue_dma source(%dma_start3A_90 : memref<128xi32, #tpu.memory_space<hbm>>) target(%arg8 : memref<128xi32, #tpu.memory_space<vmem>>) target_semaphore(%arg16 : memref<!tpu.dma_semaphore, #tpu.memory_space<semaphore_mem>>)
    %mul3A_91 = arith.constant 10112 : i32
    %mul3A_92 = arith.muli %add3A, %mul3A_91 : i32
    %add3A_93 = arith.constant 9984 : i32
    %add3A_94 = arith.addi %mul3A_92, %add3A_93 : i32
    %dma_wait3A_95 = tpu.memref_slice %arg3[%add3A_94] : memref<323584xi32, #tpu.memory_space<hbm>> -> memref<128xi32, #tpu.memory_space<hbm>>
    %dma_wait3A_96 = tpu.memref_slice %arg3[%add3A_94] : memref<323584xi32, #tpu.memory_space<hbm>> -> memref<128xi32, #tpu.memory_space<hbm>>
    tpu.wait_dma2 semaphore(%arg14 : memref<!tpu.dma_semaphore, #tpu.memory_space<semaphore_mem>>) src(%dma_wait3A_96 : memref<128xi32, #tpu.memory_space<hbm>>) dst(%arg6 : memref<128xi32, #tpu.memory_space<vmem>>)
    %dma_start3A_97 = arith.constant 0 : i32
    %dma_start3A_98 = arith.constant 0 : i32
    %dma_start3A_99 = tpu.memref_slice %arg2[%dma_start3A_97, %dma_start3A_98] : memref<10240x128xf32, #tpu.memory_space<hbm>> -> memref<10240x128xf32, #tpu.memory_space<hbm>>
    tpu.enqueue_indirect_dma source(%dma_start3A_99 : memref<10240x128xf32, #tpu.memory_space<hbm>>) target(%arg10 : memref<128x128xf32, #tpu.memory_space<vmem>>) offsets(%arg6 : memref<128xi32, #tpu.memory_space<vmem>>) semaphore(%arg13 : memref<!tpu.dma_semaphore, #tpu.memory_space<semaphore_mem>>)
    %mul3A_100 = arith.constant 10112 : i32
    %mul3A_101 = arith.muli %add3A, %mul3A_100 : i32
    %add3A_102 = arith.constant 9856 : i32
    %add3A_103 = arith.addi %mul3A_101, %add3A_102 : i32
    %dma_wait3A_104 = tpu.memref_slice %arg4[%add3A_103] : memref<323584xi32, #tpu.memory_space<hbm>> -> memref<128xi32, #tpu.memory_space<hbm>>
    %dma_wait3A_105 = tpu.memref_slice %arg4[%add3A_103] : memref<323584xi32, #tpu.memory_space<hbm>> -> memref<128xi32, #tpu.memory_space<hbm>>
    tpu.wait_dma2 semaphore(%arg17 : memref<!tpu.dma_semaphore, #tpu.memory_space<semaphore_mem>>) src(%dma_wait3A_105 : memref<128xi32, #tpu.memory_space<hbm>>) dst(%arg9 : memref<128xi32, #tpu.memory_space<vmem>>)
    %dma_start3A_106 = arith.constant 0 : i32
    %dma_start3A_107 = arith.constant 0 : i32
    %dma_start3A_108 = tpu.memref_slice %arg12[%dma_start3A_106, %dma_start3A_107] : memref<10240x128xf32, #tpu.memory_space<vmem_shared>> -> memref<10240x128xf32, #tpu.memory_space<vmem_shared>>
    tpu.enqueue_indirect_dma source(%arg11 : memref<128x128xf32, #tpu.memory_space<vmem>>) target(%dma_start3A_108 : memref<10240x128xf32, #tpu.memory_space<vmem_shared>>) offsets(%arg9 : memref<128xi32, #tpu.memory_space<vmem>>) semaphore(%arg19 : memref<!tpu.dma_semaphore, #tpu.memory_space<semaphore_mem>>) {add = true}
    %dma_wait3A_109 = arith.constant 0 : i32
    %dma_wait3A_110 = arith.constant 0 : i32
    %dma_wait3A_111 = tpu.memref_slice %arg2[%dma_wait3A_109, %dma_wait3A_110] : memref<10240x128xf32, #tpu.memory_space<hbm>> -> memref<10240x128xf32, #tpu.memory_space<hbm>>
    tpu.wait_indirect_dma semaphore(%arg13 : memref<!tpu.dma_semaphore, #tpu.memory_space<semaphore_mem>>) src(%dma_wait3A_111 : memref<10240x128xf32, #tpu.memory_space<hbm>>) dst(%arg10 : memref<128x128xf32, #tpu.memory_space<vmem>>)
    %dma_wait3A_112 = arith.constant 0 : i32
    %dma_wait3A_113 = arith.constant 0 : i32
    %dma_wait3A_114 = tpu.memref_slice %arg12[%dma_wait3A_112, %dma_wait3A_113] : memref<10240x128xf32, #tpu.memory_space<vmem_shared>> -> memref<10240x128xf32, #tpu.memory_space<vmem_shared>>
    tpu.wait_indirect_dma semaphore(%arg19 : memref<!tpu.dma_semaphore, #tpu.memory_space<semaphore_mem>>) src(%arg11 : memref<128x128xf32, #tpu.memory_space<vmem>>) dst(%dma_wait3A_114 : memref<10240x128xf32, #tpu.memory_space<vmem_shared>>)
    %mul3A_115 = arith.constant 10112 : i32
    %mul3A_116 = arith.muli %add3A, %mul3A_115 : i32
    %add3A_117 = arith.constant 9984 : i32
    %add3A_118 = arith.addi %mul3A_116, %add3A_117 : i32
    %dma_wait3A_119 = tpu.memref_slice %arg4[%add3A_118] : memref<323584xi32, #tpu.memory_space<hbm>> -> memref<128xi32, #tpu.memory_space<hbm>>
    %dma_wait3A_120 = tpu.memref_slice %arg4[%add3A_118] : memref<323584xi32, #tpu.memory_space<hbm>> -> memref<128xi32, #tpu.memory_space<hbm>>
    tpu.wait_dma2 semaphore(%arg16 : memref<!tpu.dma_semaphore, #tpu.memory_space<semaphore_mem>>) src(%dma_wait3A_120 : memref<128xi32, #tpu.memory_space<hbm>>) dst(%arg8 : memref<128xi32, #tpu.memory_space<vmem>>)
    %dma_start3A_121 = arith.constant 0 : i32
    %dma_start3A_122 = arith.constant 0 : i32
    %dma_start3A_123 = tpu.memref_slice %arg12[%dma_start3A_121, %dma_start3A_122] : memref<10240x128xf32, #tpu.memory_space<vmem_shared>> -> memref<10240x128xf32, #tpu.memory_space<vmem_shared>>
    tpu.enqueue_indirect_dma source(%arg10 : memref<128x128xf32, #tpu.memory_space<vmem>>) target(%dma_start3A_123 : memref<10240x128xf32, #tpu.memory_space<vmem_shared>>) offsets(%arg8 : memref<128xi32, #tpu.memory_space<vmem>>) semaphore(%arg18 : memref<!tpu.dma_semaphore, #tpu.memory_space<semaphore_mem>>) {add = true}
    %dma_wait3A_124 = arith.constant 0 : i32
    %dma_wait3A_125 = arith.constant 0 : i32
    %dma_wait3A_126 = tpu.memref_slice %arg12[%dma_wait3A_124, %dma_wait3A_125] : memref<10240x128xf32, #tpu.memory_space<vmem_shared>> -> memref<10240x128xf32, #tpu.memory_space<vmem_shared>>
    tpu.wait_indirect_dma semaphore(%arg18 : memref<!tpu.dma_semaphore, #tpu.memory_space<semaphore_mem>>) src(%arg10 : memref<128x128xf32, #tpu.memory_space<vmem>>) dst(%dma_wait3A_126 : memref<10240x128xf32, #tpu.memory_space<vmem_shared>>)
    %barrier3A_127 = arith.constant 0 : index
    tpu.barrier barrier_id(%barrier3A_127)
    "tpu.region"() ({
      %run_scoped3A = tpu.sem_alloc : memref<!tpu.dma_semaphore, #tpu.memory_space<semaphore_mem>>
      %dma_start3A_128 = arith.constant 0 : i32
      %dma_start3A_129 = tpu.memref_slice %arg5[%arg0, %mul3A_31, %dma_start3A_128] : memref<2x10240x128xf32, #tpu.memory_space<hbm>> -> memref<1x640x128xf32, #tpu.memory_space<hbm>>
      %dma_start3A_130 = tpu.memref_squeeze %dma_start3A_129 : memref<1x640x128xf32, #tpu.memory_space<hbm>> -> memref<640x128xf32, #tpu.memory_space<hbm>>
      %dma_start3A_131 = arith.constant 0 : i32
      %dma_start3A_132 = tpu.memref_slice %arg12[%mul3A_31, %dma_start3A_131] : memref<10240x128xf32, #tpu.memory_space<vmem_shared>> -> memref<640x128xf32, #tpu.memory_space<vmem_shared>>
      tpu.enqueue_dma source(%dma_start3A_132 : memref<640x128xf32, #tpu.memory_space<vmem_shared>>) target(%dma_start3A_130 : memref<640x128xf32, #tpu.memory_space<hbm>>) target_semaphore(%run_scoped3A : memref<!tpu.dma_semaphore, #tpu.memory_space<semaphore_mem>>)
      %dma_wait3A_133 = arith.constant 0 : i32
      %dma_wait3A_134 = tpu.memref_slice %arg5[%arg0, %mul3A_31, %dma_wait3A_133] : memref<2x10240x128xf32, #tpu.memory_space<hbm>> -> memref<1x640x128xf32, #tpu.memory_space<hbm>>
      %dma_wait3A_135 = tpu.memref_squeeze %dma_wait3A_134 : memref<1x640x128xf32, #tpu.memory_space<hbm>> -> memref<640x128xf32, #tpu.memory_space<hbm>>
      %dma_wait3A_136 = arith.constant 0 : i32
      %dma_wait3A_137 = tpu.memref_slice %arg12[%mul3A_31, %dma_wait3A_136] : memref<10240x128xf32, #tpu.memory_space<vmem_shared>> -> memref<640x128xf32, #tpu.memory_space<vmem_shared>>
      tpu.wait_dma2 semaphore(%run_scoped3A : memref<!tpu.dma_semaphore, #tpu.memory_space<semaphore_mem>>) src(%dma_wait3A_137 : memref<640x128xf32, #tpu.memory_space<vmem_shared>>) dst(%dma_wait3A_135 : memref<640x128xf32, #tpu.memory_space<hbm>>)
      tpu.yield
    }) : () -> ()
    return
  }
}

module attributes {stable_mosaic.version = 14 : i64} {
  func.func @_tc_pre_body(%arg0: i32, %arg1: memref<2x2048x128xf32, #tpu.memory_space<vmem>>, %arg2: memref<2048x128xf32, #tpu.memory_space<vmem>>, %arg3: memref<128x128xf32, #tpu.memory_space<vmem>>, %arg4: memref<2048x128xf32, #tpu.memory_space<vmem>>, %arg5: memref<2048x1xf32, #tpu.memory_space<vmem>>) attributes {dimension_semantics = [#tpu.dimension_semantics<arbitrary>], iteration_bounds = array<i64: 5>, scalar_prefetch = 0 : i64, scratch_operands = 0 : i64, tpu.core_type = #tpu.core_type<tc>, window_params = [{transform_indices = @transform_0, window_bounds = array<i64: 2, 2048, 128>}, {transform_indices = @transform_1, window_bounds = array<i64: 2048, 128>}, {pipeline_mode = #tpu.pipeline_mode<synchronous>, transform_indices = @transform_2, window_bounds = array<i64: 128, 128>}, {transform_indices = @transform_3, window_bounds = array<i64: 2048, 128>}, {transform_indices = @transform_4, window_bounds = array<i64: 2048, 1>}]} {
    %get3A = arith.constant 0 : index
    %get3A_0 = arith.constant 0 : index
    %get3A_1 = arith.constant 0 : index
    %get3A_2 = vector.load %arg1[%get3A, %get3A_0, %get3A_1] : memref<2x2048x128xf32, #tpu.memory_space<vmem>>, vector<2x2048x128xf32>
    %slice3A = vector.extract_strided_slice %get3A_2 {offsets = [0, 0, 0], sizes = [1, 2048, 1], strides = [1, 1, 1]} : vector<2x2048x128xf32> to vector<1x2048x1xf32>
    %squeeze3A = vector.shape_cast %slice3A : vector<1x2048x1xf32> to vector<2048xf32>
    %slice3A_3 = vector.extract_strided_slice %get3A_2 {offsets = [1, 0, 0], sizes = [1, 2048, 1], strides = [1, 1, 1]} : vector<2x2048x128xf32> to vector<1x2048x1xf32>
    %squeeze3A_4 = vector.shape_cast %slice3A_3 : vector<1x2048x1xf32> to vector<2048xf32>
    %add3A = arith.addf %squeeze3A, %squeeze3A_4 : vector<2048xf32>
    %add3A_5 = arith.constant 1.000000e+00 : f32
    %add3A_6 = vector.broadcast %add3A_5 : f32 to vector<2048xf32>
    %add3A_7 = arith.addf %add3A, %add3A_6 : vector<2048xf32>
    %rsqrt3A = math.rsqrt %add3A_7 : vector<2048xf32>
    %broadcast_in_dim3A = vector.shape_cast %rsqrt3A : vector<2048xf32> to vector<2048x1xf32>
    %get3A_8 = arith.constant 0 : index
    %get3A_9 = arith.constant 0 : index
    %get3A_10 = vector.load %arg2[%get3A_8, %get3A_9] : memref<2048x128xf32, #tpu.memory_space<vmem>>, vector<2048x128xf32>
    %get3A_11 = arith.constant 0 : index
    %get3A_12 = arith.constant 0 : index
    %get3A_13 = vector.load %arg3[%get3A_11, %get3A_12] : memref<128x128xf32, #tpu.memory_space<vmem>>, vector<128x128xf32>
    %dot_general3A = arith.constant dense<0.000000e+00> : vector<2048x128xf32>
    %dot_general3A_14 = tpu.matmul %get3A_10, %get3A_13, %dot_general3A {dimension_numbers = #tpu.dot_dimension_numbers<[1], [0], [0], [1], [0, 0, 1, 1], [], []>, transpose_lhs_hint = false} : vector<2048x128xf32>, vector<128x128xf32>, vector<2048x128xf32> -> vector<2048x128xf32>
    %mul3A = vector.broadcast %broadcast_in_dim3A : vector<2048x1xf32> to vector<2048x128xf32>
    %mul3A_15 = arith.mulf %dot_general3A_14, %mul3A : vector<2048x128xf32>
    %swap3A = arith.constant 0 : index
    %swap3A_16 = arith.constant 0 : index
    %swap3A_17 = vector.load %arg4[%swap3A, %swap3A_16] : memref<2048x128xf32, #tpu.memory_space<vmem>>, vector<2048x128xf32>
    tpu.vector_store %arg4[%swap3A, %swap3A_16], %mul3A_15 {strides = array<i32>} : memref<2048x128xf32, #tpu.memory_space<vmem>>, vector<2048x128xf32>,
    %swap3A_18 = arith.constant 0 : index
    %swap3A_19 = arith.constant 0 : index
    %swap3A_20 = vector.load %arg5[%swap3A_18, %swap3A_19] : memref<2048x1xf32, #tpu.memory_space<vmem>>, vector<2048x1xf32>
    tpu.vector_store %arg5[%swap3A_18, %swap3A_19], %broadcast_in_dim3A {strides = array<i32>} : memref<2048x1xf32, #tpu.memory_space<vmem>>, vector<2048x1xf32>,
    return
  }
  func.func @transform_0(%arg0: i32) -> (i32, i32, i32) {
    %c0_i32 = arith.constant 0 : i32
    %c0_i32_0 = arith.constant 0 : i32
    %c0_i32_1 = arith.constant 0 : i32
    return %c0_i32, %arg0, %c0_i32_0 : i32, i32, i32
  }
  func.func @transform_1(%arg0: i32) -> (i32, i32) {
    %c0_i32 = arith.constant 0 : i32
    %c0_i32_0 = arith.constant 0 : i32
    return %arg0, %c0_i32 : i32, i32
  }
  func.func @transform_2(%arg0: i32) -> (i32, i32) {
    %c0_i32 = arith.constant 0 : i32
    %c0_i32_0 = arith.constant 0 : i32
    %c0_i32_1 = arith.constant 0 : i32
    return %c0_i32, %c0_i32_0 : i32, i32
  }
  func.func @transform_3(%arg0: i32) -> (i32, i32) {
    %c0_i32 = arith.constant 0 : i32
    %c0_i32_0 = arith.constant 0 : i32
    return %arg0, %c0_i32 : i32, i32
  }
  func.func @transform_4(%arg0: i32) -> (i32, i32) {
    %c0_i32 = arith.constant 0 : i32
    %c0_i32_0 = arith.constant 0 : i32
    return %arg0, %c0_i32 : i32, i32
  }
}

module attributes {stable_mosaic.version = 14 : i64} {
  func.func @_tc_mid_body(%arg0: i32, %arg1: memref<2x2048x128xf32, #tpu.memory_space<vmem>>, %arg2: memref<2048x128xf32, #tpu.memory_space<vmem>>, %arg3: memref<2048x1xf32, #tpu.memory_space<vmem>>, %arg4: memref<1x128xf32, #tpu.memory_space<vmem>>, %arg5: memref<128x128xf32, #tpu.memory_space<vmem>>, %arg6: memref<2048x128xf32, #tpu.memory_space<vmem>>) attributes {dimension_semantics = [#tpu.dimension_semantics<arbitrary>], iteration_bounds = array<i64: 5>, scalar_prefetch = 0 : i64, scratch_operands = 0 : i64, tpu.core_type = #tpu.core_type<tc>, window_params = [{transform_indices = @transform_0, window_bounds = array<i64: 2, 2048, 128>}, {transform_indices = @transform_1, window_bounds = array<i64: 2048, 128>}, {transform_indices = @transform_2, window_bounds = array<i64: 2048, 1>}, {pipeline_mode = #tpu.pipeline_mode<synchronous>, transform_indices = @transform_3, window_bounds = array<i64: 1, 128>}, {pipeline_mode = #tpu.pipeline_mode<synchronous>, transform_indices = @transform_4, window_bounds = array<i64: 128, 128>}, {transform_indices = @transform_5, window_bounds = array<i64: 2048, 128>}]} {
    %get3A = arith.constant 0 : index
    %get3A_0 = arith.constant 0 : index
    %get3A_1 = vector.load %arg3[%get3A, %get3A_0] : memref<2048x1xf32, #tpu.memory_space<vmem>>, vector<2048x1xf32>
    %get3A_2 = arith.constant 0 : index
    %get3A_3 = arith.constant 0 : index
    %get3A_4 = arith.constant 0 : index
    %get3A_5 = vector.load %arg1[%get3A_2, %get3A_3, %get3A_4] : memref<2x2048x128xf32, #tpu.memory_space<vmem>>, vector<1x2048x128xf32>
    %get3A_6 = vector.shape_cast %get3A_5 : vector<1x2048x128xf32> to vector<2048x128xf32>
    %get3A_7 = arith.constant 1 : index
    %get3A_8 = arith.constant 0 : index
    %get3A_9 = arith.constant 0 : index
    %get3A_10 = vector.load %arg1[%get3A_7, %get3A_8, %get3A_9] : memref<2x2048x128xf32, #tpu.memory_space<vmem>>, vector<1x2048x128xf32>
    %get3A_11 = vector.shape_cast %get3A_10 : vector<1x2048x128xf32> to vector<2048x128xf32>
    %add3A = arith.addf %get3A_6, %get3A_11 : vector<2048x128xf32>
    %get3A_12 = arith.constant 0 : index
    %get3A_13 = arith.constant 0 : index
    %get3A_14 = vector.load %arg2[%get3A_12, %get3A_13] : memref<2048x128xf32, #tpu.memory_space<vmem>>, vector<2048x128xf32>
    %add3A_15 = arith.addf %add3A, %get3A_14 : vector<2048x128xf32>
    %mul3A = vector.broadcast %get3A_1 : vector<2048x1xf32> to vector<2048x128xf32>
    %mul3A_16 = arith.mulf %mul3A, %add3A_15 : vector<2048x128xf32>
    %get3A_17 = arith.constant 0 : index
    %get3A_18 = arith.constant 0 : index
    %get3A_19 = vector.load %arg4[%get3A_17, %get3A_18] : memref<1x128xf32, #tpu.memory_space<vmem>>, vector<1x128xf32>
    %add3A_20 = vector.broadcast %get3A_19 : vector<1x128xf32> to vector<2048x128xf32>
    %add3A_21 = arith.addf %mul3A_16, %add3A_20 : vector<2048x128xf32>
    %tanh3A = math.tanh %add3A_21 : vector<2048x128xf32>
    %get3A_22 = arith.constant 0 : index
    %get3A_23 = arith.constant 0 : index
    %get3A_24 = vector.load %arg5[%get3A_22, %get3A_23] : memref<128x128xf32, #tpu.memory_space<vmem>>, vector<128x128xf32>
    %dot_general3A = arith.constant dense<0.000000e+00> : vector<2048x128xf32>
    %dot_general3A_25 = tpu.matmul %tanh3A, %get3A_24, %dot_general3A {dimension_numbers = #tpu.dot_dimension_numbers<[1], [0], [0], [1], [0, 0, 1, 1], [], []>, transpose_lhs_hint = false} : vector<2048x128xf32>, vector<128x128xf32>, vector<2048x128xf32> -> vector<2048x128xf32>
    %mul3A_26 = vector.broadcast %get3A_1 : vector<2048x1xf32> to vector<2048x128xf32>
    %mul3A_27 = arith.mulf %dot_general3A_25, %mul3A_26 : vector<2048x128xf32>
    %swap3A = arith.constant 0 : index
    %swap3A_28 = arith.constant 0 : index
    %swap3A_29 = vector.load %arg6[%swap3A, %swap3A_28] : memref<2048x128xf32, #tpu.memory_space<vmem>>, vector<2048x128xf32>
    tpu.vector_store %arg6[%swap3A, %swap3A_28], %mul3A_27 {strides = array<i32>} : memref<2048x128xf32, #tpu.memory_space<vmem>>, vector<2048x128xf32>,
    return
  }
  func.func @transform_0(%arg0: i32) -> (i32, i32, i32) {
    %c0_i32 = arith.constant 0 : i32
    %c0_i32_0 = arith.constant 0 : i32
    %c0_i32_1 = arith.constant 0 : i32
    return %c0_i32, %arg0, %c0_i32_0 : i32, i32, i32
  }
  func.func @transform_1(%arg0: i32) -> (i32, i32) {
    %c0_i32 = arith.constant 0 : i32
    %c0_i32_0 = arith.constant 0 : i32
    return %arg0, %c0_i32 : i32, i32
  }
  func.func @transform_2(%arg0: i32) -> (i32, i32) {
    %c0_i32 = arith.constant 0 : i32
    %c0_i32_0 = arith.constant 0 : i32
    return %arg0, %c0_i32 : i32, i32
  }
  func.func @transform_3(%arg0: i32) -> (i32, i32) {
    %c0_i32 = arith.constant 0 : i32
    %c0_i32_0 = arith.constant 0 : i32
    %c0_i32_1 = arith.constant 0 : i32
    return %c0_i32, %c0_i32_0 : i32, i32
  }
  func.func @transform_4(%arg0: i32) -> (i32, i32) {
    %c0_i32 = arith.constant 0 : i32
    %c0_i32_0 = arith.constant 0 : i32
    %c0_i32_1 = arith.constant 0 : i32
    return %c0_i32, %c0_i32_0 : i32, i32
  }
  func.func @transform_5(%arg0: i32) -> (i32, i32) {
    %c0_i32 = arith.constant 0 : i32
    %c0_i32_0 = arith.constant 0 : i32
    return %arg0, %c0_i32 : i32, i32
  }
}

module attributes {stable_mosaic.version = 14 : i64} {
  func.func @_tc_post_body(%arg0: i32, %arg1: memref<2x2048x128xf32, #tpu.memory_space<vmem>>, %arg2: memref<2048x128xf32, #tpu.memory_space<vmem>>, %arg3: memref<2048x1xf32, #tpu.memory_space<vmem>>, %arg4: memref<1x128xf32, #tpu.memory_space<vmem>>, %arg5: memref<2048x128xf32, #tpu.memory_space<vmem>>) attributes {dimension_semantics = [#tpu.dimension_semantics<arbitrary>], iteration_bounds = array<i64: 5>, scalar_prefetch = 0 : i64, scratch_operands = 0 : i64, tpu.core_type = #tpu.core_type<tc>, window_params = [{transform_indices = @transform_0, window_bounds = array<i64: 2, 2048, 128>}, {transform_indices = @transform_1, window_bounds = array<i64: 2048, 128>}, {transform_indices = @transform_2, window_bounds = array<i64: 2048, 1>}, {pipeline_mode = #tpu.pipeline_mode<synchronous>, transform_indices = @transform_3, window_bounds = array<i64: 1, 128>}, {transform_indices = @transform_4, window_bounds = array<i64: 2048, 128>}]} {
    %get3A = arith.constant 0 : index
    %get3A_0 = arith.constant 0 : index
    %get3A_1 = vector.load %arg3[%get3A, %get3A_0] : memref<2048x1xf32, #tpu.memory_space<vmem>>, vector<2048x1xf32>
    %get3A_2 = arith.constant 0 : index
    %get3A_3 = arith.constant 0 : index
    %get3A_4 = arith.constant 0 : index
    %get3A_5 = vector.load %arg1[%get3A_2, %get3A_3, %get3A_4] : memref<2x2048x128xf32, #tpu.memory_space<vmem>>, vector<1x2048x128xf32>
    %get3A_6 = vector.shape_cast %get3A_5 : vector<1x2048x128xf32> to vector<2048x128xf32>
    %get3A_7 = arith.constant 1 : index
    %get3A_8 = arith.constant 0 : index
    %get3A_9 = arith.constant 0 : index
    %get3A_10 = vector.load %arg1[%get3A_7, %get3A_8, %get3A_9] : memref<2x2048x128xf32, #tpu.memory_space<vmem>>, vector<1x2048x128xf32>
    %get3A_11 = vector.shape_cast %get3A_10 : vector<1x2048x128xf32> to vector<2048x128xf32>
    %add3A = arith.addf %get3A_6, %get3A_11 : vector<2048x128xf32>
    %get3A_12 = arith.constant 0 : index
    %get3A_13 = arith.constant 0 : index
    %get3A_14 = vector.load %arg2[%get3A_12, %get3A_13] : memref<2048x128xf32, #tpu.memory_space<vmem>>, vector<2048x128xf32>
    %add3A_15 = arith.addf %add3A, %get3A_14 : vector<2048x128xf32>
    %mul3A = vector.broadcast %get3A_1 : vector<2048x1xf32> to vector<2048x128xf32>
    %mul3A_16 = arith.mulf %mul3A, %add3A_15 : vector<2048x128xf32>
    %get3A_17 = arith.constant 0 : index
    %get3A_18 = arith.constant 0 : index
    %get3A_19 = vector.load %arg4[%get3A_17, %get3A_18] : memref<1x128xf32, #tpu.memory_space<vmem>>, vector<1x128xf32>
    %add3A_20 = vector.broadcast %get3A_19 : vector<1x128xf32> to vector<2048x128xf32>
    %add3A_21 = arith.addf %mul3A_16, %add3A_20 : vector<2048x128xf32>
    %tanh3A = math.tanh %add3A_21 : vector<2048x128xf32>
    %swap3A = arith.constant 0 : index
    %swap3A_22 = arith.constant 0 : index
    %swap3A_23 = vector.load %arg5[%swap3A, %swap3A_22] : memref<2048x128xf32, #tpu.memory_space<vmem>>, vector<2048x128xf32>
    tpu.vector_store %arg5[%swap3A, %swap3A_22], %tanh3A {strides = array<i32>} : memref<2048x128xf32, #tpu.memory_space<vmem>>, vector<2048x128xf32>,
    return
  }
  func.func @transform_0(%arg0: i32) -> (i32, i32, i32) {
    %c0_i32 = arith.constant 0 : i32
    %c0_i32_0 = arith.constant 0 : i32
    %c0_i32_1 = arith.constant 0 : i32
    return %c0_i32, %arg0, %c0_i32_0 : i32, i32, i32
  }
  func.func @transform_1(%arg0: i32) -> (i32, i32) {
    %c0_i32 = arith.constant 0 : i32
    %c0_i32_0 = arith.constant 0 : i32
    return %arg0, %c0_i32 : i32, i32
  }
  func.func @transform_2(%arg0: i32) -> (i32, i32) {
    %c0_i32 = arith.constant 0 : i32
    %c0_i32_0 = arith.constant 0 : i32
    return %arg0, %c0_i32 : i32, i32
  }
  func.func @transform_3(%arg0: i32) -> (i32, i32) {
    %c0_i32 = arith.constant 0 : i32
    %c0_i32_0 = arith.constant 0 : i32
    %c0_i32_1 = arith.constant 0 : i32
    return %c0_i32, %c0_i32_0 : i32, i32
  }
  func.func @transform_4(%arg0: i32) -> (i32, i32) {
    %c0_i32 = arith.constant 0 : i32
    %c0_i32_0 = arith.constant 0 : i32
    return %arg0, %c0_i32 : i32, i32
  }
}

</mosaic_0001>

<sc_bundles>
// kernel: kernel.11.cloned.1.call-start
scs
__scs_entry_jumppad:
0x0: {  	(pc) =	sbr.rel $0x88, $3  }
0x1: {  	(tag) =	ssettag $0x0;
	lr =	simm.s32 $0x1  }
0x2: {  	[smem:$0x3F9B] =	sst lr;
	_ =	strace $0xD0000000  }
0x3: {  	_ = 	snop  }
0x4: {  	_ = 	snop  }
0x5: {  	_ = 	snop  }
0x6: {  	_ = 	snop  }
0x7: {  	_ = 	snop  }
__scs_overlays_trampoline_lowered:
0x8: {  	[smem:$0x3FAA] =	sst s0  }
0x9: {  	[smem:$0x3FAB] =	sst s1  }
0xa: {  	[smem:$0x3FAC] =	sst s2  }
0xb: {  	[smem:$0x3FAD] =	sst s3  }
0xc: {  	[smem:$0x3FAE] =	sst s4  }
0xd: {  	[smem:$0x3FAF] =	sst s5  }
0xe: {  	[smem:$0x3FB0] =	sst s6  }
0xf: {  	[smem:$0x3FB1] =	sst s7  }
0x10: {  	[smem:$0x3FB2] =	sst s8  }
0x11: {  	[smem:$0x3FB3] =	sst s9;
	s0 =	simm.s32 @!p0 $0x0  }
0x12: {  	s1 =	sld [smem:$0x3F99];
	s0 =	simm.s32 @p0 $0x1  }
0x13: {  	[smem:$0x3FB4] =	sst s0;
	s0 =	simm.s32 @!p1 $0x0  }
0x14: {  	s2 =	sld [smem:$0x3F98];
	s0 =	simm.s32 @p1 $0x1  }
0x15: {  	[smem:$0x3FB5] =	sst s0;
	s0 =	simm.s32 @!p2 $0x0  }
0x16: {  	s3 =	sld [smem:$0x3FDB];
	s0 =	simm.s32 @p2 $0x1  }
0x17: {  	s4 =	simm.s32 $0x1BF5;
	[smem:$0x3FB7] =	sst s0  }
0x18: {  	s0 =	sld [smem:$0x3F9A];
	_ =	swait.ge [sflag:s4], $0x0  }
0x19: {  	s7 =	sld [smem:$0x3F9B]  }
0x1a: {  	s8 =	sadd.s32 $0xFFFFE003, lr  }
0x1b: {  	s9 =	sadd.s32 $0xFFFFFEF7, lr;
	s5 =	simm.s32 $0xFFFFFFFF;
	p2 =	slt.u32 s8, $0xFFFFF086  }
0x1c: {  	p1 =	slt.u32 s9, $0xF7A;
	s5 =	simm.s32 @!p2 $0x0  }
0x1d: {  	s5 =	simm.s32 @p1 $0x1;
	p0 =	seq.s32 s7, s2  }
0x1e: {  	s7 =	smul.u32 @!p0 $0xF7A, s2;
	p2 =	seq.s32 @!p0 s5, $0x0  }
0x1f: {  	s9 =	smul.u32 $0xF7A, s1;
	s8 =	simm.s32 @!p0 $0x1BF5;
	p2 =	por !p2, p0  }
0x20: {  	[sflag:s8] =	ssyncset.s32 @!p0 $0xFFFFF086;
	s6 =	sadd.s32 @!p0 s3, s7;
	s7 =	simm.s32 @!p0 $0x108  }
0x21: {  	s3 =	sadd.s32 s3, s9;
	s6 =	sadd.s32 @!p0 $0x88, s6;
	s7 =	simm.s32 @p2 $0x1082  }
0x22: {  	[simem:s7], [sflag:s8] =	dma.local @!p0 [hbm:s6], $0xF7A  }
0x23: {  	s9 =	sor.u32 $0xD0000000, s2;
	s6 =	simm.s32 $0x108;
	_ =	swait.ge @!p0 [sflag:s8], $0x0  }
0x24: {  	s3 =	sadd.s32 $0x88, s3;
	s6 =	simm.s32 @!p1 $0x1082;
	[sflag:s4] =	ssyncset.s32 $0xFFFFF086  }
0x25: {  	[simem:s6], [sflag:s4] =	dma.local [hbm:s3], $0xF7A  }
0x26: {  	[smem:$0x3F9B] =	sst s1;
	(tag) =	ssettag s2;
	_ =	strace s9  }
0x27: {  	s1 =	sld [smem:$0x3FAB]  }
0x28: {  	s2 =	sld [smem:$0x3FAC]  }
0x29: {  	s4 =	sld [smem:$0x3FAE]  }
0x2a: {  	p0 =	seq.s32 s5, $0x0;
	s5 =	sld [smem:$0x3FAF]  }
0x2b: {  	s6 =	sld [smem:$0x3FB0]  }
0x2c: {  	s7 =	sld [smem:$0x3FB1]  }
0x2d: {  	s3 =	simm.s32 $0x108;
	s8 =	sld [smem:$0x3FB2]  }
0x2e: {  	s3 =	simm.s32 @!p0 $0x1082;
	s9 =	sld [smem:$0x3FB3]  }
0x2f: {  	lr =	sadd.s32 s0, s3;
	s0 =	sld [smem:$0x3FAA]  }
0x30: {  	s3 =	sld [smem:$0x3FAD]  }
0x31: {  	[smem:$0x3FB6] =	sst s10  }
0x32: {  	s10 =	sld [smem:$0x3FB4];
	_ =	sdelay $0x3  }
0x33: {  	p0 =	seq.s32 s10, $0x1;
	s10 =	sld [smem:$0x3FB6];
	_ =	sdelay $0x3  }
0x34: {  	[smem:$0x3FB6] =	sst s10  }
0x35: {  	s10 =	sld [smem:$0x3FB5];
	_ =	sdelay $0x3  }
0x36: {  	p1 =	seq.s32 s10, $0x1;
	s10 =	sld [smem:$0x3FB6];
	_ =	sdelay $0x3  }
0x37: {  	[smem:$0x3FB6] =	sst s10  }
0x38: {  	s10 =	sld [smem:$0x3FB7]  }
0x39: {  	_ = 	snop;
	(pc) =	sbr.ind lr, $3  }
0x3a: {  	_ = 	snop  }
0x3b: {  	_ = 	snop  }
0x3c: {  	p2 =	seq.s32 s10, $0x1;
	s10 =	sld [smem:$0x3FB6]  }
0x3d: {  	_ =	shalt  }
0x3e: {  	_ =	shalt  }
0x3f: {  	_ =	shalt  }
0x40: {  	_ =	shalt  }
0x41: {  	_ =	shalt  }
0x42: {  	_ =	shalt  }
0x43: {  	_ =	shalt  }
0x44: {  	_ =	shalt  }
0x45: {  	_ =	shalt  }
0x46: {  	_ =	shalt  }
0x47: {  	_ =	shalt  }
0x48: {  	_ =	shalt  }
0x49: {  	_ =	shalt  }
0x4a: {  	_ =	shalt  }
0x4b: {  	_ =	shalt  }
0x4c: {  	_ =	shalt  }
0x4d: {  	_ =	shalt  }
0x4e: {  	_ =	shalt  }
0x4f: {  	_ =	shalt  }
0x50: {  	_ =	shalt  }
0x51: {  	_ =	shalt  }
0x52: {  	_ =	shalt  }
0x53: {  	_ =	shalt  }
0x54: {  	_ =	shalt  }
0x55: {  	_ =	shalt  }
0x56: {  	_ =	shalt  }
0x57: {  	_ =	shalt  }
0x58: {  	_ =	shalt  }
0x59: {  	_ =	shalt  }
0x5a: {  	_ =	shalt  }
0x5b: {  	_ =	shalt  }
0x5c: {  	_ =	shalt  }
0x5d: {  	_ =	shalt  }
0x5e: {  	_ =	shalt  }
0x5f: {  	_ =	shalt  }
0x60: {  	_ =	shalt  }
0x61: {  	_ =	shalt  }
0x62: {  	_ =	shalt  }
0x63: {  	_ =	shalt  }
0x64: {  	_ =	shalt  }
0x65: {  	_ =	shalt  }
0x66: {  	_ =	shalt  }
0x67: {  	_ =	shalt  }
0x68: {  	_ =	shalt  }
0x69: {  	_ =	shalt  }
0x6a: {  	_ =	shalt  }
0x6b: {  	_ =	shalt  }
0x6c: {  	_ =	shalt  }
0x6d: {  	_ =	shalt  }
0x6e: {  	_ =	shalt  }
0x6f: {  	_ =	shalt  }
0x70: {  	_ =	shalt  }
0x71: {  	_ =	shalt  }
0x72: {  	_ =	shalt  }
0x73: {  	_ =	shalt  }
0x74: {  	_ =	shalt  }
0x75: {  	_ =	shalt  }
0x76: {  	_ =	shalt  }
0x77: {  	_ =	shalt  }
0x78: {  	_ =	shalt  }
0x79: {  	_ =	shalt  }
0x7a: {  	_ =	shalt  }
0x7b: {  	_ =	shalt  }
0x7c: {  	_ =	shalt  }
0x7d: {  	_ =	shalt  }
0x7e: {  	_ =	shalt  }
0x7f: {  	_ =	shalt  }
0x80: {  	_ =	shalt  }
0x81: {  	_ =	shalt  }
0x82: {  	_ =	shalt  }
0x83: {  	_ =	shalt  }
0x84: {  	_ =	shalt  }
0x85: {  	_ =	shalt  }
0x86: {  	_ =	shalt  }
0x87: {  	_ =	shalt  }
.Lfunc_end0:
.L_simem_size_0:
called_computation.1_lowered:
.L_overlay_start_0:
0x88: {  	s2 =	sld [smem:$0x3FD9]  }
0x89: {  	s3 =	sld [smem:$0x3FFE];
	_ =	sdelay $0x1  }
0x8a: {  	s1 =	srdreg.scid  }
0x8b: {  	s0 =	sand.u32 $0x1, s1  }
0x8c: {  	s14 =	sshll.u32 s0, $0xA;
	s2 =	sadd.s32 s3, s2  }
0x8d: {  	s2 =	sadd.s32 s2, s14  }
0x8e: {  	[smem:$0x3FC2] =	sst s2  }
0x8f: {  	_ = 	snop  }
0x90: {  	s2 =	sld [smem:$0x3FD0];
	_ =	sdelay $0x2  }
0x91: {  	s15 =	simm.s32 $0xA;
	s4 =	simm.s32 $0x10  }
0x92: {  	[smem:s4], [sflag:s15] =	dma.local [hbm:s2], $0x1  }
0x93: {  	_ =	swait.eq [sflag:s15], $0x1  }
0x94: {  	[sflag:s15] =	ssyncset.done $0x0  }
0x95: {  	s16 =	sld [smem:$0x10];
	[sflag:s15] =	ssyncadd.s32 $0xFFFFFFFF  }
0x96: {  	s17 =	sld [smem:$0x11];
	(tm) =	ssettm $0x1  }
0x97: {  	s18 =	sld [smem:$0x3FFB];
	_ =	sdelay $0x3  }
0x98: {  	_ =	strace s18  }
0x99: {  	s4 =	sld [smem:$0x3FFC];
	_ =	sdelay $0x3  }
0x9a: {  	_ =	strace s4  }
0x9b: {  	s4 =	sld [smem:$0x3FFD];
	_ =	sdelay $0x3  }
0x9c: {  	_ =	strace s4  }
0x9d: {  	_ =	strace $0x8FFFFFFF  }
0x9e: {  	s19 =	sld [smem:$0x3FDB];
	_ =	sdelay $0x1  }
0x9f: {  	s5 =	simm.s32 $_scs_section_size  }
0xa0: {  	s6 =	simm.s32 $_size__tile_overlayer_lowered;
	s7 =	simm.s32 $_tile_overlayer_lowered  }
0xa1: {  	s22 =	simm.s32 $0x1BFF;
	s21 =	sshll.u32 s7, $0x1;
	s4 =	sadd.s32 s5, s19  }
0xa2: {  	s8 =	simm.s32 $0x0;
	s20 =	sshll.u32 s6, $0x1;
	s6 =	sadd.s32 s21, s4  }
0xa3: {  	[timem:s8], [sflag:s22] =	dma.local [hbm:s6], s20  }
0xa4: {  	_ =	swait.ge [sflag:s22], s20  }
0xa5: {  	s5 =	ssub.s32 $0x0, s20;
	[sflag:s22] =	ssyncset.done $0x0  }
0xa6: {  	[sflag:s22] =	ssyncadd.s32 s5;
	_ =	sdelay $0x1  }
0xa7: {  	s23 =	simm.s32 $0x1B8B  }
0xa8: {  	_ =	swait.ge [sflag:s23], $0x1  }
0xa9: {  	[sflag:s23] =	ssyncset.done $0x0  }
0xaa: {  	s25 =	simm.s32 $0x1B8E;
	s24 =	sld [smem:$0x3FFE];
	[sflag:s23] =	ssyncadd.s32 $0xFFFFFFFF  }
0xab: {  	s26 =	simm.s32 $execute0_lowered;
	[smem:$0x3FD2] =	sst s25  }
0xac: {  	s6 =	sshll.u32 s26, $0x1;
	_ =	strace $0x80000049;
	[dreg:$0x1] =	wrdreg $0xFFFFFFFF  }
0xad: {  	s28 =	simm.s32 $_size_execute0_lowered;
	s4 =	sadd.s32 s4, s6;
	[dreg:$0x0] =	wrdreg $0x0  }
0xae: {  	s6 =	sshll.u32 s28, $0x1;
	[dreg:$0x2] =	wrdreg s4  }
0xaf: {  	[dreg:$0x3] =	wrdreg s6  }
0xb0: {  	[dreg:$0x4] =	wrdreg $0xC0  }
0xb1: {  	_ =	task [dreg:s8], $0x5FFFF  }
0xb2: {  	[dreg:$0x1] =	wrdreg $0xFFFFFFFF  }
0xb3: {  	[dreg:$0x0] =	wrdreg $0x60  }
0xb4: {  	[dreg:$0x2] =	wrdreg s24  }
0xb5: {  	[dreg:$0x3] =	wrdreg s16  }
0xb6: {  	[dreg:$0x4] =	wrdreg s17  }
0xb7: {  	[dreg:$0x5] =	wrdreg $0x82000  }
0xb8: {  	[dreg:$0x6] =	wrdreg $0x9  }
0xb9: {  	_ =	task.clear_ibuf [dreg:s8], $0x7FFFF;
	_ =	strace $0x90000049  }
0xba: {  	s29 =	simm.s32 $0x9;
	_ =	strace $0x8000004B  }
0xbb: {  	_ =	swait.ge [sflag:s29], $0x1  }
0xbc: {  	[sflag:s29] =	ssyncadd.s32 $0xFFFFFFFF  }
0xbd: {  	_ =	strace $0x9000004B  }
0xbe: {  	_ =	sfence  }
0xbf: {  	s30 =	sld [smem:$0x0];
	_ =	sdelay $0x2  }
0xc0: {  	s31 =	sshll.u32 s1, $0xD;
	s1 =	sshrl.u32 s1, $0x2  }
0xc1: {  	s3 =	sand.u32 $0x4000, s31;
	s1 =	sadd.s32 s1, s30  }
0xc2: {  	s0 =	sor.u32 s3, s0;
	s1 =	sshll.u32 s1, $0x11  }
0xc3: {  	s0 =	sor.u32 s1, s0  }
0xc4: {  	s0 =	sadd.s32 $0x8F2B, s0  }
0xc5: {  	[sflag:s0] =	ssyncadd.remote.s32 $0x1  }
0xc6: {  	_ =	sfence.sel $0xFFFF  }
0xc7: {  	[dreg:$0x0] =	wrdreg $0xFFFFFFFF;
	(pc) =	sbr.abs _section_cstart, $3  }
0xc8: {  	[dreg:$0x1] =	wrdreg $0xFFFFFFFF  }
0xc9: {  	_ =	task.clear_ibuf [dreg:s8], $0x2FFFF;
	_ =	strace $0x9FFFFFFF  }
0xca: {  	(tm) =	ssettm $0x7FFFFFFF  }
0xcb: {  	_ =	shalt  }
tec
execute0_lowered:
.L_overlay_start_1:
0x0: {  	(tag) =	ssettag $0x1  }
0x1: {  	s0 =	rddreg [dreg:$0x0]  }
0x2: {  	s2 =	rddreg [dreg:$0x1]  }
0x3: {  	s1 =	rddreg [dreg:$0x2]  }
0x4: {  	s3 =	rddreg [dreg:$0x3]  }
0x5: {  	s4 =	srdreg.scid;
	s11 =	stileid.u32  }
0x6: {  	s28 =	simm.s32 $0x8;
	s29 =	simm.s32 $0x2;
	s7 =	smul.u32 $0x14000, s11  }
0x7: {  	s30 =	simm.s32 $0x1;
	s6 =	sand.u32 $0x1, s4;
	s10 =	smul.u32 $0x50000, s11  }
0x8: {  	s4 =	simm.s32 $0x0;
	s8 =	sshll.u32 s11, $0x1;
	s11 =	smul.u32 $0x4F00, s11  }
0x9: {  	s31 =	simm.s32 $0x3;
	s5 =	smul.u32 $0x140000, s6;
	[smem:$0x7FF] =	sst s4  }
0xa: {  	s8 =	sor.u32 s6, s8;
	s9 =	ssub.s32 $0x2, s6;
	s6 =	smul.u32 $0x2780, s6  }
0xb: {  	_ =	strace $0x8000004A;
	s8 =	smul.u32 $0x2780, s8;
	s20 =	sshrl.u32 s9, $0x1  }
0xc: {  	s22 =	sshrl.u32 s10, $0x2;
	s7 =	sadd.s32 s7, s5;
	s5 =	sadd.s32 $0x2600, s0  }
0xd: {  	s10 =	sadd.s32 s22, s3;
	s25 =	sadd.s32 s6, s11;
	s11 =	simm.s32 $0x7  }
0xe: {  	s7 =	sshrl.u32 s7, $0x3;
	s8 =	sshrl.u32 s8, $0x3;
	s15 =	sadd.s32 $0x4000, s10  }
0xf: {  	s16 =	sadd.s32 $0x8000, s10;
	s17 =	sadd.s32 $0xC000, s10;
	s6 =	sadd.s32 $0x200, s25  }
0x10: {  	s26 =	sadd.s32 $0x180, s25;
	s18 =	sadd.s32 $0x10000, s10;
	s0 =	sadd.s32 s7, s0  }
0x11: {  	s7 =	ssub.s32 s9, s20;
	s21 =	sadd.s32 $0x10, s8;
	s12 =	sadd.s32 s2, s8  }
0x12: {  	s8 =	sadd.s32 s1, s8;
	s6 =	sshrl.u32 s6, $0x3;
	[dreg:$0x5] =	wrdreg s12  }
0x13: {  	s20 =	sadd.s32 $0x100, s25;
	s13 =	sadd.s32 s2, s21;
	[dreg:$0x7] =	wrdreg s8  }
0x14: {  	s25 =	simm.s32 $0x180;
	s9 =	sadd.s32 s1, s21;
	[dreg:$0x6] =	wrdreg s13  }
0x15: {  	s23 =	sadd.s32 $0x20, s12;
	s8 =	sadd.s32 $0x4E0, s8;
	[dreg:$0x8] =	wrdreg s9  }
0x16: {  	s0 =	sadd.s32 $0x2A600, s0;
	s24 =	smax.u32 s7, $0x1;
	[dreg:$0x9] =	wrdreg s23  }
0x17: {  	s7 =	sshrl.u32 s26, $0x3;
	s19 =	sadd.s32 s6, s2;
	[dreg:$0xa] =	wrdreg s8  }
0x18: {  	s26 =	simm.s32 $0x200;
	s6 =	simm.s32 $0x0;
	[dreg:$0xb] =	wrdreg s0  }
0x19: {  	[dreg:$0xc] =	wrdreg s24;
	s21 =	sadd.s32 s7, s1;
	s22 =	sadd.s32 s7, s2  }
0x1a: {  	s23 =	simm.s32 $0x80;
	s24 =	simm.s32 $0x100;
	s0 =	simm.s32 $0x4200  }
0x1b: {  	v0 =	vimm.f32 $0.0e+00;
	s2 =	simm.s32 $0x4;
	s7 =	simm.s32 $0x6;
	s9 =	simm.s32 $0x5  }
.LBB2_1:
0x1c: {  	s8 =	rddreg [dreg:$0x5]  }
0x1d: {  	[tilespmem:s4], [sflag:$0x2] =	stream.linear.gather [hbm4b:s8+s4], $0x80, $0x38;
	[tilespmem:$0x1C200] =	vst v63  }
0x1e: {  	s12 =	rddreg [dreg:$0x6]  }
0x1f: {  	[tilespmem:s23], [sflag:$0x3] =	stream.linear.gather [hbm4b:s12+s4], $0x80, $0x38;
	[tilespmem:$0x1C200] =	vst v63  }
0x20: {  	s13 =	rddreg [dreg:$0x7]  }
0x21: {  	[tilespmem:s24], [sflag:$0x4] =	stream.linear.gather [hbm4b:s13+s4], $0x80, $0x38;
	[tilespmem:$0x1C200] =	vst v63  }
0x22: {  	s14 =	rddreg [dreg:$0x8];
	s12 =	simm.s32 $0x0;
	s13 =	simm.s32 $0x200  }
0x23: {  	[tilespmem:s25], [sflag:$0x5] =	stream.linear.gather [hbm4b:s14+s4], $0x80, $0x38;
	[tilespmem:$0x1C200] =	vst v63  }
.LBB2_2:
0x24: {  	p0 =	sne.s32 s13, $0xFE00;
	[tilespmem:s12+$0x270] =	vst v0  }
0x25: {  	[tilespmem:s12+$0x200] =	vst v0  }
0x26: {  	[tilespmem:s12+$0x210] =	vst v0  }
.Ltmp0:
0x27: {  	[tilespmem:s12+$0x220] =	vst v0;
	(pc) =	sbr.rel @p0 .LBB2_2-.Ltmp0, $4  }
0x28: {  	[tilespmem:s12+$0x230] =	vst v0  }
0x29: {  	[tilespmem:s12+$0x240] =	vst v0  }
0x2a: {  	[tilespmem:s12+$0x250] =	vst v0  }
0x2b: {  	[tilespmem:s12+$0x260] =	vst v0;
	s12 =	sshra.s32 s13, $0x2;
	s13 =	sadd.s32 $0x200, s13  }
0x2c: {  	[tilespmem:s12+$0x270] =	vst v0  }
0x2d: {  	[tilespmem:s12+$0x200] =	vst v0  }
0x2e: {  	[tilespmem:s12+$0x210] =	vst v0  }
0x2f: {  	[tilespmem:s12+$0x220] =	vst v0  }
0x30: {  	[tilespmem:s12+$0x230] =	vst v0  }
0x31: {  	[tilespmem:s12+$0x240] =	vst v0  }
0x32: {  	[tilespmem:s12+$0x250] =	vst v0  }
0x33: {  	[tilespmem:s12+$0x260] =	vst v0  }
0x34: {  	[spmem:s10] =	stream.linear.scatter [tilespmem:s26], [sflag:$0x8], $0x4000, $0x38;
	[tilespmem:$0x1C200] =	vst v63  }
0x35: {  	_ =	swait.ge [sflag:s28], $0x4000  }
0x36: {  	[sflag:s28] =	ssyncset.done $0x0  }
0x37: {  	[sflag:s28] =	ssyncadd.s32 $0xFFFFC000  }
0x38: {  	[spmem:s15] =	stream.linear.scatter [tilespmem:s26], [sflag:$0x8], $0x4000, $0x38;
	[tilespmem:$0x1C200] =	vst v63  }
0x39: {  	_ =	swait.ge [sflag:s28], $0x4000  }
0x3a: {  	[sflag:s28] =	ssyncset.done $0x0  }
0x3b: {  	[sflag:s28] =	ssyncadd.s32 $0xFFFFC000  }
0x3c: {  	[spmem:s16] =	stream.linear.scatter [tilespmem:s26], [sflag:$0x8], $0x4000, $0x38;
	[tilespmem:$0x1C200] =	vst v63  }
0x3d: {  	_ =	swait.ge [sflag:s28], $0x4000  }
0x3e: {  	[sflag:s28] =	ssyncset.done $0x0  }
0x3f: {  	[sflag:s28] =	ssyncadd.s32 $0xFFFFC000  }
0x40: {  	[spmem:s17] =	stream.linear.scatter [tilespmem:s26], [sflag:$0x8], $0x4000, $0x38;
	[tilespmem:$0x1C200] =	vst v63  }
0x41: {  	_ =	swait.ge [sflag:s28], $0x4000  }
0x42: {  	[sflag:s28] =	ssyncset.done $0x0  }
0x43: {  	[sflag:s28] =	ssyncadd.s32 $0xFFFFC000  }
0x44: {  	[spmem:s18] =	stream.linear.scatter [tilespmem:s26], [sflag:$0x8], $0x4000, $0x38;
	[tilespmem:$0x1C200] =	vst v63  }
0x45: {  	_ =	swait.ge [sflag:s28], $0x4000  }
0x46: {  	[sflag:s28] =	ssyncset.done $0x0  }
0x47: {  	[sflag:s28] =	ssyncadd.s32 $0xFFFFC000  }
0x48: {  	[bflag:$0x0] =	sbarrier.arrive $0xFFFF  }
0x49: {  	_ =	swait.ge [sflag:s29], $0x80  }
0x4a: {  	[sflag:s29] =	ssyncset.done $0x0  }
0x4b: {  	s13 =	simm.s32 $0x0;
	[sflag:s29] =	ssyncadd.s32 $0xFFFFFF80  }
0x4c: {  	[tilespmem:s26], [sflag:$0x1] =	stream.indirect.gather [hbm4b:s5+s23], $0x80, s13, s23, $0xb8;
	[tilespmem:$0x1C200] =	vst v63  }
0x4d: {  	_ =	swait.ge [sflag:s30], $0x4000  }
0x4e: {  	[sflag:s30] =	ssyncset.done $0x0  }
0x4f: {  	s8 =	rddreg [dreg:$0x9];
	[sflag:s30] =	ssyncadd.s32 $0xFFFFC000  }
0x50: {  	[tilespmem:s13], [sflag:$0x2] =	stream.linear.gather [hbm4b:s8+s13], $0x80, $0x38;
	[tilespmem:$0x1C200] =	vst v63  }
0x51: {  	_ =	swait.ge [sflag:s31], $0x80  }
0x52: {  	[sflag:s31] =	ssyncset.done $0x0  }
0x53: {  	[sflag:s31] =	ssyncadd.s32 $0xFFFFFF80  }
0x54: {  	[tilespmem:s0], [sflag:$0x1] =	stream.indirect.gather [hbm4b:s5+s23], $0x80, s23, s23, $0xb8;
	[tilespmem:$0x1C200] =	vst v63  }
0x55: {  	_ =	swait.ge [sflag:s2], $0x80  }
0x56: {  	[sflag:s2] =	ssyncset.done $0x0  }
0x57: {  	[sflag:s2] =	ssyncadd.s32 $0xFFFFFF80  }
0x58: {  	[spmem:s3] =	stream.indirect.scatter.add.f32 [tilespmem:s26], [sflag:$0x6], $0x80, s24, s23, $0xb8;
	[tilespmem:$0x1C200] =	vst v63  }
0x59: {  	_ =	swait.ge [sflag:s30], $0x4000  }
0x5a: {  	[sflag:s30] =	ssyncset.done $0x0  }
0x5b: {  	s14 =	sadd.s32 $0x0, s22;
	[sflag:s30] =	ssyncadd.s32 $0xFFFFC000  }
0x5c: {  	[tilespmem:s23], [sflag:$0x3] =	stream.linear.gather [hbm4b:s14+s4], $0x80, $0x38;
	[tilespmem:$0x1C200] =	vst v63  }
0x5d: {  	_ =	swait.ge [sflag:s7], $0x4000  }
0x5e: {  	s8 =	sshrl.u32 s20, $0x3;
	[sflag:s7] =	ssyncset.done $0x0  }
0x5f: {  	s12 =	sadd.s32 s1, s8;
	[sflag:s7] =	ssyncadd.s32 $0xFFFFC000  }
0x60: {  	[tilespmem:s24], [sflag:$0x4] =	stream.linear.gather [hbm4b:s12+s4], $0x80, $0x38;
	[tilespmem:$0x1C200] =	vst v63  }
0x61: {  	_ =	swait.ge [sflag:s29], $0x80  }
0x62: {  	[sflag:s29] =	ssyncset.done $0x0  }
0x63: {  	[sflag:s29] =	ssyncadd.s32 $0xFFFFFF80  }
0x64: {  	[tilespmem:s26], [sflag:$0x1] =	stream.indirect.gather [hbm4b:s5+s23], $0x80, s4, s23, $0xb8;
	[tilespmem:$0x1C200] =	vst v63  }
0x65: {  	_ =	swait.ge [sflag:s9], $0x80  }
0x66: {  	[sflag:s9] =	ssyncset.done $0x0  }
0x67: {  	[sflag:s9] =	ssyncadd.s32 $0xFFFFFF80  }
0x68: {  	[spmem:s3] =	stream.indirect.scatter.add.f32 [tilespmem:s0], [sflag:$0x7], $0x80, s25, s23, $0xb8;
	[tilespmem:$0x1C200] =	vst v63  }
0x69: {  	_ =	swait.ge [sflag:s30], $0x4000  }
0x6a: {  	[sflag:s30] =	ssyncset.done $0x0  }
0x6b: {  	s13 =	sadd.s32 $0x0, s19;
	[sflag:s30] =	ssyncadd.s32 $0xFFFFC000  }
0x6c: {  	[tilespmem:s4], [sflag:$0x2] =	stream.linear.gather [hbm4b:s13+s4], $0x80, $0x38;
	[tilespmem:$0x1C200] =	vst v63  }
0x6d: {  	_ =	swait.ge [sflag:s11], $0x4000  }
0x6e: {  	[sflag:s11] =	ssyncset.done $0x0  }
0x6f: {  	s14 =	sadd.s32 $0x0, s21;
	[sflag:s11] =	ssyncadd.s32 $0xFFFFC000  }
0x70: {  	[tilespmem:s25], [sflag:$0x5] =	stream.linear.gather [hbm4b:s14+s4], $0x80, $0x38;
	[tilespmem:$0x1C200] =	vst v63  }
0x71: {  	_ =	swait.ge [sflag:s31], $0x80  }
0x72: {  	[sflag:s31] =	ssyncset.done $0x0  }
0x73: {  	[sflag:s31] =	ssyncadd.s32 $0xFFFFFF80  }
0x74: {  	[tilespmem:s0], [sflag:$0x1] =	stream.indirect.gather [hbm4b:s5+s23], $0x80, s23, s23, $0xb8;
	[tilespmem:$0x1C200] =	vst v63  }
0x75: {  	_ =	swait.ge [sflag:s2], $0x80  }
0x76: {  	[sflag:s2] =	ssyncset.done $0x0  }
0x77: {  	s12 =	simm.s32 $0x20;
	s13 =	sadd.s32 $0x100, s20;
	[sflag:s2] =	ssyncadd.s32 $0xFFFFFF80  }
.LBB2_4:
0x78: {  	[spmem:s3] =	stream.indirect.scatter.add.f32 [tilespmem:s26], [sflag:$0x6], $0x80, s24, s23, $0xb8;
	[tilespmem:$0x1C200] =	vst v63  }
0x79: {  	s8 =	smov.u32 s12  }
0x7a: {  	p0 =	sne.s32 s12, $0x4A0;
	s12 =	sadd.s32 $0x20, s12;
	_ =	swait.ge [sflag:s30], $0x4000  }
0x7b: {  	[sflag:s30] =	ssyncset.done $0x0  }
0x7c: {  	s14 =	sadd.s32 s8, s22;
	[sflag:s30] =	ssyncadd.s32 $0xFFFFC000  }
0x7d: {  	[tilespmem:s23], [sflag:$0x3] =	stream.linear.gather [hbm4b:s14+s4], $0x80, $0x38;
	[tilespmem:$0x1C200] =	vst v63  }
0x7e: {  	_ =	swait.ge [sflag:s7], $0x4000  }
0x7f: {  	s14 =	sshrl.u32 s13, $0x3;
	[sflag:s7] =	ssyncset.done $0x0  }
0x80: {  	s14 =	sadd.s32 s1, s14;
	[sflag:s7] =	ssyncadd.s32 $0xFFFFC000  }
0x81: {  	[tilespmem:s24], [sflag:$0x4] =	stream.linear.gather [hbm4b:s14+s4], $0x80, $0x38;
	[tilespmem:$0x1C200] =	vst v63  }
0x82: {  	_ =	swait.ge [sflag:s29], $0x80  }
0x83: {  	[sflag:s29] =	ssyncset.done $0x0  }
0x84: {  	[sflag:s29] =	ssyncadd.s32 $0xFFFFFF80  }
0x85: {  	[tilespmem:s26], [sflag:$0x1] =	stream.indirect.gather [hbm4b:s5+s23], $0x80, s4, s23, $0xb8;
	[tilespmem:$0x1C200] =	vst v63  }
0x86: {  	_ =	swait.ge [sflag:s9], $0x80  }
0x87: {  	[sflag:s9] =	ssyncset.done $0x0  }
0x88: {  	[sflag:s9] =	ssyncadd.s32 $0xFFFFFF80  }
0x89: {  	[spmem:s3] =	stream.indirect.scatter.add.f32 [tilespmem:s0], [sflag:$0x7], $0x80, s25, s23, $0xb8;
	[tilespmem:$0x1C200] =	vst v63  }
0x8a: {  	_ =	swait.ge [sflag:s30], $0x4000  }
0x8b: {  	[sflag:s30] =	ssyncset.done $0x0  }
0x8c: {  	s14 =	sadd.s32 s8, s19;
	[sflag:s30] =	ssyncadd.s32 $0xFFFFC000  }
0x8d: {  	[tilespmem:s4], [sflag:$0x2] =	stream.linear.gather [hbm4b:s14+s4], $0x80, $0x38;
	[tilespmem:$0x1C200] =	vst v63  }
0x8e: {  	_ =	swait.ge [sflag:s11], $0x4000  }
0x8f: {  	[sflag:s11] =	ssyncset.done $0x0  }
0x90: {  	s8 =	sadd.s32 s8, s21;
	[sflag:s11] =	ssyncadd.s32 $0xFFFFC000  }
0x91: {  	[tilespmem:s25], [sflag:$0x5] =	stream.linear.gather [hbm4b:s8+s4], $0x80, $0x38;
	[tilespmem:$0x1C200] =	vst v63  }
0x92: {  	_ =	swait.ge [sflag:s31], $0x80  }
0x93: {  	[sflag:s31] =	ssyncset.done $0x0  }
.Ltmp1:
0x94: {  	[sflag:s31] =	ssyncadd.s32 $0xFFFFFF80;
	(pc) =	sbr.rel @p0 .LBB2_4-.Ltmp1, $4  }
0x95: {  	[tilespmem:s0], [sflag:$0x1] =	stream.indirect.gather [hbm4b:s5+s23], $0x80, s23, s23, $0xb8;
	[tilespmem:$0x1C200] =	vst v63  }
0x96: {  	_ =	swait.ge [sflag:s2], $0x80  }
0x97: {  	[sflag:s2] =	ssyncset.done $0x0  }
0x98: {  	s13 =	sadd.s32 $0x100, s13;
	[sflag:s2] =	ssyncadd.s32 $0xFFFFFF80  }
0x99: {  	[spmem:s3] =	stream.indirect.scatter.add.f32 [tilespmem:s26], [sflag:$0x6], $0x80, s24, s23, $0xb8;
	[tilespmem:$0x1C200] =	vst v63  }
0x9a: {  	_ =	swait.ge [sflag:s30], $0x4000  }
0x9b: {  	[sflag:s30] =	ssyncset.done $0x0  }
0x9c: {  	[sflag:s30] =	ssyncadd.s32 $0xFFFFC000  }
0x9d: {  	_ =	swait.ge [sflag:s7], $0x4000  }
0x9e: {  	[sflag:s7] =	ssyncset.done $0x0  }
0x9f: {  	s8 =	rddreg [dreg:$0xa];
	[sflag:s7] =	ssyncadd.s32 $0xFFFFC000  }
0xa0: {  	[tilespmem:s24], [sflag:$0x4] =	stream.linear.gather [hbm4b:s8+s4], $0x80, $0x38;
	[tilespmem:$0x1C200] =	vst v63  }
0xa1: {  	_ =	swait.ge [sflag:s29], $0x80  }
0xa2: {  	[sflag:s29] =	ssyncset.done $0x0  }
0xa3: {  	[sflag:s29] =	ssyncadd.s32 $0xFFFFFF80  }
0xa4: {  	[tilespmem:s26], [sflag:$0x1] =	stream.indirect.gather [hbm4b:s5+s23], $0x80, s4, s23, $0xb8;
	[tilespmem:$0x1C200] =	vst v63  }
0xa5: {  	_ =	swait.ge [sflag:s9], $0x80  }
0xa6: {  	[sflag:s9] =	ssyncset.done $0x0  }
0xa7: {  	[sflag:s9] =	ssyncadd.s32 $0xFFFFFF80  }
0xa8: {  	[spmem:s3] =	stream.indirect.scatter.add.f32 [tilespmem:s0], [sflag:$0x7], $0x80, s25, s23, $0xb8;
	[tilespmem:$0x1C200] =	vst v63  }
0xa9: {  	_ =	swait.ge [sflag:s30], $0x4000  }
0xaa: {  	[sflag:s30] =	ssyncset.done $0x0  }
0xab: {  	[sflag:s30] =	ssyncadd.s32 $0xFFFFC000  }
0xac: {  	_ =	swait.ge [sflag:s11], $0x4000  }
0xad: {  	[sflag:s11] =	ssyncset.done $0x0  }
0xae: {  	[sflag:s11] =	ssyncadd.s32 $0xFFFFC000  }
0xaf: {  	_ =	swait.ge [sflag:s2], $0x80  }
0xb0: {  	[sflag:s2] =	ssyncset.done $0x0  }
0xb1: {  	[sflag:s2] =	ssyncadd.s32 $0xFFFFFF80  }
0xb2: {  	[spmem:s3] =	stream.indirect.scatter.add.f32 [tilespmem:s26], [sflag:$0x6], $0x80, s24, s23, $0xb8;
	[tilespmem:$0x1C200] =	vst v63  }
0xb3: {  	_ =	swait.ge [sflag:s7], $0x4000  }
0xb4: {  	[sflag:s7] =	ssyncset.done $0x0  }
0xb5: {  	s13 =	stileid.u32;
	[sflag:s7] =	ssyncadd.s32 $0xFFFFC000  }
0xb6: {  	s8 =	sshll.u32 s13, $0x6;
	[bflag:$0x0] =	sbarrier.arrive $0xFFFF  }
0xb7: {  	s12 =	sshrl.u32 s10, $0x3;
	s8 =	sor.u32 $0x1C08, s8;
	s13 =	rddreg [dreg:$0xb]  }
0xb8: {  	[hbm:s13], [sflag:s8] =	dma.local [spmem:s12], $0x2800  }
0xb9: {  	_ =	swait.ge [sflag:s28], $0x2800  }
0xba: {  	s6 =	sadd.s32 $0x1, s6;
	s14 =	rddreg [dreg:$0xc]  }
0xbb: {  	p0 =	sne.s32 s6, s14  }
.Ltmp2:
0xbc: {  	_ = 	snop;
	(pc) =	sbr.rel @p0 .LBB2_1-.Ltmp2, $3  }
0xbd: {  	_ =	sdelay $0x1  }
0xbe: {  	[sflag:s28] =	ssyncset.done $0x0  }
0xbf: {  	[sflag:s28] =	ssyncadd.s32 $0xFFFFD800  }
0xc0: {  	_ =	sfence.sel $0x180000  }
0xc1: {  	[bflag:$0x0] =	sbarrier.arrive $0xFFFF  }
0xc2: {  	_ =	strace $0x9000004A  }
0xc3: {  	s0 =	stileid.u32;
	[bflag:$0x2] =	sbarrier.arrive $0xFFFF  }
0xc4: {  	p0 =	sne.s32 s0, $0x0;
	s0 =	rddreg [dreg:$0x4]  }
0xc5: {  	s0 =	sadd.s32 @!p0 $0x100000, s0  }
0xc6: {  	[sflag:s0] =	ssyncadd.tile.s32 @!p0 $0x1;
	_ =	shalt  }
.Lfunc_end2:
_tile_overlayer_lowered:
.L_overlay_start_2:
0xc7: {  	(tag) =	ssettag $0x2  }
0xc8: {  	s0 =	rddreg [dreg:$0x0];
	s2 =	stileid.u32  }
0xc9: {  	s1 =	rddreg [dreg:$0x1];
	p0 =	sne.s32 s2, $0x0  }
0xca: {  	s3 =	rddreg [dreg:$0x2];
	[bflag:$0x3] =	sbarrier.arrive $0xFFFF;
	s2 =	simm.s32 @!p0 $0x1C08  }
0xcb: {  	[timem:s3], [sflag:s2] =	dma.local @!p0 [hbm:s0], s1  }
0xcc: {  	s0 =	simm.s32 @!p0 $0x8  }
0xcd: {  	_ =	swait.ge @!p0 [sflag:s0], s1  }
0xce: {  	s1 =	ssub.s32 @!p0 $0x0, s1;
	[sflag:s0] =	ssyncset.done @!p0 $0x0  }
0xcf: {  	[sflag:s0] =	ssyncadd.s32 @!p0 s1  }
0xd0: {  	[bflag:$0x3] =	sbarrier.arrive $0xFFFF  }
0xd1: {  	_ =	shalt  }

// kernel: kernel.14.cloned.1.call-start
scs
__scs_entry_jumppad:
0x0: {  	(pc) =	sbr.rel $0x88, $3  }
0x1: {  	(tag) =	ssettag $0x0;
	lr =	simm.s32 $0x1  }
0x2: {  	[smem:$0x3F9B] =	sst lr;
	_ =	strace $0xD0000000  }
0x3: {  	_ = 	snop  }
0x4: {  	_ = 	snop  }
0x5: {  	_ = 	snop  }
0x6: {  	_ = 	snop  }
0x7: {  	_ = 	snop  }
__scs_overlays_trampoline_lowered:
0x8: {  	[smem:$0x3FAA] =	sst s0  }
0x9: {  	[smem:$0x3FAB] =	sst s1  }
0xa: {  	[smem:$0x3FAC] =	sst s2  }
0xb: {  	[smem:$0x3FAD] =	sst s3  }
0xc: {  	[smem:$0x3FAE] =	sst s4  }
0xd: {  	[smem:$0x3FAF] =	sst s5  }
0xe: {  	[smem:$0x3FB0] =	sst s6  }
0xf: {  	[smem:$0x3FB1] =	sst s7  }
0x10: {  	[smem:$0x3FB2] =	sst s8  }
0x11: {  	[smem:$0x3FB3] =	sst s9;
	s0 =	simm.s32 @!p0 $0x0  }
0x12: {  	s1 =	sld [smem:$0x3F99];
	s0 =	simm.s32 @p0 $0x1  }
0x13: {  	[smem:$0x3FB4] =	sst s0;
	s0 =	simm.s32 @!p1 $0x0  }
0x14: {  	s2 =	sld [smem:$0x3F98];
	s0 =	simm.s32 @p1 $0x1  }
0x15: {  	[smem:$0x3FB5] =	sst s0;
	s0 =	simm.s32 @!p2 $0x0  }
0x16: {  	s3 =	sld [smem:$0x3FDB];
	s0 =	simm.s32 @p2 $0x1  }
0x17: {  	s4 =	simm.s32 $0x1BF5;
	[smem:$0x3FB7] =	sst s0  }
0x18: {  	s0 =	sld [smem:$0x3F9A];
	_ =	swait.ge [sflag:s4], $0x0  }
0x19: {  	s7 =	sld [smem:$0x3F9B]  }
0x1a: {  	s8 =	sadd.s32 $0xFFFFE003, lr  }
0x1b: {  	s9 =	sadd.s32 $0xFFFFFEF7, lr;
	s5 =	simm.s32 $0xFFFFFFFF;
	p2 =	slt.u32 s8, $0xFFFFF086  }
0x1c: {  	p1 =	slt.u32 s9, $0xF7A;
	s5 =	simm.s32 @!p2 $0x0  }
0x1d: {  	s5 =	simm.s32 @p1 $0x1;
	p0 =	seq.s32 s7, s2  }
0x1e: {  	s7 =	smul.u32 @!p0 $0xF7A, s2;
	p2 =	seq.s32 @!p0 s5, $0x0  }
0x1f: {  	s9 =	smul.u32 $0xF7A, s1;
	s8 =	simm.s32 @!p0 $0x1BF5;
	p2 =	por !p2, p0  }
0x20: {  	[sflag:s8] =	ssyncset.s32 @!p0 $0xFFFFF086;
	s6 =	sadd.s32 @!p0 s3, s7;
	s7 =	simm.s32 @!p0 $0x108  }
0x21: {  	s3 =	sadd.s32 s3, s9;
	s6 =	sadd.s32 @!p0 $0x88, s6;
	s7 =	simm.s32 @p2 $0x1082  }
0x22: {  	[simem:s7], [sflag:s8] =	dma.local @!p0 [hbm:s6], $0xF7A  }
0x23: {  	s9 =	sor.u32 $0xD0000000, s2;
	s6 =	simm.s32 $0x108;
	_ =	swait.ge @!p0 [sflag:s8], $0x0  }
0x24: {  	s3 =	sadd.s32 $0x88, s3;
	s6 =	simm.s32 @!p1 $0x1082;
	[sflag:s4] =	ssyncset.s32 $0xFFFFF086  }
0x25: {  	[simem:s6], [sflag:s4] =	dma.local [hbm:s3], $0xF7A  }
0x26: {  	[smem:$0x3F9B] =	sst s1;
	(tag) =	ssettag s2;
	_ =	strace s9  }
0x27: {  	s1 =	sld [smem:$0x3FAB]  }
0x28: {  	s2 =	sld [smem:$0x3FAC]  }
0x29: {  	s4 =	sld [smem:$0x3FAE]  }
0x2a: {  	p0 =	seq.s32 s5, $0x0;
	s5 =	sld [smem:$0x3FAF]  }
0x2b: {  	s6 =	sld [smem:$0x3FB0]  }
0x2c: {  	s7 =	sld [smem:$0x3FB1]  }
0x2d: {  	s3 =	simm.s32 $0x108;
	s8 =	sld [smem:$0x3FB2]  }
0x2e: {  	s3 =	simm.s32 @!p0 $0x1082;
	s9 =	sld [smem:$0x3FB3]  }
0x2f: {  	lr =	sadd.s32 s0, s3;
	s0 =	sld [smem:$0x3FAA]  }
0x30: {  	s3 =	sld [smem:$0x3FAD]  }
0x31: {  	[smem:$0x3FB6] =	sst s10  }
0x32: {  	s10 =	sld [smem:$0x3FB4];
	_ =	sdelay $0x3  }
0x33: {  	p0 =	seq.s32 s10, $0x1;
	s10 =	sld [smem:$0x3FB6];
	_ =	sdelay $0x3  }
0x34: {  	[smem:$0x3FB6] =	sst s10  }
0x35: {  	s10 =	sld [smem:$0x3FB5];
	_ =	sdelay $0x3  }
0x36: {  	p1 =	seq.s32 s10, $0x1;
	s10 =	sld [smem:$0x3FB6];
	_ =	sdelay $0x3  }
0x37: {  	[smem:$0x3FB6] =	sst s10  }
0x38: {  	s10 =	sld [smem:$0x3FB7]  }
0x39: {  	_ = 	snop;
	(pc) =	sbr.ind lr, $3  }
0x3a: {  	_ = 	snop  }
0x3b: {  	_ = 	snop  }
0x3c: {  	p2 =	seq.s32 s10, $0x1;
	s10 =	sld [smem:$0x3FB6]  }
0x3d: {  	_ =	shalt  }
0x3e: {  	_ =	shalt  }
0x3f: {  	_ =	shalt  }
0x40: {  	_ =	shalt  }
0x41: {  	_ =	shalt  }
0x42: {  	_ =	shalt  }
0x43: {  	_ =	shalt  }
0x44: {  	_ =	shalt  }
0x45: {  	_ =	shalt  }
0x46: {  	_ =	shalt  }
0x47: {  	_ =	shalt  }
0x48: {  	_ =	shalt  }
0x49: {  	_ =	shalt  }
0x4a: {  	_ =	shalt  }
0x4b: {  	_ =	shalt  }
0x4c: {  	_ =	shalt  }
0x4d: {  	_ =	shalt  }
0x4e: {  	_ =	shalt  }
0x4f: {  	_ =	shalt  }
0x50: {  	_ =	shalt  }
0x51: {  	_ =	shalt  }
0x52: {  	_ =	shalt  }
0x53: {  	_ =	shalt  }
0x54: {  	_ =	shalt  }
0x55: {  	_ =	shalt  }
0x56: {  	_ =	shalt  }
0x57: {  	_ =	shalt  }
0x58: {  	_ =	shalt  }
0x59: {  	_ =	shalt  }
0x5a: {  	_ =	shalt  }
0x5b: {  	_ =	shalt  }
0x5c: {  	_ =	shalt  }
0x5d: {  	_ =	shalt  }
0x5e: {  	_ =	shalt  }
0x5f: {  	_ =	shalt  }
0x60: {  	_ =	shalt  }
0x61: {  	_ =	shalt  }
0x62: {  	_ =	shalt  }
0x63: {  	_ =	shalt  }
0x64: {  	_ =	shalt  }
0x65: {  	_ =	shalt  }
0x66: {  	_ =	shalt  }
0x67: {  	_ =	shalt  }
0x68: {  	_ =	shalt  }
0x69: {  	_ =	shalt  }
0x6a: {  	_ =	shalt  }
0x6b: {  	_ =	shalt  }
0x6c: {  	_ =	shalt  }
0x6d: {  	_ =	shalt  }
0x6e: {  	_ =	shalt  }
0x6f: {  	_ =	shalt  }
0x70: {  	_ =	shalt  }
0x71: {  	_ =	shalt  }
0x72: {  	_ =	shalt  }
0x73: {  	_ =	shalt  }
0x74: {  	_ =	shalt  }
0x75: {  	_ =	shalt  }
0x76: {  	_ =	shalt  }
0x77: {  	_ =	shalt  }
0x78: {  	_ =	shalt  }
0x79: {  	_ =	shalt  }
0x7a: {  	_ =	shalt  }
0x7b: {  	_ =	shalt  }
0x7c: {  	_ =	shalt  }
0x7d: {  	_ =	shalt  }
0x7e: {  	_ =	shalt  }
0x7f: {  	_ =	shalt  }
0x80: {  	_ =	shalt  }
0x81: {  	_ =	shalt  }
0x82: {  	_ =	shalt  }
0x83: {  	_ =	shalt  }
0x84: {  	_ =	shalt  }
0x85: {  	_ =	shalt  }
0x86: {  	_ =	shalt  }
0x87: {  	_ =	shalt  }
.Lfunc_end0:
.L_simem_size_0:
called_computation.2_lowered:
.L_overlay_start_0:
0x88: {  	s2 =	sld [smem:$0x3FD9]  }
0x89: {  	s3 =	sld [smem:$0x3FFE];
	_ =	sdelay $0x1  }
0x8a: {  	s1 =	srdreg.scid  }
0x8b: {  	s0 =	sand.u32 $0x1, s1  }
0x8c: {  	s14 =	sshll.u32 s0, $0xA;
	s2 =	sadd.s32 s3, s2  }
0x8d: {  	s2 =	sadd.s32 s2, s14  }
0x8e: {  	[smem:$0x3FC2] =	sst s2  }
0x8f: {  	_ = 	snop  }
0x90: {  	s2 =	sld [smem:$0x3FD0];
	_ =	sdelay $0x2  }
0x91: {  	s15 =	simm.s32 $0xA;
	s4 =	simm.s32 $0x10  }
0x92: {  	[smem:s4], [sflag:s15] =	dma.local [hbm:s2], $0x1  }
0x93: {  	_ =	swait.eq [sflag:s15], $0x1  }
0x94: {  	[sflag:s15] =	ssyncset.done $0x0  }
0x95: {  	s16 =	sld [smem:$0x10];
	[sflag:s15] =	ssyncadd.s32 $0xFFFFFFFF  }
0x96: {  	s17 =	sld [smem:$0x11];
	(tm) =	ssettm $0x1  }
0x97: {  	s18 =	sld [smem:$0x3FFB];
	_ =	sdelay $0x3  }
0x98: {  	_ =	strace s18  }
0x99: {  	s4 =	sld [smem:$0x3FFC];
	_ =	sdelay $0x3  }
0x9a: {  	_ =	strace s4  }
0x9b: {  	s4 =	sld [smem:$0x3FFD];
	_ =	sdelay $0x3  }
0x9c: {  	_ =	strace s4  }
0x9d: {  	_ =	strace $0x8FFFFFFF  }
0x9e: {  	s19 =	sld [smem:$0x3FDB];
	_ =	sdelay $0x1  }
0x9f: {  	s5 =	simm.s32 $_scs_section_size  }
0xa0: {  	s6 =	simm.s32 $_size__tile_overlayer_lowered;
	s7 =	simm.s32 $_tile_overlayer_lowered  }
0xa1: {  	s22 =	simm.s32 $0x1BFF;
	s21 =	sshll.u32 s7, $0x1;
	s4 =	sadd.s32 s5, s19  }
0xa2: {  	s8 =	simm.s32 $0x0;
	s20 =	sshll.u32 s6, $0x1;
	s6 =	sadd.s32 s21, s4  }
0xa3: {  	[timem:s8], [sflag:s22] =	dma.local [hbm:s6], s20  }
0xa4: {  	_ =	swait.ge [sflag:s22], s20  }
0xa5: {  	s5 =	ssub.s32 $0x0, s20;
	[sflag:s22] =	ssyncset.done $0x0  }
0xa6: {  	[sflag:s22] =	ssyncadd.s32 s5;
	_ =	sdelay $0x1  }
0xa7: {  	s23 =	simm.s32 $0x1B8B  }
0xa8: {  	_ =	swait.ge [sflag:s23], $0x1  }
0xa9: {  	[sflag:s23] =	ssyncset.done $0x0  }
0xaa: {  	s25 =	simm.s32 $0x1B8E;
	s24 =	sld [smem:$0x3FFE];
	[sflag:s23] =	ssyncadd.s32 $0xFFFFFFFF  }
0xab: {  	s26 =	simm.s32 $execute0_lowered;
	[smem:$0x3FD2] =	sst s25  }
0xac: {  	s6 =	sshll.u32 s26, $0x1;
	_ =	strace $0x8000004C;
	[dreg:$0x1] =	wrdreg $0xFFFFFFFF  }
0xad: {  	s28 =	simm.s32 $_size_execute0_lowered;
	s4 =	sadd.s32 s4, s6;
	[dreg:$0x0] =	wrdreg $0x0  }
0xae: {  	s6 =	sshll.u32 s28, $0x1;
	[dreg:$0x2] =	wrdreg s4  }
0xaf: {  	[dreg:$0x3] =	wrdreg s6  }
0xb0: {  	[dreg:$0x4] =	wrdreg $0xC0  }
0xb1: {  	_ =	task [dreg:s8], $0x5FFFF  }
0xb2: {  	[dreg:$0x1] =	wrdreg $0xFFFFFFFF  }
0xb3: {  	[dreg:$0x0] =	wrdreg $0x60  }
0xb4: {  	[dreg:$0x2] =	wrdreg s24  }
0xb5: {  	[dreg:$0x3] =	wrdreg s16  }
0xb6: {  	[dreg:$0x4] =	wrdreg s17  }
0xb7: {  	[dreg:$0x5] =	wrdreg $0x82000  }
0xb8: {  	[dreg:$0x6] =	wrdreg $0x9  }
0xb9: {  	_ =	task.clear_ibuf [dreg:s8], $0x7FFFF;
	_ =	strace $0x9000004C  }
0xba: {  	s29 =	simm.s32 $0x9;
	_ =	strace $0x8000004E  }
0xbb: {  	_ =	swait.ge [sflag:s29], $0x1  }
0xbc: {  	[sflag:s29] =	ssyncadd.s32 $0xFFFFFFFF  }
0xbd: {  	_ =	strace $0x9000004E  }
0xbe: {  	_ =	sfence  }
0xbf: {  	s30 =	sld [smem:$0x0];
	_ =	sdelay $0x2  }
0xc0: {  	s31 =	sshll.u32 s1, $0xD;
	s1 =	sshrl.u32 s1, $0x2  }
0xc1: {  	s3 =	sand.u32 $0x4000, s31;
	s1 =	sadd.s32 s1, s30  }
0xc2: {  	s0 =	sor.u32 s3, s0;
	s1 =	sshll.u32 s1, $0x11  }
0xc3: {  	s0 =	sor.u32 s1, s0  }
0xc4: {  	s0 =	sadd.s32 $0x8F2B, s0  }
0xc5: {  	[sflag:s0] =	ssyncadd.remote.s32 $0x1  }
0xc6: {  	_ =	sfence.sel $0xFFFF  }
0xc7: {  	[dreg:$0x0] =	wrdreg $0xFFFFFFFF;
	(pc) =	sbr.abs _section_cstart, $3  }
0xc8: {  	[dreg:$0x1] =	wrdreg $0xFFFFFFFF  }
0xc9: {  	_ =	task.clear_ibuf [dreg:s8], $0x2FFFF;
	_ =	strace $0x9FFFFFFF  }
0xca: {  	(tm) =	ssettm $0x7FFFFFFF  }
0xcb: {  	_ =	shalt  }
tec
execute0_lowered:
.L_overlay_start_1:
0x0: {  	(tag) =	ssettag $0x1  }
0x1: {  	s0 =	rddreg [dreg:$0x0]  }
0x2: {  	s2 =	rddreg [dreg:$0x1]  }
0x3: {  	s1 =	rddreg [dreg:$0x2]  }
0x4: {  	s3 =	rddreg [dreg:$0x3]  }
0x5: {  	s4 =	srdreg.scid;
	s11 =	stileid.u32  }
0x6: {  	s28 =	simm.s32 $0x8;
	s29 =	simm.s32 $0x2;
	s7 =	smul.u32 $0x14000, s11  }
0x7: {  	s30 =	simm.s32 $0x1;
	s6 =	sand.u32 $0x1, s4;
	s10 =	smul.u32 $0x50000, s11  }
0x8: {  	s4 =	simm.s32 $0x0;
	s8 =	sshll.u32 s11, $0x1;
	s11 =	smul.u32 $0x4F00, s11  }
0x9: {  	s31 =	simm.s32 $0x3;
	s5 =	smul.u32 $0x140000, s6;
	[smem:$0x7FF] =	sst s4  }
0xa: {  	s8 =	sor.u32 s6, s8;
	s9 =	ssub.s32 $0x2, s6;
	s6 =	smul.u32 $0x2780, s6  }
0xb: {  	_ =	strace $0x8000004D;
	s8 =	smul.u32 $0x2780, s8;
	s20 =	sshrl.u32 s9, $0x1  }
0xc: {  	s22 =	sshrl.u32 s10, $0x2;
	s7 =	sadd.s32 s7, s5;
	s5 =	sadd.s32 $0x2600, s0  }
0xd: {  	s10 =	sadd.s32 s22, s3;
	s25 =	sadd.s32 s6, s11;
	s11 =	simm.s32 $0x7  }
0xe: {  	s7 =	sshrl.u32 s7, $0x3;
	s8 =	sshrl.u32 s8, $0x3;
	s15 =	sadd.s32 $0x4000, s10  }
0xf: {  	s16 =	sadd.s32 $0x8000, s10;
	s17 =	sadd.s32 $0xC000, s10;
	s6 =	sadd.s32 $0x200, s25  }
0x10: {  	s26 =	sadd.s32 $0x180, s25;
	s18 =	sadd.s32 $0x10000, s10;
	s0 =	sadd.s32 s7, s0  }
0x11: {  	s7 =	ssub.s32 s9, s20;
	s21 =	sadd.s32 $0x10, s8;
	s12 =	sadd.s32 s2, s8  }
0x12: {  	s8 =	sadd.s32 s1, s8;
	s6 =	sshrl.u32 s6, $0x3;
	[dreg:$0x5] =	wrdreg s12  }
0x13: {  	s20 =	sadd.s32 $0x100, s25;
	s13 =	sadd.s32 s2, s21;
	[dreg:$0x7] =	wrdreg s8  }
0x14: {  	s25 =	simm.s32 $0x180;
	s9 =	sadd.s32 s1, s21;
	[dreg:$0x6] =	wrdreg s13  }
0x15: {  	s23 =	sadd.s32 $0x20, s12;
	s8 =	sadd.s32 $0x4E0, s8;
	[dreg:$0x8] =	wrdreg s9  }
0x16: {  	s0 =	sadd.s32 $0x2A600, s0;
	s24 =	smax.u32 s7, $0x1;
	[dreg:$0x9] =	wrdreg s23  }
0x17: {  	s7 =	sshrl.u32 s26, $0x3;
	s19 =	sadd.s32 s6, s2;
	[dreg:$0xa] =	wrdreg s8  }
0x18: {  	s26 =	simm.s32 $0x200;
	s6 =	simm.s32 $0x0;
	[dreg:$0xb] =	wrdreg s0  }
0x19: {  	[dreg:$0xc] =	wrdreg s24;
	s21 =	sadd.s32 s7, s1;
	s22 =	sadd.s32 s7, s2  }
0x1a: {  	s23 =	simm.s32 $0x80;
	s24 =	simm.s32 $0x100;
	s0 =	simm.s32 $0x4200  }
0x1b: {  	v0 =	vimm.f32 $0.0e+00;
	s2 =	simm.s32 $0x4;
	s7 =	simm.s32 $0x6;
	s9 =	simm.s32 $0x5  }
.LBB2_1:
0x1c: {  	s8 =	rddreg [dreg:$0x5]  }
0x1d: {  	[tilespmem:s4], [sflag:$0x2] =	stream.linear.gather [hbm4b:s8+s4], $0x80, $0x38;
	[tilespmem:$0x1C200] =	vst v63  }
0x1e: {  	s12 =	rddreg [dreg:$0x6]  }
0x1f: {  	[tilespmem:s23], [sflag:$0x3] =	stream.linear.gather [hbm4b:s12+s4], $0x80, $0x38;
	[tilespmem:$0x1C200] =	vst v63  }
0x20: {  	s13 =	rddreg [dreg:$0x7]  }
0x21: {  	[tilespmem:s24], [sflag:$0x4] =	stream.linear.gather [hbm4b:s13+s4], $0x80, $0x38;
	[tilespmem:$0x1C200] =	vst v63  }
0x22: {  	s14 =	rddreg [dreg:$0x8];
	s12 =	simm.s32 $0x0;
	s13 =	simm.s32 $0x200  }
0x23: {  	[tilespmem:s25], [sflag:$0x5] =	stream.linear.gather [hbm4b:s14+s4], $0x80, $0x38;
	[tilespmem:$0x1C200] =	vst v63  }
.LBB2_2:
0x24: {  	p0 =	sne.s32 s13, $0xFE00;
	[tilespmem:s12+$0x270] =	vst v0  }
0x25: {  	[tilespmem:s12+$0x200] =	vst v0  }
0x26: {  	[tilespmem:s12+$0x210] =	vst v0  }
.Ltmp0:
0x27: {  	[tilespmem:s12+$0x220] =	vst v0;
	(pc) =	sbr.rel @p0 .LBB2_2-.Ltmp0, $4  }
0x28: {  	[tilespmem:s12+$0x230] =	vst v0  }
0x29: {  	[tilespmem:s12+$0x240] =	vst v0  }
0x2a: {  	[tilespmem:s12+$0x250] =	vst v0  }
0x2b: {  	[tilespmem:s12+$0x260] =	vst v0;
	s12 =	sshra.s32 s13, $0x2;
	s13 =	sadd.s32 $0x200, s13  }
0x2c: {  	[tilespmem:s12+$0x270] =	vst v0  }
0x2d: {  	[tilespmem:s12+$0x200] =	vst v0  }
0x2e: {  	[tilespmem:s12+$0x210] =	vst v0  }
0x2f: {  	[tilespmem:s12+$0x220] =	vst v0  }
0x30: {  	[tilespmem:s12+$0x230] =	vst v0  }
0x31: {  	[tilespmem:s12+$0x240] =	vst v0  }
0x32: {  	[tilespmem:s12+$0x250] =	vst v0  }
0x33: {  	[tilespmem:s12+$0x260] =	vst v0  }
0x34: {  	[spmem:s10] =	stream.linear.scatter [tilespmem:s26], [sflag:$0x8], $0x4000, $0x38;
	[tilespmem:$0x1C200] =	vst v63  }
0x35: {  	_ =	swait.ge [sflag:s28], $0x4000  }
0x36: {  	[sflag:s28] =	ssyncset.done $0x0  }
0x37: {  	[sflag:s28] =	ssyncadd.s32 $0xFFFFC000  }
0x38: {  	[spmem:s15] =	stream.linear.scatter [tilespmem:s26], [sflag:$0x8], $0x4000, $0x38;
	[tilespmem:$0x1C200] =	vst v63  }
0x39: {  	_ =	swait.ge [sflag:s28], $0x4000  }
0x3a: {  	[sflag:s28] =	ssyncset.done $0x0  }
0x3b: {  	[sflag:s28] =	ssyncadd.s32 $0xFFFFC000  }
0x3c: {  	[spmem:s16] =	stream.linear.scatter [tilespmem:s26], [sflag:$0x8], $0x4000, $0x38;
	[tilespmem:$0x1C200] =	vst v63  }
0x3d: {  	_ =	swait.ge [sflag:s28], $0x4000  }
0x3e: {  	[sflag:s28] =	ssyncset.done $0x0  }
0x3f: {  	[sflag:s28] =	ssyncadd.s32 $0xFFFFC000  }
0x40: {  	[spmem:s17] =	stream.linear.scatter [tilespmem:s26], [sflag:$0x8], $0x4000, $0x38;
	[tilespmem:$0x1C200] =	vst v63  }
0x41: {  	_ =	swait.ge [sflag:s28], $0x4000  }
0x42: {  	[sflag:s28] =	ssyncset.done $0x0  }
0x43: {  	[sflag:s28] =	ssyncadd.s32 $0xFFFFC000  }
0x44: {  	[spmem:s18] =	stream.linear.scatter [tilespmem:s26], [sflag:$0x8], $0x4000, $0x38;
	[tilespmem:$0x1C200] =	vst v63  }
0x45: {  	_ =	swait.ge [sflag:s28], $0x4000  }
0x46: {  	[sflag:s28] =	ssyncset.done $0x0  }
0x47: {  	[sflag:s28] =	ssyncadd.s32 $0xFFFFC000  }
0x48: {  	[bflag:$0x0] =	sbarrier.arrive $0xFFFF  }
0x49: {  	_ =	swait.ge [sflag:s29], $0x80  }
0x4a: {  	[sflag:s29] =	ssyncset.done $0x0  }
0x4b: {  	s13 =	simm.s32 $0x0;
	[sflag:s29] =	ssyncadd.s32 $0xFFFFFF80  }
0x4c: {  	[tilespmem:s26], [sflag:$0x1] =	stream.indirect.gather [hbm4b:s5+s23], $0x80, s13, s23, $0xb8;
	[tilespmem:$0x1C200] =	vst v63  }
0x4d: {  	_ =	swait.ge [sflag:s30], $0x4000  }
0x4e: {  	[sflag:s30] =	ssyncset.done $0x0  }
0x4f: {  	s8 =	rddreg [dreg:$0x9];
	[sflag:s30] =	ssyncadd.s32 $0xFFFFC000  }
0x50: {  	[tilespmem:s13], [sflag:$0x2] =	stream.linear.gather [hbm4b:s8+s13], $0x80, $0x38;
	[tilespmem:$0x1C200] =	vst v63  }
0x51: {  	_ =	swait.ge [sflag:s31], $0x80  }
0x52: {  	[sflag:s31] =	ssyncset.done $0x0  }
0x53: {  	[sflag:s31] =	ssyncadd.s32 $0xFFFFFF80  }
0x54: {  	[tilespmem:s0], [sflag:$0x1] =	stream.indirect.gather [hbm4b:s5+s23], $0x80, s23, s23, $0xb8;
	[tilespmem:$0x1C200] =	vst v63  }
0x55: {  	_ =	swait.ge [sflag:s2], $0x80  }
0x56: {  	[sflag:s2] =	ssyncset.done $0x0  }
0x57: {  	[sflag:s2] =	ssyncadd.s32 $0xFFFFFF80  }
0x58: {  	[spmem:s3] =	stream.indirect.scatter.add.f32 [tilespmem:s26], [sflag:$0x6], $0x80, s24, s23, $0xb8;
	[tilespmem:$0x1C200] =	vst v63  }
0x59: {  	_ =	swait.ge [sflag:s30], $0x4000  }
0x5a: {  	[sflag:s30] =	ssyncset.done $0x0  }
0x5b: {  	s14 =	sadd.s32 $0x0, s22;
	[sflag:s30] =	ssyncadd.s32 $0xFFFFC000  }
0x5c: {  	[tilespmem:s23], [sflag:$0x3] =	stream.linear.gather [hbm4b:s14+s4], $0x80, $0x38;
	[tilespmem:$0x1C200] =	vst v63  }
0x5d: {  	_ =	swait.ge [sflag:s7], $0x4000  }
0x5e: {  	s8 =	sshrl.u32 s20, $0x3;
	[sflag:s7] =	ssyncset.done $0x0  }
0x5f: {  	s12 =	sadd.s32 s1, s8;
	[sflag:s7] =	ssyncadd.s32 $0xFFFFC000  }
0x60: {  	[tilespmem:s24], [sflag:$0x4] =	stream.linear.gather [hbm4b:s12+s4], $0x80, $0x38;
	[tilespmem:$0x1C200] =	vst v63  }
0x61: {  	_ =	swait.ge [sflag:s29], $0x80  }
0x62: {  	[sflag:s29] =	ssyncset.done $0x0  }
0x63: {  	[sflag:s29] =	ssyncadd.s32 $0xFFFFFF80  }
0x64: {  	[tilespmem:s26], [sflag:$0x1] =	stream.indirect.gather [hbm4b:s5+s23], $0x80, s4, s23, $0xb8;
	[tilespmem:$0x1C200] =	vst v63  }
0x65: {  	_ =	swait.ge [sflag:s9], $0x80  }
0x66: {  	[sflag:s9] =	ssyncset.done $0x0  }
0x67: {  	[sflag:s9] =	ssyncadd.s32 $0xFFFFFF80  }
0x68: {  	[spmem:s3] =	stream.indirect.scatter.add.f32 [tilespmem:s0], [sflag:$0x7], $0x80, s25, s23, $0xb8;
	[tilespmem:$0x1C200] =	vst v63  }
0x69: {  	_ =	swait.ge [sflag:s30], $0x4000  }
0x6a: {  	[sflag:s30] =	ssyncset.done $0x0  }
0x6b: {  	s13 =	sadd.s32 $0x0, s19;
	[sflag:s30] =	ssyncadd.s32 $0xFFFFC000  }
0x6c: {  	[tilespmem:s4], [sflag:$0x2] =	stream.linear.gather [hbm4b:s13+s4], $0x80, $0x38;
	[tilespmem:$0x1C200] =	vst v63  }
0x6d: {  	_ =	swait.ge [sflag:s11], $0x4000  }
0x6e: {  	[sflag:s11] =	ssyncset.done $0x0  }
0x6f: {  	s14 =	sadd.s32 $0x0, s21;
	[sflag:s11] =	ssyncadd.s32 $0xFFFFC000  }
0x70: {  	[tilespmem:s25], [sflag:$0x5] =	stream.linear.gather [hbm4b:s14+s4], $0x80, $0x38;
	[tilespmem:$0x1C200] =	vst v63  }
0x71: {  	_ =	swait.ge [sflag:s31], $0x80  }
0x72: {  	[sflag:s31] =	ssyncset.done $0x0  }
0x73: {  	[sflag:s31] =	ssyncadd.s32 $0xFFFFFF80  }
0x74: {  	[tilespmem:s0], [sflag:$0x1] =	stream.indirect.gather [hbm4b:s5+s23], $0x80, s23, s23, $0xb8;
	[tilespmem:$0x1C200] =	vst v63  }
0x75: {  	_ =	swait.ge [sflag:s2], $0x80  }
0x76: {  	[sflag:s2] =	ssyncset.done $0x0  }
0x77: {  	s12 =	simm.s32 $0x20;
	s13 =	sadd.s32 $0x100, s20;
	[sflag:s2] =	ssyncadd.s32 $0xFFFFFF80  }
.LBB2_4:
0x78: {  	[spmem:s3] =	stream.indirect.scatter.add.f32 [tilespmem:s26], [sflag:$0x6], $0x80, s24, s23, $0xb8;
	[tilespmem:$0x1C200] =	vst v63  }
0x79: {  	s8 =	smov.u32 s12  }
0x7a: {  	p0 =	sne.s32 s12, $0x4A0;
	s12 =	sadd.s32 $0x20, s12;
	_ =	swait.ge [sflag:s30], $0x4000  }
0x7b: {  	[sflag:s30] =	ssyncset.done $0x0  }
0x7c: {  	s14 =	sadd.s32 s8, s22;
	[sflag:s30] =	ssyncadd.s32 $0xFFFFC000  }
0x7d: {  	[tilespmem:s23], [sflag:$0x3] =	stream.linear.gather [hbm4b:s14+s4], $0x80, $0x38;
	[tilespmem:$0x1C200] =	vst v63  }
0x7e: {  	_ =	swait.ge [sflag:s7], $0x4000  }
0x7f: {  	s14 =	sshrl.u32 s13, $0x3;
	[sflag:s7] =	ssyncset.done $0x0  }
0x80: {  	s14 =	sadd.s32 s1, s14;
	[sflag:s7] =	ssyncadd.s32 $0xFFFFC000  }
0x81: {  	[tilespmem:s24], [sflag:$0x4] =	stream.linear.gather [hbm4b:s14+s4], $0x80, $0x38;
	[tilespmem:$0x1C200] =	vst v63  }
0x82: {  	_ =	swait.ge [sflag:s29], $0x80  }
0x83: {  	[sflag:s29] =	ssyncset.done $0x0  }
0x84: {  	[sflag:s29] =	ssyncadd.s32 $0xFFFFFF80  }
0x85: {  	[tilespmem:s26], [sflag:$0x1] =	stream.indirect.gather [hbm4b:s5+s23], $0x80, s4, s23, $0xb8;
	[tilespmem:$0x1C200] =	vst v63  }
0x86: {  	_ =	swait.ge [sflag:s9], $0x80  }
0x87: {  	[sflag:s9] =	ssyncset.done $0x0  }
0x88: {  	[sflag:s9] =	ssyncadd.s32 $0xFFFFFF80  }
0x89: {  	[spmem:s3] =	stream.indirect.scatter.add.f32 [tilespmem:s0], [sflag:$0x7], $0x80, s25, s23, $0xb8;
	[tilespmem:$0x1C200] =	vst v63  }
0x8a: {  	_ =	swait.ge [sflag:s30], $0x4000  }
0x8b: {  	[sflag:s30] =	ssyncset.done $0x0  }
0x8c: {  	s14 =	sadd.s32 s8, s19;
	[sflag:s30] =	ssyncadd.s32 $0xFFFFC000  }
0x8d: {  	[tilespmem:s4], [sflag:$0x2] =	stream.linear.gather [hbm4b:s14+s4], $0x80, $0x38;
	[tilespmem:$0x1C200] =	vst v63  }
0x8e: {  	_ =	swait.ge [sflag:s11], $0x4000  }
0x8f: {  	[sflag:s11] =	ssyncset.done $0x0  }
0x90: {  	s8 =	sadd.s32 s8, s21;
	[sflag:s11] =	ssyncadd.s32 $0xFFFFC000  }
0x91: {  	[tilespmem:s25], [sflag:$0x5] =	stream.linear.gather [hbm4b:s8+s4], $0x80, $0x38;
	[tilespmem:$0x1C200] =	vst v63  }
0x92: {  	_ =	swait.ge [sflag:s31], $0x80  }
0x93: {  	[sflag:s31] =	ssyncset.done $0x0  }
.Ltmp1:
0x94: {  	[sflag:s31] =	ssyncadd.s32 $0xFFFFFF80;
	(pc) =	sbr.rel @p0 .LBB2_4-.Ltmp1, $4  }
0x95: {  	[tilespmem:s0], [sflag:$0x1] =	stream.indirect.gather [hbm4b:s5+s23], $0x80, s23, s23, $0xb8;
	[tilespmem:$0x1C200] =	vst v63  }
0x96: {  	_ =	swait.ge [sflag:s2], $0x80  }
0x97: {  	[sflag:s2] =	ssyncset.done $0x0  }
0x98: {  	s13 =	sadd.s32 $0x100, s13;
	[sflag:s2] =	ssyncadd.s32 $0xFFFFFF80  }
0x99: {  	[spmem:s3] =	stream.indirect.scatter.add.f32 [tilespmem:s26], [sflag:$0x6], $0x80, s24, s23, $0xb8;
	[tilespmem:$0x1C200] =	vst v63  }
0x9a: {  	_ =	swait.ge [sflag:s30], $0x4000  }
0x9b: {  	[sflag:s30] =	ssyncset.done $0x0  }
0x9c: {  	[sflag:s30] =	ssyncadd.s32 $0xFFFFC000  }
0x9d: {  	_ =	swait.ge [sflag:s7], $0x4000  }
0x9e: {  	[sflag:s7] =	ssyncset.done $0x0  }
0x9f: {  	s8 =	rddreg [dreg:$0xa];
	[sflag:s7] =	ssyncadd.s32 $0xFFFFC000  }
0xa0: {  	[tilespmem:s24], [sflag:$0x4] =	stream.linear.gather [hbm4b:s8+s4], $0x80, $0x38;
	[tilespmem:$0x1C200] =	vst v63  }
0xa1: {  	_ =	swait.ge [sflag:s29], $0x80  }
0xa2: {  	[sflag:s29] =	ssyncset.done $0x0  }
0xa3: {  	[sflag:s29] =	ssyncadd.s32 $0xFFFFFF80  }
0xa4: {  	[tilespmem:s26], [sflag:$0x1] =	stream.indirect.gather [hbm4b:s5+s23], $0x80, s4, s23, $0xb8;
	[tilespmem:$0x1C200] =	vst v63  }
0xa5: {  	_ =	swait.ge [sflag:s9], $0x80  }
0xa6: {  	[sflag:s9] =	ssyncset.done $0x0  }
0xa7: {  	[sflag:s9] =	ssyncadd.s32 $0xFFFFFF80  }
0xa8: {  	[spmem:s3] =	stream.indirect.scatter.add.f32 [tilespmem:s0], [sflag:$0x7], $0x80, s25, s23, $0xb8;
	[tilespmem:$0x1C200] =	vst v63  }
0xa9: {  	_ =	swait.ge [sflag:s30], $0x4000  }
0xaa: {  	[sflag:s30] =	ssyncset.done $0x0  }
0xab: {  	[sflag:s30] =	ssyncadd.s32 $0xFFFFC000  }
0xac: {  	_ =	swait.ge [sflag:s11], $0x4000  }
0xad: {  	[sflag:s11] =	ssyncset.done $0x0  }
0xae: {  	[sflag:s11] =	ssyncadd.s32 $0xFFFFC000  }
0xaf: {  	_ =	swait.ge [sflag:s2], $0x80  }
0xb0: {  	[sflag:s2] =	ssyncset.done $0x0  }
0xb1: {  	[sflag:s2] =	ssyncadd.s32 $0xFFFFFF80  }
0xb2: {  	[spmem:s3] =	stream.indirect.scatter.add.f32 [tilespmem:s26], [sflag:$0x6], $0x80, s24, s23, $0xb8;
	[tilespmem:$0x1C200] =	vst v63  }
0xb3: {  	_ =	swait.ge [sflag:s7], $0x4000  }
0xb4: {  	[sflag:s7] =	ssyncset.done $0x0  }
0xb5: {  	s13 =	stileid.u32;
	[sflag:s7] =	ssyncadd.s32 $0xFFFFC000  }
0xb6: {  	s8 =	sshll.u32 s13, $0x6;
	[bflag:$0x0] =	sbarrier.arrive $0xFFFF  }
0xb7: {  	s12 =	sshrl.u32 s10, $0x3;
	s8 =	sor.u32 $0x1C08, s8;
	s13 =	rddreg [dreg:$0xb]  }
0xb8: {  	[hbm:s13], [sflag:s8] =	dma.local [spmem:s12], $0x2800  }
0xb9: {  	_ =	swait.ge [sflag:s28], $0x2800  }
0xba: {  	s6 =	sadd.s32 $0x1, s6;
	s14 =	rddreg [dreg:$0xc]  }
0xbb: {  	p0 =	sne.s32 s6, s14  }
.Ltmp2:
0xbc: {  	_ = 	snop;
	(pc) =	sbr.rel @p0 .LBB2_1-.Ltmp2, $3  }
0xbd: {  	_ =	sdelay $0x1  }
0xbe: {  	[sflag:s28] =	ssyncset.done $0x0  }
0xbf: {  	[sflag:s28] =	ssyncadd.s32 $0xFFFFD800  }
0xc0: {  	_ =	sfence.sel $0x180000  }
0xc1: {  	[bflag:$0x0] =	sbarrier.arrive $0xFFFF  }
0xc2: {  	_ =	strace $0x9000004D  }
0xc3: {  	s0 =	stileid.u32;
	[bflag:$0x2] =	sbarrier.arrive $0xFFFF  }
0xc4: {  	p0 =	sne.s32 s0, $0x0;
	s0 =	rddreg [dreg:$0x4]  }
0xc5: {  	s0 =	sadd.s32 @!p0 $0x100000, s0  }
0xc6: {  	[sflag:s0] =	ssyncadd.tile.s32 @!p0 $0x1;
	_ =	shalt  }
.Lfunc_end2:
_tile_overlayer_lowered:
.L_overlay_start_2:
0xc7: {  	(tag) =	ssettag $0x2  }
0xc8: {  	s0 =	rddreg [dreg:$0x0];
	s2 =	stileid.u32  }
0xc9: {  	s1 =	rddreg [dreg:$0x1];
	p0 =	sne.s32 s2, $0x0  }
0xca: {  	s3 =	rddreg [dreg:$0x2];
	[bflag:$0x3] =	sbarrier.arrive $0xFFFF;
	s2 =	simm.s32 @!p0 $0x1C08  }
0xcb: {  	[timem:s3], [sflag:s2] =	dma.local @!p0 [hbm:s0], s1  }
0xcc: {  	s0 =	simm.s32 @!p0 $0x8  }
0xcd: {  	_ =	swait.ge @!p0 [sflag:s0], s1  }
0xce: {  	s1 =	ssub.s32 @!p0 $0x0, s1;
	[sflag:s0] =	ssyncset.done @!p0 $0x0  }
0xcf: {  	[sflag:s0] =	ssyncadd.s32 @!p0 s1  }
0xd0: {  	[bflag:$0x3] =	sbarrier.arrive $0xFFFF  }
0xd1: {  	_ =	shalt  }

// kernel: kernel.8.cloned.1.call-start
scs
__scs_entry_jumppad:
0x0: {  	(pc) =	sbr.rel $0x88, $3  }
0x1: {  	(tag) =	ssettag $0x0;
	lr =	simm.s32 $0x1  }
0x2: {  	[smem:$0x3F9B] =	sst lr;
	_ =	strace $0xD0000000  }
0x3: {  	_ = 	snop  }
0x4: {  	_ = 	snop  }
0x5: {  	_ = 	snop  }
0x6: {  	_ = 	snop  }
0x7: {  	_ = 	snop  }
__scs_overlays_trampoline_lowered:
0x8: {  	[smem:$0x3FAA] =	sst s0  }
0x9: {  	[smem:$0x3FAB] =	sst s1  }
0xa: {  	[smem:$0x3FAC] =	sst s2  }
0xb: {  	[smem:$0x3FAD] =	sst s3  }
0xc: {  	[smem:$0x3FAE] =	sst s4  }
0xd: {  	[smem:$0x3FAF] =	sst s5  }
0xe: {  	[smem:$0x3FB0] =	sst s6  }
0xf: {  	[smem:$0x3FB1] =	sst s7  }
0x10: {  	[smem:$0x3FB2] =	sst s8  }
0x11: {  	[smem:$0x3FB3] =	sst s9;
	s0 =	simm.s32 @!p0 $0x0  }
0x12: {  	s1 =	sld [smem:$0x3F99];
	s0 =	simm.s32 @p0 $0x1  }
0x13: {  	[smem:$0x3FB4] =	sst s0;
	s0 =	simm.s32 @!p1 $0x0  }
0x14: {  	s2 =	sld [smem:$0x3F98];
	s0 =	simm.s32 @p1 $0x1  }
0x15: {  	[smem:$0x3FB5] =	sst s0;
	s0 =	simm.s32 @!p2 $0x0  }
0x16: {  	s3 =	sld [smem:$0x3FDB];
	s0 =	simm.s32 @p2 $0x1  }
0x17: {  	s4 =	simm.s32 $0x1BF5;
	[smem:$0x3FB7] =	sst s0  }
0x18: {  	s0 =	sld [smem:$0x3F9A];
	_ =	swait.ge [sflag:s4], $0x0  }
0x19: {  	s7 =	sld [smem:$0x3F9B]  }
0x1a: {  	s8 =	sadd.s32 $0xFFFFE003, lr  }
0x1b: {  	s9 =	sadd.s32 $0xFFFFFEF7, lr;
	s5 =	simm.s32 $0xFFFFFFFF;
	p2 =	slt.u32 s8, $0xFFFFF086  }
0x1c: {  	p1 =	slt.u32 s9, $0xF7A;
	s5 =	simm.s32 @!p2 $0x0  }
0x1d: {  	s5 =	simm.s32 @p1 $0x1;
	p0 =	seq.s32 s7, s2  }
0x1e: {  	s7 =	smul.u32 @!p0 $0xF7A, s2;
	p2 =	seq.s32 @!p0 s5, $0x0  }
0x1f: {  	s9 =	smul.u32 $0xF7A, s1;
	s8 =	simm.s32 @!p0 $0x1BF5;
	p2 =	por !p2, p0  }
0x20: {  	[sflag:s8] =	ssyncset.s32 @!p0 $0xFFFFF086;
	s6 =	sadd.s32 @!p0 s3, s7;
	s7 =	simm.s32 @!p0 $0x108  }
0x21: {  	s3 =	sadd.s32 s3, s9;
	s6 =	sadd.s32 @!p0 $0x88, s6;
	s7 =	simm.s32 @p2 $0x1082  }
0x22: {  	[simem:s7], [sflag:s8] =	dma.local @!p0 [hbm:s6], $0xF7A  }
0x23: {  	s9 =	sor.u32 $0xD0000000, s2;
	s6 =	simm.s32 $0x108;
	_ =	swait.ge @!p0 [sflag:s8], $0x0  }
0x24: {  	s3 =	sadd.s32 $0x88, s3;
	s6 =	simm.s32 @!p1 $0x1082;
	[sflag:s4] =	ssyncset.s32 $0xFFFFF086  }
0x25: {  	[simem:s6], [sflag:s4] =	dma.local [hbm:s3], $0xF7A  }
0x26: {  	[smem:$0x3F9B] =	sst s1;
	(tag) =	ssettag s2;
	_ =	strace s9  }
0x27: {  	s1 =	sld [smem:$0x3FAB]  }
0x28: {  	s2 =	sld [smem:$0x3FAC]  }
0x29: {  	s4 =	sld [smem:$0x3FAE]  }
0x2a: {  	p0 =	seq.s32 s5, $0x0;
	s5 =	sld [smem:$0x3FAF]  }
0x2b: {  	s6 =	sld [smem:$0x3FB0]  }
0x2c: {  	s7 =	sld [smem:$0x3FB1]  }
0x2d: {  	s3 =	simm.s32 $0x108;
	s8 =	sld [smem:$0x3FB2]  }
0x2e: {  	s3 =	simm.s32 @!p0 $0x1082;
	s9 =	sld [smem:$0x3FB3]  }
0x2f: {  	lr =	sadd.s32 s0, s3;
	s0 =	sld [smem:$0x3FAA]  }
0x30: {  	s3 =	sld [smem:$0x3FAD]  }
0x31: {  	[smem:$0x3FB6] =	sst s10  }
0x32: {  	s10 =	sld [smem:$0x3FB4];
	_ =	sdelay $0x3  }
0x33: {  	p0 =	seq.s32 s10, $0x1;
	s10 =	sld [smem:$0x3FB6];
	_ =	sdelay $0x3  }
0x34: {  	[smem:$0x3FB6] =	sst s10  }
0x35: {  	s10 =	sld [smem:$0x3FB5];
	_ =	sdelay $0x3  }
0x36: {  	p1 =	seq.s32 s10, $0x1;
	s10 =	sld [smem:$0x3FB6];
	_ =	sdelay $0x3  }
0x37: {  	[smem:$0x3FB6] =	sst s10  }
0x38: {  	s10 =	sld [smem:$0x3FB7]  }
0x39: {  	_ = 	snop;
	(pc) =	sbr.ind lr, $3  }
0x3a: {  	_ = 	snop  }
0x3b: {  	_ = 	snop  }
0x3c: {  	p2 =	seq.s32 s10, $0x1;
	s10 =	sld [smem:$0x3FB6]  }
0x3d: {  	_ =	shalt  }
0x3e: {  	_ =	shalt  }
0x3f: {  	_ =	shalt  }
0x40: {  	_ =	shalt  }
0x41: {  	_ =	shalt  }
0x42: {  	_ =	shalt  }
0x43: {  	_ =	shalt  }
0x44: {  	_ =	shalt  }
0x45: {  	_ =	shalt  }
0x46: {  	_ =	shalt  }
0x47: {  	_ =	shalt  }
0x48: {  	_ =	shalt  }
0x49: {  	_ =	shalt  }
0x4a: {  	_ =	shalt  }
0x4b: {  	_ =	shalt  }
0x4c: {  	_ =	shalt  }
0x4d: {  	_ =	shalt  }
0x4e: {  	_ =	shalt  }
0x4f: {  	_ =	shalt  }
0x50: {  	_ =	shalt  }
0x51: {  	_ =	shalt  }
0x52: {  	_ =	shalt  }
0x53: {  	_ =	shalt  }
0x54: {  	_ =	shalt  }
0x55: {  	_ =	shalt  }
0x56: {  	_ =	shalt  }
0x57: {  	_ =	shalt  }
0x58: {  	_ =	shalt  }
0x59: {  	_ =	shalt  }
0x5a: {  	_ =	shalt  }
0x5b: {  	_ =	shalt  }
0x5c: {  	_ =	shalt  }
0x5d: {  	_ =	shalt  }
0x5e: {  	_ =	shalt  }
0x5f: {  	_ =	shalt  }
0x60: {  	_ =	shalt  }
0x61: {  	_ =	shalt  }
0x62: {  	_ =	shalt  }
0x63: {  	_ =	shalt  }
0x64: {  	_ =	shalt  }
0x65: {  	_ =	shalt  }
0x66: {  	_ =	shalt  }
0x67: {  	_ =	shalt  }
0x68: {  	_ =	shalt  }
0x69: {  	_ =	shalt  }
0x6a: {  	_ =	shalt  }
0x6b: {  	_ =	shalt  }
0x6c: {  	_ =	shalt  }
0x6d: {  	_ =	shalt  }
0x6e: {  	_ =	shalt  }
0x6f: {  	_ =	shalt  }
0x70: {  	_ =	shalt  }
0x71: {  	_ =	shalt  }
0x72: {  	_ =	shalt  }
0x73: {  	_ =	shalt  }
0x74: {  	_ =	shalt  }
0x75: {  	_ =	shalt  }
0x76: {  	_ =	shalt  }
0x77: {  	_ =	shalt  }
0x78: {  	_ =	shalt  }
0x79: {  	_ =	shalt  }
0x7a: {  	_ =	shalt  }
0x7b: {  	_ =	shalt  }
0x7c: {  	_ =	shalt  }
0x7d: {  	_ =	shalt  }
0x7e: {  	_ =	shalt  }
0x7f: {  	_ =	shalt  }
0x80: {  	_ =	shalt  }
0x81: {  	_ =	shalt  }
0x82: {  	_ =	shalt  }
0x83: {  	_ =	shalt  }
0x84: {  	_ =	shalt  }
0x85: {  	_ =	shalt  }
0x86: {  	_ =	shalt  }
0x87: {  	_ =	shalt  }
.Lfunc_end0:
.L_simem_size_0:
called_computation_lowered:
.L_overlay_start_0:
0x88: {  	s2 =	sld [smem:$0x3FD9]  }
0x89: {  	s3 =	sld [smem:$0x3FFE];
	_ =	sdelay $0x1  }
0x8a: {  	s1 =	srdreg.scid  }
0x8b: {  	s0 =	sand.u32 $0x1, s1  }
0x8c: {  	s14 =	sshll.u32 s0, $0xA;
	s2 =	sadd.s32 s3, s2  }
0x8d: {  	s2 =	sadd.s32 s2, s14  }
0x8e: {  	[smem:$0x3FC2] =	sst s2  }
0x8f: {  	_ = 	snop  }
0x90: {  	s2 =	sld [smem:$0x3FD0];
	_ =	sdelay $0x2  }
0x91: {  	s15 =	simm.s32 $0xA;
	s4 =	simm.s32 $0x10  }
0x92: {  	[smem:s4], [sflag:s15] =	dma.local [hbm:s2], $0x1  }
0x93: {  	_ =	swait.eq [sflag:s15], $0x1  }
0x94: {  	[sflag:s15] =	ssyncset.done $0x0  }
0x95: {  	s16 =	sld [smem:$0x10];
	[sflag:s15] =	ssyncadd.s32 $0xFFFFFFFF  }
0x96: {  	s17 =	sld [smem:$0x11];
	(tm) =	ssettm $0x1  }
0x97: {  	s18 =	sld [smem:$0x3FFB];
	_ =	sdelay $0x3  }
0x98: {  	_ =	strace s18  }
0x99: {  	s4 =	sld [smem:$0x3FFC];
	_ =	sdelay $0x3  }
0x9a: {  	_ =	strace s4  }
0x9b: {  	s4 =	sld [smem:$0x3FFD];
	_ =	sdelay $0x3  }
0x9c: {  	_ =	strace s4  }
0x9d: {  	_ =	strace $0x8FFFFFFF  }
0x9e: {  	s19 =	sld [smem:$0x3FDB];
	_ =	sdelay $0x1  }
0x9f: {  	s5 =	simm.s32 $_scs_section_size  }
0xa0: {  	s6 =	simm.s32 $_size__tile_overlayer_lowered;
	s7 =	simm.s32 $_tile_overlayer_lowered  }
0xa1: {  	s22 =	simm.s32 $0x1BFF;
	s21 =	sshll.u32 s7, $0x1;
	s4 =	sadd.s32 s5, s19  }
0xa2: {  	s8 =	simm.s32 $0x0;
	s20 =	sshll.u32 s6, $0x1;
	s6 =	sadd.s32 s21, s4  }
0xa3: {  	[timem:s8], [sflag:s22] =	dma.local [hbm:s6], s20  }
0xa4: {  	_ =	swait.ge [sflag:s22], s20  }
0xa5: {  	s5 =	ssub.s32 $0x0, s20;
	[sflag:s22] =	ssyncset.done $0x0  }
0xa6: {  	[sflag:s22] =	ssyncadd.s32 s5;
	_ =	sdelay $0x1  }
0xa7: {  	s23 =	simm.s32 $0x1B8B  }
0xa8: {  	_ =	swait.ge [sflag:s23], $0x1  }
0xa9: {  	[sflag:s23] =	ssyncset.done $0x0  }
0xaa: {  	s25 =	simm.s32 $0x1B8E;
	s24 =	sld [smem:$0x3FFE];
	[sflag:s23] =	ssyncadd.s32 $0xFFFFFFFF  }
0xab: {  	s26 =	simm.s32 $execute0_lowered;
	[smem:$0x3FD2] =	sst s25  }
0xac: {  	s6 =	sshll.u32 s26, $0x1;
	_ =	strace $0x80000046;
	[dreg:$0x1] =	wrdreg $0xFFFFFFFF  }
0xad: {  	s28 =	simm.s32 $_size_execute0_lowered;
	s4 =	sadd.s32 s4, s6;
	[dreg:$0x0] =	wrdreg $0x0  }
0xae: {  	s6 =	sshll.u32 s28, $0x1;
	[dreg:$0x2] =	wrdreg s4  }
0xaf: {  	[dreg:$0x3] =	wrdreg s6  }
0xb0: {  	[dreg:$0x4] =	wrdreg $0xC0  }
0xb1: {  	_ =	task [dreg:s8], $0x5FFFF  }
0xb2: {  	[dreg:$0x1] =	wrdreg $0xFFFFFFFF  }
0xb3: {  	[dreg:$0x0] =	wrdreg $0x60  }
0xb4: {  	[dreg:$0x2] =	wrdreg s24  }
0xb5: {  	[dreg:$0x3] =	wrdreg s16  }
0xb6: {  	[dreg:$0x4] =	wrdreg s17  }
0xb7: {  	[dreg:$0x5] =	wrdreg $0x82000  }
0xb8: {  	[dreg:$0x6] =	wrdreg $0x9  }
0xb9: {  	_ =	task.clear_ibuf [dreg:s8], $0x7FFFF;
	_ =	strace $0x90000046  }
0xba: {  	s29 =	simm.s32 $0x9;
	_ =	strace $0x80000048  }
0xbb: {  	_ =	swait.ge [sflag:s29], $0x1  }
0xbc: {  	[sflag:s29] =	ssyncadd.s32 $0xFFFFFFFF  }
0xbd: {  	_ =	strace $0x90000048  }
0xbe: {  	_ =	sfence  }
0xbf: {  	s30 =	sld [smem:$0x0];
	_ =	sdelay $0x2  }
0xc0: {  	s31 =	sshll.u32 s1, $0xD;
	s1 =	sshrl.u32 s1, $0x2  }
0xc1: {  	s3 =	sand.u32 $0x4000, s31;
	s1 =	sadd.s32 s1, s30  }
0xc2: {  	s0 =	sor.u32 s3, s0;
	s1 =	sshll.u32 s1, $0x11  }
0xc3: {  	s0 =	sor.u32 s1, s0  }
0xc4: {  	s0 =	sadd.s32 $0x8F2B, s0  }
0xc5: {  	[sflag:s0] =	ssyncadd.remote.s32 $0x1  }
0xc6: {  	_ =	sfence.sel $0xFFFF  }
0xc7: {  	[dreg:$0x0] =	wrdreg $0xFFFFFFFF;
	(pc) =	sbr.abs _section_cstart, $3  }
0xc8: {  	[dreg:$0x1] =	wrdreg $0xFFFFFFFF  }
0xc9: {  	_ =	task.clear_ibuf [dreg:s8], $0x2FFFF;
	_ =	strace $0x9FFFFFFF  }
0xca: {  	(tm) =	ssettm $0x7FFFFFFF  }
0xcb: {  	_ =	shalt  }
tec
execute0_lowered:
.L_overlay_start_1:
0x0: {  	(tag) =	ssettag $0x1  }
0x1: {  	s0 =	rddreg [dreg:$0x0]  }
0x2: {  	s2 =	rddreg [dreg:$0x1]  }
0x3: {  	s1 =	rddreg [dreg:$0x2]  }
0x4: {  	s3 =	rddreg [dreg:$0x3]  }
0x5: {  	s4 =	srdreg.scid;
	s11 =	stileid.u32  }
0x6: {  	s28 =	simm.s32 $0x8;
	s29 =	simm.s32 $0x2;
	s7 =	smul.u32 $0x14000, s11  }
0x7: {  	s30 =	simm.s32 $0x1;
	s6 =	sand.u32 $0x1, s4;
	s10 =	smul.u32 $0x50000, s11  }
0x8: {  	s4 =	simm.s32 $0x0;
	s8 =	sshll.u32 s11, $0x1;
	s11 =	smul.u32 $0x4F00, s11  }
0x9: {  	s31 =	simm.s32 $0x3;
	s5 =	smul.u32 $0x140000, s6;
	[smem:$0x7FF] =	sst s4  }
0xa: {  	s8 =	sor.u32 s6, s8;
	s9 =	ssub.s32 $0x2, s6;
	s6 =	smul.u32 $0x2780, s6  }
0xb: {  	_ =	strace $0x80000047;
	s8 =	smul.u32 $0x2780, s8;
	s20 =	sshrl.u32 s9, $0x1  }
0xc: {  	s22 =	sshrl.u32 s10, $0x2;
	s7 =	sadd.s32 s7, s5;
	s5 =	sadd.s32 $0x2600, s0  }
0xd: {  	s10 =	sadd.s32 s22, s3;
	s25 =	sadd.s32 s6, s11;
	s11 =	simm.s32 $0x7  }
0xe: {  	s7 =	sshrl.u32 s7, $0x3;
	s8 =	sshrl.u32 s8, $0x3;
	s15 =	sadd.s32 $0x4000, s10  }
0xf: {  	s16 =	sadd.s32 $0x8000, s10;
	s17 =	sadd.s32 $0xC000, s10;
	s6 =	sadd.s32 $0x200, s25  }
0x10: {  	s26 =	sadd.s32 $0x180, s25;
	s18 =	sadd.s32 $0x10000, s10;
	s0 =	sadd.s32 s7, s0  }
0x11: {  	s7 =	ssub.s32 s9, s20;
	s21 =	sadd.s32 $0x10, s8;
	s12 =	sadd.s32 s2, s8  }
0x12: {  	s8 =	sadd.s32 s1, s8;
	s6 =	sshrl.u32 s6, $0x3;
	[dreg:$0x5] =	wrdreg s12  }
0x13: {  	s20 =	sadd.s32 $0x100, s25;
	s13 =	sadd.s32 s2, s21;
	[dreg:$0x7] =	wrdreg s8  }
0x14: {  	s25 =	simm.s32 $0x180;
	s9 =	sadd.s32 s1, s21;
	[dreg:$0x6] =	wrdreg s13  }
0x15: {  	s23 =	sadd.s32 $0x20, s12;
	s8 =	sadd.s32 $0x4E0, s8;
	[dreg:$0x8] =	wrdreg s9  }
0x16: {  	s0 =	sadd.s32 $0x2A600, s0;
	s24 =	smax.u32 s7, $0x1;
	[dreg:$0x9] =	wrdreg s23  }
0x17: {  	s7 =	sshrl.u32 s26, $0x3;
	s19 =	sadd.s32 s6, s2;
	[dreg:$0xa] =	wrdreg s8  }
0x18: {  	s26 =	simm.s32 $0x200;
	s6 =	simm.s32 $0x0;
	[dreg:$0xb] =	wrdreg s0  }
0x19: {  	[dreg:$0xc] =	wrdreg s24;
	s21 =	sadd.s32 s7, s1;
	s22 =	sadd.s32 s7, s2  }
0x1a: {  	s23 =	simm.s32 $0x80;
	s24 =	simm.s32 $0x100;
	s0 =	simm.s32 $0x4200  }
0x1b: {  	v0 =	vimm.f32 $0.0e+00;
	s2 =	simm.s32 $0x4;
	s7 =	simm.s32 $0x6;
	s9 =	simm.s32 $0x5  }
.LBB2_1:
0x1c: {  	s8 =	rddreg [dreg:$0x5]  }
0x1d: {  	[tilespmem:s4], [sflag:$0x2] =	stream.linear.gather [hbm4b:s8+s4], $0x80, $0x38;
	[tilespmem:$0x1C200] =	vst v63  }
0x1e: {  	s12 =	rddreg [dreg:$0x6]  }
0x1f: {  	[tilespmem:s23], [sflag:$0x3] =	stream.linear.gather [hbm4b:s12+s4], $0x80, $0x38;
	[tilespmem:$0x1C200] =	vst v63  }
0x20: {  	s13 =	rddreg [dreg:$0x7]  }
0x21: {  	[tilespmem:s24], [sflag:$0x4] =	stream.linear.gather [hbm4b:s13+s4], $0x80, $0x38;
	[tilespmem:$0x1C200] =	vst v63  }
0x22: {  	s14 =	rddreg [dreg:$0x8];
	s12 =	simm.s32 $0x0;
	s13 =	simm.s32 $0x200  }
0x23: {  	[tilespmem:s25], [sflag:$0x5] =	stream.linear.gather [hbm4b:s14+s4], $0x80, $0x38;
	[tilespmem:$0x1C200] =	vst v63  }
.LBB2_2:
0x24: {  	p0 =	sne.s32 s13, $0xFE00;
	[tilespmem:s12+$0x270] =	vst v0  }
0x25: {  	[tilespmem:s12+$0x200] =	vst v0  }
0x26: {  	[tilespmem:s12+$0x210] =	vst v0  }
.Ltmp0:
0x27: {  	[tilespmem:s12+$0x220] =	vst v0;
	(pc) =	sbr.rel @p0 .LBB2_2-.Ltmp0, $4  }
0x28: {  	[tilespmem:s12+$0x230] =	vst v0  }
0x29: {  	[tilespmem:s12+$0x240] =	vst v0  }
0x2a: {  	[tilespmem:s12+$0x250] =	vst v0  }
0x2b: {  	[tilespmem:s12+$0x260] =	vst v0;
	s12 =	sshra.s32 s13, $0x2;
	s13 =	sadd.s32 $0x200, s13  }
0x2c: {  	[tilespmem:s12+$0x270] =	vst v0  }
0x2d: {  	[tilespmem:s12+$0x200] =	vst v0  }
0x2e: {  	[tilespmem:s12+$0x210] =	vst v0  }
0x2f: {  	[tilespmem:s12+$0x220] =	vst v0  }
0x30: {  	[tilespmem:s12+$0x230] =	vst v0  }
0x31: {  	[tilespmem:s12+$0x240] =	vst v0  }
0x32: {  	[tilespmem:s12+$0x250] =	vst v0  }
0x33: {  	[tilespmem:s12+$0x260] =	vst v0  }
0x34: {  	[spmem:s10] =	stream.linear.scatter [tilespmem:s26], [sflag:$0x8], $0x4000, $0x38;
	[tilespmem:$0x1C200] =	vst v63  }
0x35: {  	_ =	swait.ge [sflag:s28], $0x4000  }
0x36: {  	[sflag:s28] =	ssyncset.done $0x0  }
0x37: {  	[sflag:s28] =	ssyncadd.s32 $0xFFFFC000  }
0x38: {  	[spmem:s15] =	stream.linear.scatter [tilespmem:s26], [sflag:$0x8], $0x4000, $0x38;
	[tilespmem:$0x1C200] =	vst v63  }
0x39: {  	_ =	swait.ge [sflag:s28], $0x4000  }
0x3a: {  	[sflag:s28] =	ssyncset.done $0x0  }
0x3b: {  	[sflag:s28] =	ssyncadd.s32 $0xFFFFC000  }
0x3c: {  	[spmem:s16] =	stream.linear.scatter [tilespmem:s26], [sflag:$0x8], $0x4000, $0x38;
	[tilespmem:$0x1C200] =	vst v63  }
0x3d: {  	_ =	swait.ge [sflag:s28], $0x4000  }
0x3e: {  	[sflag:s28] =	ssyncset.done $0x0  }
0x3f: {  	[sflag:s28] =	ssyncadd.s32 $0xFFFFC000  }
0x40: {  	[spmem:s17] =	stream.linear.scatter [tilespmem:s26], [sflag:$0x8], $0x4000, $0x38;
	[tilespmem:$0x1C200] =	vst v63  }
0x41: {  	_ =	swait.ge [sflag:s28], $0x4000  }
0x42: {  	[sflag:s28] =	ssyncset.done $0x0  }
0x43: {  	[sflag:s28] =	ssyncadd.s32 $0xFFFFC000  }
0x44: {  	[spmem:s18] =	stream.linear.scatter [tilespmem:s26], [sflag:$0x8], $0x4000, $0x38;
	[tilespmem:$0x1C200] =	vst v63  }
0x45: {  	_ =	swait.ge [sflag:s28], $0x4000  }
0x46: {  	[sflag:s28] =	ssyncset.done $0x0  }
0x47: {  	[sflag:s28] =	ssyncadd.s32 $0xFFFFC000  }
0x48: {  	[bflag:$0x0] =	sbarrier.arrive $0xFFFF  }
0x49: {  	_ =	swait.ge [sflag:s29], $0x80  }
0x4a: {  	[sflag:s29] =	ssyncset.done $0x0  }
0x4b: {  	s13 =	simm.s32 $0x0;
	[sflag:s29] =	ssyncadd.s32 $0xFFFFFF80  }
0x4c: {  	[tilespmem:s26], [sflag:$0x1] =	stream.indirect.gather [hbm4b:s5+s23], $0x80, s13, s23, $0xb8;
	[tilespmem:$0x1C200] =	vst v63  }
0x4d: {  	_ =	swait.ge [sflag:s30], $0x4000  }
0x4e: {  	[sflag:s30] =	ssyncset.done $0x0  }
0x4f: {  	s8 =	rddreg [dreg:$0x9];
	[sflag:s30] =	ssyncadd.s32 $0xFFFFC000  }
0x50: {  	[tilespmem:s13], [sflag:$0x2] =	stream.linear.gather [hbm4b:s8+s13], $0x80, $0x38;
	[tilespmem:$0x1C200] =	vst v63  }
0x51: {  	_ =	swait.ge [sflag:s31], $0x80  }
0x52: {  	[sflag:s31] =	ssyncset.done $0x0  }
0x53: {  	[sflag:s31] =	ssyncadd.s32 $0xFFFFFF80  }
0x54: {  	[tilespmem:s0], [sflag:$0x1] =	stream.indirect.gather [hbm4b:s5+s23], $0x80, s23, s23, $0xb8;
	[tilespmem:$0x1C200] =	vst v63  }
0x55: {  	_ =	swait.ge [sflag:s2], $0x80  }
0x56: {  	[sflag:s2] =	ssyncset.done $0x0  }
0x57: {  	[sflag:s2] =	ssyncadd.s32 $0xFFFFFF80  }
0x58: {  	[spmem:s3] =	stream.indirect.scatter.add.f32 [tilespmem:s26], [sflag:$0x6], $0x80, s24, s23, $0xb8;
	[tilespmem:$0x1C200] =	vst v63  }
0x59: {  	_ =	swait.ge [sflag:s30], $0x4000  }
0x5a: {  	[sflag:s30] =	ssyncset.done $0x0  }
0x5b: {  	s14 =	sadd.s32 $0x0, s22;
	[sflag:s30] =	ssyncadd.s32 $0xFFFFC000  }
0x5c: {  	[tilespmem:s23], [sflag:$0x3] =	stream.linear.gather [hbm4b:s14+s4], $0x80, $0x38;
	[tilespmem:$0x1C200] =	vst v63  }
0x5d: {  	_ =	swait.ge [sflag:s7], $0x4000  }
0x5e: {  	s8 =	sshrl.u32 s20, $0x3;
	[sflag:s7] =	ssyncset.done $0x0  }
0x5f: {  	s12 =	sadd.s32 s1, s8;
	[sflag:s7] =	ssyncadd.s32 $0xFFFFC000  }
0x60: {  	[tilespmem:s24], [sflag:$0x4] =	stream.linear.gather [hbm4b:s12+s4], $0x80, $0x38;
	[tilespmem:$0x1C200] =	vst v63  }
0x61: {  	_ =	swait.ge [sflag:s29], $0x80  }
0x62: {  	[sflag:s29] =	ssyncset.done $0x0  }
0x63: {  	[sflag:s29] =	ssyncadd.s32 $0xFFFFFF80  }
0x64: {  	[tilespmem:s26], [sflag:$0x1] =	stream.indirect.gather [hbm4b:s5+s23], $0x80, s4, s23, $0xb8;
	[tilespmem:$0x1C200] =	vst v63  }
0x65: {  	_ =	swait.ge [sflag:s9], $0x80  }
0x66: {  	[sflag:s9] =	ssyncset.done $0x0  }
0x67: {  	[sflag:s9] =	ssyncadd.s32 $0xFFFFFF80  }
0x68: {  	[spmem:s3] =	stream.indirect.scatter.add.f32 [tilespmem:s0], [sflag:$0x7], $0x80, s25, s23, $0xb8;
	[tilespmem:$0x1C200] =	vst v63  }
0x69: {  	_ =	swait.ge [sflag:s30], $0x4000  }
0x6a: {  	[sflag:s30] =	ssyncset.done $0x0  }
0x6b: {  	s13 =	sadd.s32 $0x0, s19;
	[sflag:s30] =	ssyncadd.s32 $0xFFFFC000  }
0x6c: {  	[tilespmem:s4], [sflag:$0x2] =	stream.linear.gather [hbm4b:s13+s4], $0x80, $0x38;
	[tilespmem:$0x1C200] =	vst v63  }
0x6d: {  	_ =	swait.ge [sflag:s11], $0x4000  }
0x6e: {  	[sflag:s11] =	ssyncset.done $0x0  }
0x6f: {  	s14 =	sadd.s32 $0x0, s21;
	[sflag:s11] =	ssyncadd.s32 $0xFFFFC000  }
0x70: {  	[tilespmem:s25], [sflag:$0x5] =	stream.linear.gather [hbm4b:s14+s4], $0x80, $0x38;
	[tilespmem:$0x1C200] =	vst v63  }
0x71: {  	_ =	swait.ge [sflag:s31], $0x80  }
0x72: {  	[sflag:s31] =	ssyncset.done $0x0  }
0x73: {  	[sflag:s31] =	ssyncadd.s32 $0xFFFFFF80  }
0x74: {  	[tilespmem:s0], [sflag:$0x1] =	stream.indirect.gather [hbm4b:s5+s23], $0x80, s23, s23, $0xb8;
	[tilespmem:$0x1C200] =	vst v63  }
0x75: {  	_ =	swait.ge [sflag:s2], $0x80  }
0x76: {  	[sflag:s2] =	ssyncset.done $0x0  }
0x77: {  	s12 =	simm.s32 $0x20;
	s13 =	sadd.s32 $0x100, s20;
	[sflag:s2] =	ssyncadd.s32 $0xFFFFFF80  }
.LBB2_4:
0x78: {  	[spmem:s3] =	stream.indirect.scatter.add.f32 [tilespmem:s26], [sflag:$0x6], $0x80, s24, s23, $0xb8;
	[tilespmem:$0x1C200] =	vst v63  }
0x79: {  	s8 =	smov.u32 s12  }
0x7a: {  	p0 =	sne.s32 s12, $0x4A0;
	s12 =	sadd.s32 $0x20, s12;
	_ =	swait.ge [sflag:s30], $0x4000  }
0x7b: {  	[sflag:s30] =	ssyncset.done $0x0  }
0x7c: {  	s14 =	sadd.s32 s8, s22;
	[sflag:s30] =	ssyncadd.s32 $0xFFFFC000  }
0x7d: {  	[tilespmem:s23], [sflag:$0x3] =	stream.linear.gather [hbm4b:s14+s4], $0x80, $0x38;
	[tilespmem:$0x1C200] =	vst v63  }
0x7e: {  	_ =	swait.ge [sflag:s7], $0x4000  }
0x7f: {  	s14 =	sshrl.u32 s13, $0x3;
	[sflag:s7] =	ssyncset.done $0x0  }
0x80: {  	s14 =	sadd.s32 s1, s14;
	[sflag:s7] =	ssyncadd.s32 $0xFFFFC000  }
0x81: {  	[tilespmem:s24], [sflag:$0x4] =	stream.linear.gather [hbm4b:s14+s4], $0x80, $0x38;
	[tilespmem:$0x1C200] =	vst v63  }
0x82: {  	_ =	swait.ge [sflag:s29], $0x80  }
0x83: {  	[sflag:s29] =	ssyncset.done $0x0  }
0x84: {  	[sflag:s29] =	ssyncadd.s32 $0xFFFFFF80  }
0x85: {  	[tilespmem:s26], [sflag:$0x1] =	stream.indirect.gather [hbm4b:s5+s23], $0x80, s4, s23, $0xb8;
	[tilespmem:$0x1C200] =	vst v63  }
0x86: {  	_ =	swait.ge [sflag:s9], $0x80  }
0x87: {  	[sflag:s9] =	ssyncset.done $0x0  }
0x88: {  	[sflag:s9] =	ssyncadd.s32 $0xFFFFFF80  }
0x89: {  	[spmem:s3] =	stream.indirect.scatter.add.f32 [tilespmem:s0], [sflag:$0x7], $0x80, s25, s23, $0xb8;
	[tilespmem:$0x1C200] =	vst v63  }
0x8a: {  	_ =	swait.ge [sflag:s30], $0x4000  }
0x8b: {  	[sflag:s30] =	ssyncset.done $0x0  }
0x8c: {  	s14 =	sadd.s32 s8, s19;
	[sflag:s30] =	ssyncadd.s32 $0xFFFFC000  }
0x8d: {  	[tilespmem:s4], [sflag:$0x2] =	stream.linear.gather [hbm4b:s14+s4], $0x80, $0x38;
	[tilespmem:$0x1C200] =	vst v63  }
0x8e: {  	_ =	swait.ge [sflag:s11], $0x4000  }
0x8f: {  	[sflag:s11] =	ssyncset.done $0x0  }
0x90: {  	s8 =	sadd.s32 s8, s21;
	[sflag:s11] =	ssyncadd.s32 $0xFFFFC000  }
0x91: {  	[tilespmem:s25], [sflag:$0x5] =	stream.linear.gather [hbm4b:s8+s4], $0x80, $0x38;
	[tilespmem:$0x1C200] =	vst v63  }
0x92: {  	_ =	swait.ge [sflag:s31], $0x80  }
0x93: {  	[sflag:s31] =	ssyncset.done $0x0  }
.Ltmp1:
0x94: {  	[sflag:s31] =	ssyncadd.s32 $0xFFFFFF80;
	(pc) =	sbr.rel @p0 .LBB2_4-.Ltmp1, $4  }
0x95: {  	[tilespmem:s0], [sflag:$0x1] =	stream.indirect.gather [hbm4b:s5+s23], $0x80, s23, s23, $0xb8;
	[tilespmem:$0x1C200] =	vst v63  }
0x96: {  	_ =	swait.ge [sflag:s2], $0x80  }
0x97: {  	[sflag:s2] =	ssyncset.done $0x0  }
0x98: {  	s13 =	sadd.s32 $0x100, s13;
	[sflag:s2] =	ssyncadd.s32 $0xFFFFFF80  }
0x99: {  	[spmem:s3] =	stream.indirect.scatter.add.f32 [tilespmem:s26], [sflag:$0x6], $0x80, s24, s23, $0xb8;
	[tilespmem:$0x1C200] =	vst v63  }
0x9a: {  	_ =	swait.ge [sflag:s30], $0x4000  }
0x9b: {  	[sflag:s30] =	ssyncset.done $0x0  }
0x9c: {  	[sflag:s30] =	ssyncadd.s32 $0xFFFFC000  }
0x9d: {  	_ =	swait.ge [sflag:s7], $0x4000  }
0x9e: {  	[sflag:s7] =	ssyncset.done $0x0  }
0x9f: {  	s8 =	rddreg [dreg:$0xa];
	[sflag:s7] =	ssyncadd.s32 $0xFFFFC000  }
0xa0: {  	[tilespmem:s24], [sflag:$0x4] =	stream.linear.gather [hbm4b:s8+s4], $0x80, $0x38;
	[tilespmem:$0x1C200] =	vst v63  }
0xa1: {  	_ =	swait.ge [sflag:s29], $0x80  }
0xa2: {  	[sflag:s29] =	ssyncset.done $0x0  }
0xa3: {  	[sflag:s29] =	ssyncadd.s32 $0xFFFFFF80  }
0xa4: {  	[tilespmem:s26], [sflag:$0x1] =	stream.indirect.gather [hbm4b:s5+s23], $0x80, s4, s23, $0xb8;
	[tilespmem:$0x1C200] =	vst v63  }
0xa5: {  	_ =	swait.ge [sflag:s9], $0x80  }
0xa6: {  	[sflag:s9] =	ssyncset.done $0x0  }
0xa7: {  	[sflag:s9] =	ssyncadd.s32 $0xFFFFFF80  }
0xa8: {  	[spmem:s3] =	stream.indirect.scatter.add.f32 [tilespmem:s0], [sflag:$0x7], $0x80, s25, s23, $0xb8;
	[tilespmem:$0x1C200] =	vst v63  }
0xa9: {  	_ =	swait.ge [sflag:s30], $0x4000  }
0xaa: {  	[sflag:s30] =	ssyncset.done $0x0  }
0xab: {  	[sflag:s30] =	ssyncadd.s32 $0xFFFFC000  }
0xac: {  	_ =	swait.ge [sflag:s11], $0x4000  }
0xad: {  	[sflag:s11] =	ssyncset.done $0x0  }
0xae: {  	[sflag:s11] =	ssyncadd.s32 $0xFFFFC000  }
0xaf: {  	_ =	swait.ge [sflag:s2], $0x80  }
0xb0: {  	[sflag:s2] =	ssyncset.done $0x0  }
0xb1: {  	[sflag:s2] =	ssyncadd.s32 $0xFFFFFF80  }
0xb2: {  	[spmem:s3] =	stream.indirect.scatter.add.f32 [tilespmem:s26], [sflag:$0x6], $0x80, s24, s23, $0xb8;
	[tilespmem:$0x1C200] =	vst v63  }
0xb3: {  	_ =	swait.ge [sflag:s7], $0x4000  }
0xb4: {  	[sflag:s7] =	ssyncset.done $0x0  }
0xb5: {  	s13 =	stileid.u32;
	[sflag:s7] =	ssyncadd.s32 $0xFFFFC000  }
0xb6: {  	s8 =	sshll.u32 s13, $0x6;
	[bflag:$0x0] =	sbarrier.arrive $0xFFFF  }
0xb7: {  	s12 =	sshrl.u32 s10, $0x3;
	s8 =	sor.u32 $0x1C08, s8;
	s13 =	rddreg [dreg:$0xb]  }
0xb8: {  	[hbm:s13], [sflag:s8] =	dma.local [spmem:s12], $0x2800  }
0xb9: {  	_ =	swait.ge [sflag:s28], $0x2800  }
0xba: {  	s6 =	sadd.s32 $0x1, s6;
	s14 =	rddreg [dreg:$0xc]  }
0xbb: {  	p0 =	sne.s32 s6, s14  }
.Ltmp2:
0xbc: {  	_ = 	snop;
	(pc) =	sbr.rel @p0 .LBB2_1-.Ltmp2, $3  }
0xbd: {  	_ =	sdelay $0x1  }
0xbe: {  	[sflag:s28] =	ssyncset.done $0x0  }
0xbf: {  	[sflag:s28] =	ssyncadd.s32 $0xFFFFD800  }
0xc0: {  	_ =	sfence.sel $0x180000  }
0xc1: {  	[bflag:$0x0] =	sbarrier.arrive $0xFFFF  }
0xc2: {  	_ =	strace $0x90000047  }
0xc3: {  	s0 =	stileid.u32;
	[bflag:$0x2] =	sbarrier.arrive $0xFFFF  }
0xc4: {  	p0 =	sne.s32 s0, $0x0;
	s0 =	rddreg [dreg:$0x4]  }
0xc5: {  	s0 =	sadd.s32 @!p0 $0x100000, s0  }
0xc6: {  	[sflag:s0] =	ssyncadd.tile.s32 @!p0 $0x1;
	_ =	shalt  }
.Lfunc_end2:
_tile_overlayer_lowered:
.L_overlay_start_2:
0xc7: {  	(tag) =	ssettag $0x2  }
0xc8: {  	s0 =	rddreg [dreg:$0x0];
	s2 =	stileid.u32  }
0xc9: {  	s1 =	rddreg [dreg:$0x1];
	p0 =	sne.s32 s2, $0x0  }
0xca: {  	s3 =	rddreg [dreg:$0x2];
	[bflag:$0x3] =	sbarrier.arrive $0xFFFF;
	s2 =	simm.s32 @!p0 $0x1C08  }
0xcb: {  	[timem:s3], [sflag:s2] =	dma.local @!p0 [hbm:s0], s1  }
0xcc: {  	s0 =	simm.s32 @!p0 $0x8  }
0xcd: {  	_ =	swait.ge @!p0 [sflag:s0], s1  }
0xce: {  	s1 =	ssub.s32 @!p0 $0x0, s1;
	[sflag:s0] =	ssyncset.done @!p0 $0x0  }
0xcf: {  	[sflag:s0] =	ssyncadd.s32 @!p0 s1  }
0xd0: {  	[bflag:$0x3] =	sbarrier.arrive $0xFFFF  }
0xd1: {  	_ =	shalt  }

</sc_bundles>
